<compile_context>
chip_gen: v7x
topology: tpu7x:2x2x1
jax: 0.10.2.dev20260603
libtpu: 0.0.44.dev20260713+nightly
codegen_flags: <defaults>
</compile_context>

<pallas_src>
import functools

import jax
import jax.numpy as jnp
from jax import lax
from jax.experimental import pallas as pl
from jax.experimental.pallas import tpu as pltpu
from jax.experimental.pallas import tpu_sc as plsc

_HEADS = 6
_TOPK = 32
_NEG = -1e30


def _proj_body(x_ref, w_ref, lnw_ref, lnb_ref, out_ref):
    xb = x_ref[0]
    mu = jnp.mean(xb, axis=1, keepdims=True)
    xc = xb - mu
    var = jnp.mean(xc * xc, axis=1, keepdims=True)
    xn = xc * lax.rsqrt(var + 1e-6) * lnw_ref[0] + lnb_ref[0]
    qkv = lax.dot_general(xn, w_ref[...], (((1,), (1,)), ((), ())),
                          preferred_element_type=jnp.float32)
    pad = out_ref.shape[2] - qkv.shape[1]
    out_ref[0] = jnp.concatenate(
        [qkv, jnp.zeros((qkv.shape[0], pad), jnp.float32)], axis=1)


def _proj(xT, w_all, ln_w, ln_b, tile=512):
    B, HW, C = xT.shape
    O = w_all.shape[0]
    OP = O + (-O) % 128
    return pl.pallas_call(
        _proj_body,
        grid=(B, HW // tile),
        in_specs=[
            pl.BlockSpec((1, tile, C), lambda b, i: (b, i, 0)),
            pl.BlockSpec((O, C), lambda b, i: (0, 0)),
            pl.BlockSpec((1, C), lambda b, i: (0, 0)),
            pl.BlockSpec((1, C), lambda b, i: (0, 0)),
        ],
        out_specs=pl.BlockSpec((1, tile, OP), lambda b, i: (b, i, 0)),
        out_shape=jax.ShapeDtypeStruct((B, HW, OP), jnp.float32),
    )(xT, w_all, ln_w[None], ln_b[None])


def _topk_body(aff_ref, sims_ref, idx_ref):
    _, R, HW = aff_ref.shape
    half = R // 2
    iota = lax.broadcasted_iota(jnp.int32, (half, HW), 1)
    cur = [aff_ref[0, 0:half, :], aff_ref[0, half:R, :]]
    sims = [[], []]
    idxs = [[], []]
    for _ in range(_TOPK):
        for j in range(2):
            m = jnp.max(cur[j], axis=1, keepdims=True)
            cand = jnp.where(cur[j] == m, iota, jnp.int32(HW))
            am = jnp.min(cand, axis=1, keepdims=True)
            sims[j].append(m)
            idxs[j].append(am)
            cur[j] = jnp.where(iota == am, -jnp.inf, cur[j])
    sims_ref[0] = jnp.concatenate(
        [jnp.concatenate(s, axis=1) for s in sims], axis=0)
    idx_ref[0] = jnp.concatenate(
        [jnp.concatenate(i, axis=1) for i in idxs], axis=0)


def _topk(aff, rows=128):
    B, K, HW = aff.shape
    return pl.pallas_call(
        _topk_body,
        grid=(B, K // rows),
        in_specs=[pl.BlockSpec((1, rows, HW), lambda b, i: (b, i, 0))],
        out_specs=[
            pl.BlockSpec((1, rows, _TOPK), lambda b, i: (b, i, 0)),
            pl.BlockSpec((1, rows, _TOPK), lambda b, i: (b, i, 0)),
        ],
        out_shape=[
            jax.ShapeDtypeStruct((B, K, _TOPK), jnp.float32),
            jax.ShapeDtypeStruct((B, K, _TOPK), jnp.int32),
        ],
    )(aff)


def _sc_gather(table, gidx, chunk=128):
    NROWS = gidx.shape[0]
    D = table.shape[1]
    info = plsc.get_sparse_core_info()
    NW = info.num_cores * info.num_subcores
    rows_w = NROWS // NW
    nch = rows_w // chunk
    nc = info.num_cores

    @functools.partial(
        pl.kernel,
        out_type=jax.ShapeDtypeStruct((NROWS, D), jnp.float32),
        mesh=plsc.VectorSubcoreMesh(core_axis_name="c", subcore_axis_name="s"),
        scratch_types=[
            pltpu.VMEM((chunk,), jnp.int32),
            pltpu.VMEM((chunk, D), jnp.float32),
            pltpu.SemaphoreType.DMA,
        ],
    )
    def _gather(table_hbm, idx_hbm, out_hbm, idx_v, rows_v, sem):
        c = lax.axis_index("c")
        s = lax.axis_index("s")
        base = (s * nc + c) * rows_w

        def body(j, carry):
            off = base + j * chunk
            pltpu.sync_copy(idx_hbm.at[pl.ds(off, chunk)], idx_v)
            pltpu.async_copy(table_hbm.at[idx_v], rows_v, sem).wait()
            pltpu.sync_copy(rows_v, out_hbm.at[pl.ds(off, chunk)])
            return carry

        lax.fori_loop(0, nch, body, 0)

    return _gather(table, gidx)


def _attn_body(g_ref, w_ref, src_ref, *, C):
    SP = g_ref.shape[0]
    hd = C // _HEADS
    scale = hd ** (-0.5)
    bi = lax.broadcasted_iota(jnp.int32, (C, C), 0) // hd
    bj = lax.broadcasted_iota(jnp.int32, (C, C), 1) // hd
    maskM = jnp.where(bi == bj, 0.0, _NEG).astype(jnp.float32)
    for p in range(SP):
        G = g_ref[p]
        w = w_ref[p]
        Q = G[:, 0:C]
        Km = G[:, C:2 * C]
        V = w * G[:, 2 * C:3 * C]
        Qr = jnp.concatenate([Q[:, h * hd:(h + 1) * hd] for h in range(_HEADS)], axis=0)
        Kr = jnp.concatenate([Km[:, h * hd:(h + 1) * hd] for h in range(_HEADS)], axis=0)
        Vr = jnp.concatenate([V[:, h * hd:(h + 1) * hd] for h in range(_HEADS)], axis=0)
        S = lax.dot_general(Qr, Kr, (((1,), (1,)), ((), ())),
                            preferred_element_type=jnp.float32)
        S = S * scale + maskM
        m = jnp.max(S, axis=1, keepdims=True)
        P = jnp.exp(S - m)
        P = P / jnp.sum(P, axis=1, keepdims=True)
        O = lax.dot_general(P, Vr, (((1,), (0,)), ((), ())),
                            preferred_element_type=jnp.float32)
        parts = [w * O[h * _TOPK:(h + 1) * _TOPK, :] for h in range(_HEADS)]
        src_ref[p] = jnp.concatenate(parts, axis=1).astype(jnp.bfloat16)


def _attn(g3, simsC, C, sp=8):
    BK, T, D3P = g3.shape
    return pl.pallas_call(
        functools.partial(_attn_body, C=C),
        grid=(BK // sp,),
        in_specs=[
            pl.BlockSpec((sp, T, D3P), lambda i: (i, 0, 0)),
            pl.BlockSpec((sp, T, 1), lambda i: (i, 0, 0)),
        ],
        out_specs=pl.BlockSpec((sp, T, C), lambda i: (i, 0, 0)),
        out_shape=jax.ShapeDtypeStruct((BK, T, C), jnp.bfloat16),
    )(g3, simsC)


def _scatter_mm_body(idx_ref, src_ref, qkv_ref, out_ref, *, nr, tile):
    p = pl.program_id(1)
    r = pl.program_id(2)
    rchunk = src_ref.shape[1]
    C = out_ref.shape[2]
    iota0 = lax.broadcasted_iota(jnp.int32, (tile, rchunk), 0) + p * tile
    oh = (iota0 == idx_ref[0]).astype(jnp.bfloat16)
    acc = lax.dot_general(oh, src_ref[0], (((1,), (0,)), ((), ())),
                          preferred_element_type=jnp.float32)

    @pl.when(r == 0)
    def _():
        out_ref[0] = acc

    @pl.when(r > 0)
    def _():
        out_ref[0] += acc

    @pl.when(r == nr - 1)
    def _():
        out_ref[0] += qkv_ref[0][:, 2 * C:3 * C]


def _scatter_mm(idx, src, qkv, tile=512, rchunk=2048):
    B, NRB, C = src.shape
    HW = qkv.shape[1]
    D3P = qkv.shape[2]
    nr = NRB // rchunk
    idx3 = idx.reshape(B * nr, 1, rchunk)
    return pl.pallas_call(
        functools.partial(_scatter_mm_body, nr=nr, tile=tile),
        grid=(B, HW // tile, nr),
        in_specs=[
            pl.BlockSpec((1, 1, rchunk), lambda b, p, r: (b * nr + r, 0, 0)),
            pl.BlockSpec((1, rchunk, C), lambda b, p, r: (b, r, 0)),
            pl.BlockSpec((1, tile, D3P), lambda b, p, r: (b, p, 0)),
        ],
        out_specs=pl.BlockSpec((1, tile, C), lambda b, p, r: (b, p, 0)),
        out_shape=jax.ShapeDtypeStruct((B, HW, C), jnp.float32),
    )(idx3, src, qkv)


def kernel(x, affinity_matrix, num_spixels, ln_w, ln_b, Wq, Wk, Wv):
    B, C, H, W = x.shape
    HW = H * W
    K = affinity_matrix.shape[1]

    xT = jnp.transpose(x.reshape(B, C, HW), (0, 2, 1))
    w_all = jnp.concatenate([Wq, Wk, Wv], axis=0)
    qkv = _proj(xT, w_all, ln_w, ln_b)
    D3P = qkv.shape[2]

    sims, idx = _topk(affinity_matrix)
    offs = (jnp.arange(B, dtype=jnp.int32) * HW)[:, None, None]
    gidx = (idx + offs).reshape(B * K * _TOPK)

    gath = _sc_gather(qkv.reshape(B * HW, D3P), gidx)
    src = _attn(gath.reshape(B * K, _TOPK, D3P),
                sims.reshape(B * K, _TOPK, 1), C)
    out = _scatter_mm(idx.reshape(B, K * _TOPK),
                      src.reshape(B, K * _TOPK, C), qkv)
    return jnp.transpose(out, (0, 2, 1)).reshape(B, C, H, W)

# --- scband reference (transcript-rebuilt; emitter-appended) ---
"""Pipeline reference for scband-spintra-att-module-v2-87505663688957 (READ-ONLY COPY).

The authoritative reference and input builder live on the scoring server;
editing this copy changes nothing except your own understanding.
"""

import jax, jax.numpy as jnp
import numpy as np

DIM = 192
QK_DIM = 192
HEADS = 6
TOPK = 32

def setup_inputs(seed: int = 0):
    key = jax.random.key(seed)
    ks = jax.random.split(key, 6)
    B, C, H, W = 4, DIM, 64, 64
    K = 1024
    x = jax.random.normal(ks[0], (B, C, H, W), dtype=jnp.float32)
    affinity_matrix = jax.random.uniform(ks[1], (B, K, H * W), dtype=jnp.float32)
    ln_w = jnp.ones((C,), dtype=jnp.float32)
    ln_b = jnp.zeros((C,), dtype=jnp.float32)
    Wq = jax.random.normal(ks[2], (QK_DIM, C), dtype=jnp.float32) * 0.02
    Wk = jax.random.normal(ks[3], (QK_DIM, C), dtype=jnp.float32) * 0.02
    Wv = jax.random.normal(ks[4], (DIM, C), dtype=jnp.float32) * 0.02
    return {"x": x, "affinity_matrix": affinity_matrix, "num_spixels": 1024,
            "ln_w": ln_w, "ln_b": ln_b, "Wq": Wq, "Wk": Wk, "Wv": Wv}

def _forward(x, affinity_matrix, ln_w, ln_b, Wq, Wk, Wv, num_spixels):
    B, C, H, W = x.shape
    HW = H * W
    K = affinity_matrix.shape[1]
    # LayerNorm2d: LN over channel dim
    xp = jnp.transpose(x, (0, 2, 3, 1))
    mu = jnp.mean(xp, axis=-1, keepdims=True)
    var = jnp.var(xp, axis=-1, keepdims=True)
    xn = (xp - mu) / jnp.sqrt(var + 1e-6) * ln_w + ln_b
    xn = jnp.transpose(xn, (0, 3, 1, 2))
    # 1x1 convs
    q = jnp.einsum('oc,bchw->bohw', Wq, xn).reshape(B, QK_DIM, HW)
    k = jnp.einsum('oc,bchw->bohw', Wk, xn).reshape(B, QK_DIM, HW)
    v = jnp.einsum('oc,bchw->bohw', Wv, xn).reshape(B, DIM, HW)
    # top-k pixels per superpixel
    sims, indices = jax.lax.top_k(affinity_matrix, TOPK)  # [B,K,TOPK]

    def gather(t):  # t: [B, D, HW] -> [B, K, D, TOPK]
        g = jax.vmap(lambda tb, ib: jnp.take(tb, ib, axis=1))(t, indices)  # [B, D, K, TOPK]
        return jnp.transpose(g, (0, 2, 1, 3))

    def split_heads(t, D):  # [B, K, D, TOPK] -> [B, K, h, TOPK, d]
        t = t.reshape(B, K, HEADS, D // HEADS, TOPK)
        return jnp.transpose(t, (0, 1, 2, 4, 3))

    head_dim = QK_DIM // HEADS
    scale = head_dim ** (-0.5)
    qs = split_heads(gather(q), QK_DIM)
    ks_ = split_heads(gather(k), QK_DIM)
    vs = split_heads(gather(v), DIM)
    attn = jnp.einsum('bkhtc,bkhsc->bkhts', qs, ks_) * scale
    attn = jax.nn.softmax(attn, axis=-1)
    weight = jnp.broadcast_to(sims[:, :, None, :, None], vs.shape)
    vsw = weight * vs
    out = jnp.einsum('bkhts,bkhsc->bkhtc', attn, vsw)
    # rearrange b k h t c -> b (h c) (k t)
    out2 = jnp.transpose(out, (0, 2, 4, 1, 3)).reshape(B, DIM, K * TOPK)
    w2 = jnp.transpose(weight, (0, 2, 4, 1, 3)).reshape(B, DIM, K * TOPK)
    idx_flat = indices.reshape(B, K * TOPK)
    src = w2 * out2
    # weighted_scatter_mean: scatter_add(v, -1, idx, weight*out)
    out3 = jax.vmap(lambda tb, ib, sb: tb.at[:, ib].add(sb))(v, idx_flat, src)
    out3 = out3 + jnp.zeros((), dtype=out3.dtype) * jnp.asarray(num_spixels, dtype=out3.dtype)
    return out3.reshape(B, C, H, W)

def reference(x, affinity_matrix, num_spixels, ln_w, ln_b, Wq, Wk, Wv):
    return _forward(x, affinity_matrix, ln_w, ln_b, Wq, Wk, Wv, num_spixels)

if __name__ == "__main__":
    import jax
    _d = setup_inputs()
    print(jax.jit(kernel)(*tuple(_d.values())))

</pallas_src>

<mosaic_0001>
#map = affine_map<(d0, d1) -> (0, 0)>
#map1 = affine_map<(d0, d1) -> (0)>
module attributes {stable_mosaic.version = 14 : i64} {
  func.func @_gather(%arg0: i32, %arg1: i32, %arg2: memref<16384x640xf32, #tpu.memory_space<hbm>>, %arg3: memref<131072xi32, #tpu.memory_space<hbm>>, %arg4: memref<131072x640xf32, #tpu.memory_space<hbm>>, %arg5: memref<128xi32, #tpu.memory_space<vmem>>, %arg6: memref<128x640xf32, #tpu.memory_space<vmem>>, %arg7: memref<!tpu.dma_semaphore, #tpu.memory_space<semaphore_mem>>) attributes {dimension_semantics = [#tpu.dimension_semantics<core_parallel>, #tpu.dimension_semantics<subcore_parallel>], iteration_bounds = array<i64: 2, 16>, scalar_prefetch = 0 : i64, scratch_operands = 3 : i64, tpu.core_type = #tpu.core_type<sc_vector_subcore>, window_params = [{transform_indices = #map}, {transform_indices = #map1}, {transform_indices = #map}]} {
    %mul3A = arith.constant 2 : i32
    %mul3A_0 = arith.muli %arg1, %mul3A : i32
    %add3A = arith.addi %mul3A_0, %arg0 : i32
    %mul3A_1 = arith.constant 4096 : i32
    %mul3A_2 = arith.muli %add3A, %mul3A_1 : i32
    %scan3A = arith.constant 0 : i32
    %scan3A_3 = arith.constant 0 : i32
    %scan3A_4 = arith.constant 32 : i32
    %scan3A_5 = arith.addi %scan3A_3, %scan3A_4 : i32
    %scan3A_6 = arith.constant 1 : i32
    scf.for %scan3A_8 = %scan3A_3 to %scan3A_5 step %scan3A_6  : i32 {
      %mul3A_9 = arith.constant 128 : i32
      %mul3A_10 = arith.muli %scan3A_8, %mul3A_9 : i32
      %add3A_11 = arith.addi %mul3A_2, %mul3A_10 : i32
      "tpu.region"() ({
        %run_scoped3A = tpu.sem_alloc : memref<!tpu.dma_semaphore, #tpu.memory_space<semaphore_mem>>
        %dma_start3A_16 = tpu.memref_slice %arg3[%add3A_11] : memref<131072xi32, #tpu.memory_space<hbm>> -> memref<128xi32, #tpu.memory_space<hbm>>
        %dma_start3A_17 = tpu.memref_slice %arg3[%add3A_11] : memref<131072xi32, #tpu.memory_space<hbm>> -> memref<128xi32, #tpu.memory_space<hbm>>
        tpu.enqueue_dma source(%dma_start3A_17 : memref<128xi32, #tpu.memory_space<hbm>>) target(%arg5 : memref<128xi32, #tpu.memory_space<vmem>>) target_semaphore(%run_scoped3A : memref<!tpu.dma_semaphore, #tpu.memory_space<semaphore_mem>>)
        %dma_wait3A_18 = tpu.memref_slice %arg3[%add3A_11] : memref<131072xi32, #tpu.memory_space<hbm>> -> memref<128xi32, #tpu.memory_space<hbm>>
        %dma_wait3A_19 = tpu.memref_slice %arg3[%add3A_11] : memref<131072xi32, #tpu.memory_space<hbm>> -> memref<128xi32, #tpu.memory_space<hbm>>
        tpu.wait_dma2 semaphore(%run_scoped3A : memref<!tpu.dma_semaphore, #tpu.memory_space<semaphore_mem>>) src(%dma_wait3A_19 : memref<128xi32, #tpu.memory_space<hbm>>) dst(%arg5 : memref<128xi32, #tpu.memory_space<vmem>>)
        tpu.yield
      }) : () -> ()
      %dma_start3A = arith.constant 0 : i32
      %dma_start3A_12 = arith.constant 0 : i32
      %dma_start3A_13 = tpu.memref_slice %arg2[%dma_start3A, %dma_start3A_12] : memref<16384x640xf32, #tpu.memory_space<hbm>> -> memref<16384x640xf32, #tpu.memory_space<hbm>>
      tpu.enqueue_indirect_dma source(%dma_start3A_13 : memref<16384x640xf32, #tpu.memory_space<hbm>>) target(%arg6 : memref<128x640xf32, #tpu.memory_space<vmem>>) offsets(%arg5 : memref<128xi32, #tpu.memory_space<vmem>>) semaphore(%arg7 : memref<!tpu.dma_semaphore, #tpu.memory_space<semaphore_mem>>)
      %dma_wait3A = arith.constant 0 : i32
      %dma_wait3A_14 = arith.constant 0 : i32
      %dma_wait3A_15 = tpu.memref_slice %arg2[%dma_wait3A, %dma_wait3A_14] : memref<16384x640xf32, #tpu.memory_space<hbm>> -> memref<16384x640xf32, #tpu.memory_space<hbm>>
      tpu.wait_indirect_dma semaphore(%arg7 : memref<!tpu.dma_semaphore, #tpu.memory_space<semaphore_mem>>) src(%dma_wait3A_15 : memref<16384x640xf32, #tpu.memory_space<hbm>>) dst(%arg6 : memref<128x640xf32, #tpu.memory_space<vmem>>)
      "tpu.region"() ({
        %run_scoped3A = tpu.sem_alloc : memref<!tpu.dma_semaphore, #tpu.memory_space<semaphore_mem>>
        %dma_start3A_16 = arith.constant 0 : i32
        %dma_start3A_17 = tpu.memref_slice %arg4[%add3A_11, %dma_start3A_16] : memref<131072x640xf32, #tpu.memory_space<hbm>> -> memref<128x640xf32, #tpu.memory_space<hbm>>
        %dma_start3A_18 = arith.constant 0 : i32
        %dma_start3A_19 = tpu.memref_slice %arg4[%add3A_11, %dma_start3A_18] : memref<131072x640xf32, #tpu.memory_space<hbm>> -> memref<128x640xf32, #tpu.memory_space<hbm>>
        tpu.enqueue_dma source(%arg6 : memref<128x640xf32, #tpu.memory_space<vmem>>) target(%dma_start3A_19 : memref<128x640xf32, #tpu.memory_space<hbm>>) target_semaphore(%run_scoped3A : memref<!tpu.dma_semaphore, #tpu.memory_space<semaphore_mem>>)
        %dma_wait3A_20 = arith.constant 0 : i32
        %dma_wait3A_21 = tpu.memref_slice %arg4[%add3A_11, %dma_wait3A_20] : memref<131072x640xf32, #tpu.memory_space<hbm>> -> memref<128x640xf32, #tpu.memory_space<hbm>>
        %dma_wait3A_22 = arith.constant 0 : i32
        %dma_wait3A_23 = tpu.memref_slice %arg4[%add3A_11, %dma_wait3A_22] : memref<131072x640xf32, #tpu.memory_space<hbm>> -> memref<128x640xf32, #tpu.memory_space<hbm>>
        tpu.wait_dma2 semaphore(%run_scoped3A : memref<!tpu.dma_semaphore, #tpu.memory_space<semaphore_mem>>) src(%arg6 : memref<128x640xf32, #tpu.memory_space<vmem>>) dst(%dma_wait3A_23 : memref<128x640xf32, #tpu.memory_space<hbm>>)
        tpu.yield
      }) : () -> ()
    }
    %scan3A_7 = arith.constant 32 : i32
    return
  }
}

module attributes {stable_mosaic.version = 14 : i64} {
  func.func @_topk_body(%arg0: i32, %arg1: i32, %arg2: memref<1x128x4096xf32, #tpu.memory_space<vmem>>, %arg3: memref<1x128x32xf32, #tpu.memory_space<vmem>>, %arg4: memref<1x128x32xi32, #tpu.memory_space<vmem>>) attributes {dimension_semantics = [#tpu.dimension_semantics<arbitrary>, #tpu.dimension_semantics<arbitrary>], iteration_bounds = array<i64: 4, 8>, scalar_prefetch = 0 : i64, scratch_operands = 0 : i64, tpu.core_type = #tpu.core_type<tc>, window_params = [{transform_indices = @transform_0, window_bounds = array<i64: 1, 128, 4096>}, {transform_indices = @transform_1, window_bounds = array<i64: 1, 128, 32>}, {transform_indices = @transform_2, window_bounds = array<i64: 1, 128, 32>}]} {
    %iota3A = tpu.iota {dimensions = array<i32: 1>} : vector<64x4096xi32>
    %get3A = arith.constant 0 : index
    %get3A_0 = arith.constant 0 : index
    %get3A_1 = arith.constant 0 : index
    %get3A_2 = vector.load %arg2[%get3A, %get3A_0, %get3A_1] : memref<1x128x4096xf32, #tpu.memory_space<vmem>>, vector<1x64x4096xf32>
    %get3A_3 = vector.shape_cast %get3A_2 : vector<1x64x4096xf32> to vector<64x4096xf32>
    %get3A_4 = arith.constant 0 : index
    %get3A_5 = arith.constant 64 : index
    %get3A_6 = arith.constant 0 : index
    %get3A_7 = vector.load %arg2[%get3A_4, %get3A_5, %get3A_6] : memref<1x128x4096xf32, #tpu.memory_space<vmem>>, vector<1x64x4096xf32>
    %get3A_8 = vector.shape_cast %get3A_7 : vector<1x64x4096xf32> to vector<64x4096xf32>
    %reduce_max3A = arith.constant dense<0xFF800000> : vector<64xf32>
    %reduce_max3A_9 = vector.multi_reduction <maximumf>, %get3A_3, %reduce_max3A [1] : vector<64x4096xf32> to vector<64xf32>
    %broadcast_in_dim3A = vector.shape_cast %reduce_max3A_9 : vector<64xf32> to vector<64x1xf32>
    %eq3A = vector.broadcast %broadcast_in_dim3A : vector<64x1xf32> to vector<64x4096xf32>
    %eq3A_10 = arith.cmpf oeq, %get3A_3, %eq3A : vector<64x4096xf32>
    %jit3A = arith.constant 4096 : i32
    %broadcast_in_dim3A_11 = vector.broadcast %jit3A : i32 to vector<64x4096xi32>
    %select_n3A = arith.select %eq3A_10, %iota3A, %broadcast_in_dim3A_11 : vector<64x4096xi1>, vector<64x4096xi32>
    %reduce_min3A = arith.constant dense<2147483647> : vector<64xi32>
    %reduce_min3A_12 = vector.multi_reduction <minsi>, %select_n3A, %reduce_min3A [1] : vector<64x4096xi32> to vector<64xi32>
    %broadcast_in_dim3A_13 = vector.shape_cast %reduce_min3A_12 : vector<64xi32> to vector<64x1xi32>
    %eq3A_14 = vector.broadcast %broadcast_in_dim3A_13 : vector<64x1xi32> to vector<64x4096xi32>
    %eq3A_15 = arith.cmpi eq, %iota3A, %eq3A_14 : vector<64x4096xi32>
    %jit3A_16 = arith.constant 0xFF800000 : f32
    %broadcast_in_dim3A_17 = vector.broadcast %jit3A_16 : f32 to vector<64x4096xf32>
    %select_n3A_18 = arith.select %eq3A_15, %broadcast_in_dim3A_17, %get3A_3 : vector<64x4096xi1>, vector<64x4096xf32>
    %reduce_max3A_19 = arith.constant dense<0xFF800000> : vector<64xf32>
    %reduce_max3A_20 = vector.multi_reduction <maximumf>, %get3A_8, %reduce_max3A_19 [1] : vector<64x4096xf32> to vector<64xf32>
    %broadcast_in_dim3A_21 = vector.shape_cast %reduce_max3A_20 : vector<64xf32> to vector<64x1xf32>
    %eq3A_22 = vector.broadcast %broadcast_in_dim3A_21 : vector<64x1xf32> to vector<64x4096xf32>
    %eq3A_23 = arith.cmpf oeq, %get3A_8, %eq3A_22 : vector<64x4096xf32>
    %jit3A_24 = arith.constant 4096 : i32
    %broadcast_in_dim3A_25 = vector.broadcast %jit3A_24 : i32 to vector<64x4096xi32>
    %select_n3A_26 = arith.select %eq3A_23, %iota3A, %broadcast_in_dim3A_25 : vector<64x4096xi1>, vector<64x4096xi32>
    %reduce_min3A_27 = arith.constant dense<2147483647> : vector<64xi32>
    %reduce_min3A_28 = vector.multi_reduction <minsi>, %select_n3A_26, %reduce_min3A_27 [1] : vector<64x4096xi32> to vector<64xi32>
    %broadcast_in_dim3A_29 = vector.shape_cast %reduce_min3A_28 : vector<64xi32> to vector<64x1xi32>
    %eq3A_30 = vector.broadcast %broadcast_in_dim3A_29 : vector<64x1xi32> to vector<64x4096xi32>
    %eq3A_31 = arith.cmpi eq, %iota3A, %eq3A_30 : vector<64x4096xi32>
    %jit3A_32 = arith.constant 0xFF800000 : f32
    %broadcast_in_dim3A_33 = vector.broadcast %jit3A_32 : f32 to vector<64x4096xf32>
    %select_n3A_34 = arith.select %eq3A_31, %broadcast_in_dim3A_33, %get3A_8 : vector<64x4096xi1>, vector<64x4096xf32>
    %reduce_max3A_35 = arith.constant dense<0xFF800000> : vector<64xf32>
    %reduce_max3A_36 = vector.multi_reduction <maximumf>, %select_n3A_18, %reduce_max3A_35 [1] : vector<64x4096xf32> to vector<64xf32>
    %broadcast_in_dim3A_37 = vector.shape_cast %reduce_max3A_36 : vector<64xf32> to vector<64x1xf32>
    %eq3A_38 = vector.broadcast %broadcast_in_dim3A_37 : vector<64x1xf32> to vector<64x4096xf32>
    %eq3A_39 = arith.cmpf oeq, %select_n3A_18, %eq3A_38 : vector<64x4096xf32>
    %jit3A_40 = arith.constant 4096 : i32
    %broadcast_in_dim3A_41 = vector.broadcast %jit3A_40 : i32 to vector<64x4096xi32>
    %select_n3A_42 = arith.select %eq3A_39, %iota3A, %broadcast_in_dim3A_41 : vector<64x4096xi1>, vector<64x4096xi32>
    %reduce_min3A_43 = arith.constant dense<2147483647> : vector<64xi32>
    %reduce_min3A_44 = vector.multi_reduction <minsi>, %select_n3A_42, %reduce_min3A_43 [1] : vector<64x4096xi32> to vector<64xi32>
    %broadcast_in_dim3A_45 = vector.shape_cast %reduce_min3A_44 : vector<64xi32> to vector<64x1xi32>
    %eq3A_46 = vector.broadcast %broadcast_in_dim3A_45 : vector<64x1xi32> to vector<64x4096xi32>
    %eq3A_47 = arith.cmpi eq, %iota3A, %eq3A_46 : vector<64x4096xi32>
    %jit3A_48 = arith.constant 0xFF800000 : f32
    %broadcast_in_dim3A_49 = vector.broadcast %jit3A_48 : f32 to vector<64x4096xf32>
    %select_n3A_50 = arith.select %eq3A_47, %broadcast_in_dim3A_49, %select_n3A_18 : vector<64x4096xi1>, vector<64x4096xf32>
    %reduce_max3A_51 = arith.constant dense<0xFF800000> : vector<64xf32>
    %reduce_max3A_52 = vector.multi_reduction <maximumf>, %select_n3A_34, %reduce_max3A_51 [1] : vector<64x4096xf32> to vector<64xf32>
    %broadcast_in_dim3A_53 = vector.shape_cast %reduce_max3A_52 : vector<64xf32> to vector<64x1xf32>
    %eq3A_54 = vector.broadcast %broadcast_in_dim3A_53 : vector<64x1xf32> to vector<64x4096xf32>
    %eq3A_55 = arith.cmpf oeq, %select_n3A_34, %eq3A_54 : vector<64x4096xf32>
    %jit3A_56 = arith.constant 4096 : i32
    %broadcast_in_dim3A_57 = vector.broadcast %jit3A_56 : i32 to vector<64x4096xi32>
    %select_n3A_58 = arith.select %eq3A_55, %iota3A, %broadcast_in_dim3A_57 : vector<64x4096xi1>, vector<64x4096xi32>
    %reduce_min3A_59 = arith.constant dense<2147483647> : vector<64xi32>
    %reduce_min3A_60 = vector.multi_reduction <minsi>, %select_n3A_58, %reduce_min3A_59 [1] : vector<64x4096xi32> to vector<64xi32>
    %broadcast_in_dim3A_61 = vector.shape_cast %reduce_min3A_60 : vector<64xi32> to vector<64x1xi32>
    %eq3A_62 = vector.broadcast %broadcast_in_dim3A_61 : vector<64x1xi32> to vector<64x4096xi32>
    %eq3A_63 = arith.cmpi eq, %iota3A, %eq3A_62 : vector<64x4096xi32>
    %jit3A_64 = arith.constant 0xFF800000 : f32
    %broadcast_in_dim3A_65 = vector.broadcast %jit3A_64 : f32 to vector<64x4096xf32>
    %select_n3A_66 = arith.select %eq3A_63, %broadcast_in_dim3A_65, %select_n3A_34 : vector<64x4096xi1>, vector<64x4096xf32>
    %reduce_max3A_67 = arith.constant dense<0xFF800000> : vector<64xf32>
    %reduce_max3A_68 = vector.multi_reduction <maximumf>, %select_n3A_50, %reduce_max3A_67 [1] : vector<64x4096xf32> to vector<64xf32>
    %broadcast_in_dim3A_69 = vector.shape_cast %reduce_max3A_68 : vector<64xf32> to vector<64x1xf32>
    %eq3A_70 = vector.broadcast %broadcast_in_dim3A_69 : vector<64x1xf32> to vector<64x4096xf32>
    %eq3A_71 = arith.cmpf oeq, %select_n3A_50, %eq3A_70 : vector<64x4096xf32>
    %jit3A_72 = arith.constant 4096 : i32
    %broadcast_in_dim3A_73 = vector.broadcast %jit3A_72 : i32 to vector<64x4096xi32>
    %select_n3A_74 = arith.select %eq3A_71, %iota3A, %broadcast_in_dim3A_73 : vector<64x4096xi1>, vector<64x4096xi32>
    %reduce_min3A_75 = arith.constant dense<2147483647> : vector<64xi32>
    %reduce_min3A_76 = vector.multi_reduction <minsi>, %select_n3A_74, %reduce_min3A_75 [1] : vector<64x4096xi32> to vector<64xi32>
    %broadcast_in_dim3A_77 = vector.shape_cast %reduce_min3A_76 : vector<64xi32> to vector<64x1xi32>
    %eq3A_78 = vector.broadcast %broadcast_in_dim3A_77 : vector<64x1xi32> to vector<64x4096xi32>
    %eq3A_79 = arith.cmpi eq, %iota3A, %eq3A_78 : vector<64x4096xi32>
    %jit3A_80 = arith.constant 0xFF800000 : f32
    %broadcast_in_dim3A_81 = vector.broadcast %jit3A_80 : f32 to vector<64x4096xf32>
    %select_n3A_82 = arith.select %eq3A_79, %broadcast_in_dim3A_81, %select_n3A_50 : vector<64x4096xi1>, vector<64x4096xf32>
    %reduce_max3A_83 = arith.constant dense<0xFF800000> : vector<64xf32>
    %reduce_max3A_84 = vector.multi_reduction <maximumf>, %select_n3A_66, %reduce_max3A_83 [1] : vector<64x4096xf32> to vector<64xf32>
    %broadcast_in_dim3A_85 = vector.shape_cast %reduce_max3A_84 : vector<64xf32> to vector<64x1xf32>
    %eq3A_86 = vector.broadcast %broadcast_in_dim3A_85 : vector<64x1xf32> to vector<64x4096xf32>
    %eq3A_87 = arith.cmpf oeq, %select_n3A_66, %eq3A_86 : vector<64x4096xf32>
    %jit3A_88 = arith.constant 4096 : i32
    %broadcast_in_dim3A_89 = vector.broadcast %jit3A_88 : i32 to vector<64x4096xi32>
    %select_n3A_90 = arith.select %eq3A_87, %iota3A, %broadcast_in_dim3A_89 : vector<64x4096xi1>, vector<64x4096xi32>
    %reduce_min3A_91 = arith.constant dense<2147483647> : vector<64xi32>
    %reduce_min3A_92 = vector.multi_reduction <minsi>, %select_n3A_90, %reduce_min3A_91 [1] : vector<64x4096xi32> to vector<64xi32>
    %broadcast_in_dim3A_93 = vector.shape_cast %reduce_min3A_92 : vector<64xi32> to vector<64x1xi32>
    %eq3A_94 = vector.broadcast %broadcast_in_dim3A_93 : vector<64x1xi32> to vector<64x4096xi32>
    %eq3A_95 = arith.cmpi eq, %iota3A, %eq3A_94 : vector<64x4096xi32>
    %jit3A_96 = arith.constant 0xFF800000 : f32
    %broadcast_in_dim3A_97 = vector.broadcast %jit3A_96 : f32 to vector<64x4096xf32>
    %select_n3A_98 = arith.select %eq3A_95, %broadcast_in_dim3A_97, %select_n3A_66 : vector<64x4096xi1>, vector<64x4096xf32>
    %reduce_max3A_99 = arith.constant dense<0xFF800000> : vector<64xf32>
    %reduce_max3A_100 = vector.multi_reduction <maximumf>, %select_n3A_82, %reduce_max3A_99 [1] : vector<64x4096xf32> to vector<64xf32>
    %broadcast_in_dim3A_101 = vector.shape_cast %reduce_max3A_100 : vector<64xf32> to vector<64x1xf32>
    %eq3A_102 = vector.broadcast %broadcast_in_dim3A_101 : vector<64x1xf32> to vector<64x4096xf32>
    %eq3A_103 = arith.cmpf oeq, %select_n3A_82, %eq3A_102 : vector<64x4096xf32>
    %jit3A_104 = arith.constant 4096 : i32
    %broadcast_in_dim3A_105 = vector.broadcast %jit3A_104 : i32 to vector<64x4096xi32>
    %select_n3A_106 = arith.select %eq3A_103, %iota3A, %broadcast_in_dim3A_105 : vector<64x4096xi1>, vector<64x4096xi32>
    %reduce_min3A_107 = arith.constant dense<2147483647> : vector<64xi32>
    %reduce_min3A_108 = vector.multi_reduction <minsi>, %select_n3A_106, %reduce_min3A_107 [1] : vector<64x4096xi32> to vector<64xi32>
    %broadcast_in_dim3A_109 = vector.shape_cast %reduce_min3A_108 : vector<64xi32> to vector<64x1xi32>
    %eq3A_110 = vector.broadcast %broadcast_in_dim3A_109 : vector<64x1xi32> to vector<64x4096xi32>
    %eq3A_111 = arith.cmpi eq, %iota3A, %eq3A_110 : vector<64x4096xi32>
    %jit3A_112 = arith.constant 0xFF800000 : f32
    %broadcast_in_dim3A_113 = vector.broadcast %jit3A_112 : f32 to vector<64x4096xf32>
    %select_n3A_114 = arith.select %eq3A_111, %broadcast_in_dim3A_113, %select_n3A_82 : vector<64x4096xi1>, vector<64x4096xf32>
    %reduce_max3A_115 = arith.constant dense<0xFF800000> : vector<64xf32>
    %reduce_max3A_116 = vector.multi_reduction <maximumf>, %select_n3A_98, %reduce_max3A_115 [1] : vector<64x4096xf32> to vector<64xf32>
    %broadcast_in_dim3A_117 = vector.shape_cast %reduce_max3A_116 : vector<64xf32> to vector<64x1xf32>
    %eq3A_118 = vector.broadcast %broadcast_in_dim3A_117 : vector<64x1xf32> to vector<64x4096xf32>
    %eq3A_119 = arith.cmpf oeq, %select_n3A_98, %eq3A_118 : vector<64x4096xf32>
    %jit3A_120 = arith.constant 4096 : i32
    %broadcast_in_dim3A_121 = vector.broadcast %jit3A_120 : i32 to vector<64x4096xi32>
    %select_n3A_122 = arith.select %eq3A_119, %iota3A, %broadcast_in_dim3A_121 : vector<64x4096xi1>, vector<64x4096xi32>
    %reduce_min3A_123 = arith.constant dense<2147483647> : vector<64xi32>
    %reduce_min3A_124 = vector.multi_reduction <minsi>, %select_n3A_122, %reduce_min3A_123 [1] : vector<64x4096xi32> to vector<64xi32>
    %broadcast_in_dim3A_125 = vector.shape_cast %reduce_min3A_124 : vector<64xi32> to vector<64x1xi32>
    %eq3A_126 = vector.broadcast %broadcast_in_dim3A_125 : vector<64x1xi32> to vector<64x4096xi32>
    %eq3A_127 = arith.cmpi eq, %iota3A, %eq3A_126 : vector<64x4096xi32>
    %jit3A_128 = arith.constant 0xFF800000 : f32
    %broadcast_in_dim3A_129 = vector.broadcast %jit3A_128 : f32 to vector<64x4096xf32>
    %select_n3A_130 = arith.select %eq3A_127, %broadcast_in_dim3A_129, %select_n3A_98 : vector<64x4096xi1>, vector<64x4096xf32>
    %reduce_max3A_131 = arith.constant dense<0xFF800000> : vector<64xf32>
    %reduce_max3A_132 = vector.multi_reduction <maximumf>, %select_n3A_114, %reduce_max3A_131 [1] : vector<64x4096xf32> to vector<64xf32>
    %broadcast_in_dim3A_133 = vector.shape_cast %reduce_max3A_132 : vector<64xf32> to vector<64x1xf32>
    %eq3A_134 = vector.broadcast %broadcast_in_dim3A_133 : vector<64x1xf32> to vector<64x4096xf32>
    %eq3A_135 = arith.cmpf oeq, %select_n3A_114, %eq3A_134 : vector<64x4096xf32>
    %jit3A_136 = arith.constant 4096 : i32
    %broadcast_in_dim3A_137 = vector.broadcast %jit3A_136 : i32 to vector<64x4096xi32>
    %select_n3A_138 = arith.select %eq3A_135, %iota3A, %broadcast_in_dim3A_137 : vector<64x4096xi1>, vector<64x4096xi32>
    %reduce_min3A_139 = arith.constant dense<2147483647> : vector<64xi32>
    %reduce_min3A_140 = vector.multi_reduction <minsi>, %select_n3A_138, %reduce_min3A_139 [1] : vector<64x4096xi32> to vector<64xi32>
    %broadcast_in_dim3A_141 = vector.shape_cast %reduce_min3A_140 : vector<64xi32> to vector<64x1xi32>
    %eq3A_142 = vector.broadcast %broadcast_in_dim3A_141 : vector<64x1xi32> to vector<64x4096xi32>
    %eq3A_143 = arith.cmpi eq, %iota3A, %eq3A_142 : vector<64x4096xi32>
    %jit3A_144 = arith.constant 0xFF800000 : f32
    %broadcast_in_dim3A_145 = vector.broadcast %jit3A_144 : f32 to vector<64x4096xf32>
    %select_n3A_146 = arith.select %eq3A_143, %broadcast_in_dim3A_145, %select_n3A_114 : vector<64x4096xi1>, vector<64x4096xf32>
    %reduce_max3A_147 = arith.constant dense<0xFF800000> : vector<64xf32>
    %reduce_max3A_148 = vector.multi_reduction <maximumf>, %select_n3A_130, %reduce_max3A_147 [1] : vector<64x4096xf32> to vector<64xf32>
    %broadcast_in_dim3A_149 = vector.shape_cast %reduce_max3A_148 : vector<64xf32> to vector<64x1xf32>
    %eq3A_150 = vector.broadcast %broadcast_in_dim3A_149 : vector<64x1xf32> to vector<64x4096xf32>
    %eq3A_151 = arith.cmpf oeq, %select_n3A_130, %eq3A_150 : vector<64x4096xf32>
    %jit3A_152 = arith.constant 4096 : i32
    %broadcast_in_dim3A_153 = vector.broadcast %jit3A_152 : i32 to vector<64x4096xi32>
    %select_n3A_154 = arith.select %eq3A_151, %iota3A, %broadcast_in_dim3A_153 : vector<64x4096xi1>, vector<64x4096xi32>
    %reduce_min3A_155 = arith.constant dense<2147483647> : vector<64xi32>
    %reduce_min3A_156 = vector.multi_reduction <minsi>, %select_n3A_154, %reduce_min3A_155 [1] : vector<64x4096xi32> to vector<64xi32>
    %broadcast_in_dim3A_157 = vector.shape_cast %reduce_min3A_156 : vector<64xi32> to vector<64x1xi32>
    %eq3A_158 = vector.broadcast %broadcast_in_dim3A_157 : vector<64x1xi32> to vector<64x4096xi32>
    %eq3A_159 = arith.cmpi eq, %iota3A, %eq3A_158 : vector<64x4096xi32>
    %jit3A_160 = arith.constant 0xFF800000 : f32
    %broadcast_in_dim3A_161 = vector.broadcast %jit3A_160 : f32 to vector<64x4096xf32>
    %select_n3A_162 = arith.select %eq3A_159, %broadcast_in_dim3A_161, %select_n3A_130 : vector<64x4096xi1>, vector<64x4096xf32>
    %reduce_max3A_163 = arith.constant dense<0xFF800000> : vector<64xf32>
    %reduce_max3A_164 = vector.multi_reduction <maximumf>, %select_n3A_146, %reduce_max3A_163 [1] : vector<64x4096xf32> to vector<64xf32>
    %broadcast_in_dim3A_165 = vector.shape_cast %reduce_max3A_164 : vector<64xf32> to vector<64x1xf32>
    %eq3A_166 = vector.broadcast %broadcast_in_dim3A_165 : vector<64x1xf32> to vector<64x4096xf32>
    %eq3A_167 = arith.cmpf oeq, %select_n3A_146, %eq3A_166 : vector<64x4096xf32>
    %jit3A_168 = arith.constant 4096 : i32
    %broadcast_in_dim3A_169 = vector.broadcast %jit3A_168 : i32 to vector<64x4096xi32>
    %select_n3A_170 = arith.select %eq3A_167, %iota3A, %broadcast_in_dim3A_169 : vector<64x4096xi1>, vector<64x4096xi32>
    %reduce_min3A_171 = arith.constant dense<2147483647> : vector<64xi32>
    %reduce_min3A_172 = vector.multi_reduction <minsi>, %select_n3A_170, %reduce_min3A_171 [1] : vector<64x4096xi32> to vector<64xi32>
    %broadcast_in_dim3A_173 = vector.shape_cast %reduce_min3A_172 : vector<64xi32> to vector<64x1xi32>
    %eq3A_174 = vector.broadcast %broadcast_in_dim3A_173 : vector<64x1xi32> to vector<64x4096xi32>
    %eq3A_175 = arith.cmpi eq, %iota3A, %eq3A_174 : vector<64x4096xi32>
    %jit3A_176 = arith.constant 0xFF800000 : f32
    %broadcast_in_dim3A_177 = vector.broadcast %jit3A_176 : f32 to vector<64x4096xf32>
    %select_n3A_178 = arith.select %eq3A_175, %broadcast_in_dim3A_177, %select_n3A_146 : vector<64x4096xi1>, vector<64x4096xf32>
    %reduce_max3A_179 = arith.constant dense<0xFF800000> : vector<64xf32>
    %reduce_max3A_180 = vector.multi_reduction <maximumf>, %select_n3A_162, %reduce_max3A_179 [1] : vector<64x4096xf32> to vector<64xf32>
    %broadcast_in_dim3A_181 = vector.shape_cast %reduce_max3A_180 : vector<64xf32> to vector<64x1xf32>
    %eq3A_182 = vector.broadcast %broadcast_in_dim3A_181 : vector<64x1xf32> to vector<64x4096xf32>
    %eq3A_183 = arith.cmpf oeq, %select_n3A_162, %eq3A_182 : vector<64x4096xf32>
    %jit3A_184 = arith.constant 4096 : i32
    %broadcast_in_dim3A_185 = vector.broadcast %jit3A_184 : i32 to vector<64x4096xi32>
    %select_n3A_186 = arith.select %eq3A_183, %iota3A, %broadcast_in_dim3A_185 : vector<64x4096xi1>, vector<64x4096xi32>
    %reduce_min3A_187 = arith.constant dense<2147483647> : vector<64xi32>
    %reduce_min3A_188 = vector.multi_reduction <minsi>, %select_n3A_186, %reduce_min3A_187 [1] : vector<64x4096xi32> to vector<64xi32>
    %broadcast_in_dim3A_189 = vector.shape_cast %reduce_min3A_188 : vector<64xi32> to vector<64x1xi32>
    %eq3A_190 = vector.broadcast %broadcast_in_dim3A_189 : vector<64x1xi32> to vector<64x4096xi32>
    %eq3A_191 = arith.cmpi eq, %iota3A, %eq3A_190 : vector<64x4096xi32>
    %jit3A_192 = arith.constant 0xFF800000 : f32
    %broadcast_in_dim3A_193 = vector.broadcast %jit3A_192 : f32 to vector<64x4096xf32>
    %select_n3A_194 = arith.select %eq3A_191, %broadcast_in_dim3A_193, %select_n3A_162 : vector<64x4096xi1>, vector<64x4096xf32>
    %reduce_max3A_195 = arith.constant dense<0xFF800000> : vector<64xf32>
    %reduce_max3A_196 = vector.multi_reduction <maximumf>, %select_n3A_178, %reduce_max3A_195 [1] : vector<64x4096xf32> to vector<64xf32>
    %broadcast_in_dim3A_197 = vector.shape_cast %reduce_max3A_196 : vector<64xf32> to vector<64x1xf32>
    %eq3A_198 = vector.broadcast %broadcast_in_dim3A_197 : vector<64x1xf32> to vector<64x4096xf32>
    %eq3A_199 = arith.cmpf oeq, %select_n3A_178, %eq3A_198 : vector<64x4096xf32>
    %jit3A_200 = arith.constant 4096 : i32
    %broadcast_in_dim3A_201 = vector.broadcast %jit3A_200 : i32 to vector<64x4096xi32>
    %select_n3A_202 = arith.select %eq3A_199, %iota3A, %broadcast_in_dim3A_201 : vector<64x4096xi1>, vector<64x4096xi32>
    %reduce_min3A_203 = arith.constant dense<2147483647> : vector<64xi32>
    %reduce_min3A_204 = vector.multi_reduction <minsi>, %select_n3A_202, %reduce_min3A_203 [1] : vector<64x4096xi32> to vector<64xi32>
    %broadcast_in_dim3A_205 = vector.shape_cast %reduce_min3A_204 : vector<64xi32> to vector<64x1xi32>
    %eq3A_206 = vector.broadcast %broadcast_in_dim3A_205 : vector<64x1xi32> to vector<64x4096xi32>
    %eq3A_207 = arith.cmpi eq, %iota3A, %eq3A_206 : vector<64x4096xi32>
    %jit3A_208 = arith.constant 0xFF800000 : f32
    %broadcast_in_dim3A_209 = vector.broadcast %jit3A_208 : f32 to vector<64x4096xf32>
    %select_n3A_210 = arith.select %eq3A_207, %broadcast_in_dim3A_209, %select_n3A_178 : vector<64x4096xi1>, vector<64x4096xf32>
    %reduce_max3A_211 = arith.constant dense<0xFF800000> : vector<64xf32>
    %reduce_max3A_212 = vector.multi_reduction <maximumf>, %select_n3A_194, %reduce_max3A_211 [1] : vector<64x4096xf32> to vector<64xf32>
    %broadcast_in_dim3A_213 = vector.shape_cast %reduce_max3A_212 : vector<64xf32> to vector<64x1xf32>
    %eq3A_214 = vector.broadcast %broadcast_in_dim3A_213 : vector<64x1xf32> to vector<64x4096xf32>
    %eq3A_215 = arith.cmpf oeq, %select_n3A_194, %eq3A_214 : vector<64x4096xf32>
    %jit3A_216 = arith.constant 4096 : i32
    %broadcast_in_dim3A_217 = vector.broadcast %jit3A_216 : i32 to vector<64x4096xi32>
    %select_n3A_218 = arith.select %eq3A_215, %iota3A, %broadcast_in_dim3A_217 : vector<64x4096xi1>, vector<64x4096xi32>
    %reduce_min3A_219 = arith.constant dense<2147483647> : vector<64xi32>
    %reduce_min3A_220 = vector.multi_reduction <minsi>, %select_n3A_218, %reduce_min3A_219 [1] : vector<64x4096xi32> to vector<64xi32>
    %broadcast_in_dim3A_221 = vector.shape_cast %reduce_min3A_220 : vector<64xi32> to vector<64x1xi32>
    %eq3A_222 = vector.broadcast %broadcast_in_dim3A_221 : vector<64x1xi32> to vector<64x4096xi32>
    %eq3A_223 = arith.cmpi eq, %iota3A, %eq3A_222 : vector<64x4096xi32>
    %jit3A_224 = arith.constant 0xFF800000 : f32
    %broadcast_in_dim3A_225 = vector.broadcast %jit3A_224 : f32 to vector<64x4096xf32>
    %select_n3A_226 = arith.select %eq3A_223, %broadcast_in_dim3A_225, %select_n3A_194 : vector<64x4096xi1>, vector<64x4096xf32>
    %reduce_max3A_227 = arith.constant dense<0xFF800000> : vector<64xf32>
    %reduce_max3A_228 = vector.multi_reduction <maximumf>, %select_n3A_210, %reduce_max3A_227 [1] : vector<64x4096xf32> to vector<64xf32>
    %broadcast_in_dim3A_229 = vector.shape_cast %reduce_max3A_228 : vector<64xf32> to vector<64x1xf32>
    %eq3A_230 = vector.broadcast %broadcast_in_dim3A_229 : vector<64x1xf32> to vector<64x4096xf32>
    %eq3A_231 = arith.cmpf oeq, %select_n3A_210, %eq3A_230 : vector<64x4096xf32>
    %jit3A_232 = arith.constant 4096 : i32
    %broadcast_in_dim3A_233 = vector.broadcast %jit3A_232 : i32 to vector<64x4096xi32>
    %select_n3A_234 = arith.select %eq3A_231, %iota3A, %broadcast_in_dim3A_233 : vector<64x4096xi1>, vector<64x4096xi32>
    %reduce_min3A_235 = arith.constant dense<2147483647> : vector<64xi32>
    %reduce_min3A_236 = vector.multi_reduction <minsi>, %select_n3A_234, %reduce_min3A_235 [1] : vector<64x4096xi32> to vector<64xi32>
    %broadcast_in_dim3A_237 = vector.shape_cast %reduce_min3A_236 : vector<64xi32> to vector<64x1xi32>
    %eq3A_238 = vector.broadcast %broadcast_in_dim3A_237 : vector<64x1xi32> to vector<64x4096xi32>
    %eq3A_239 = arith.cmpi eq, %iota3A, %eq3A_238 : vector<64x4096xi32>
    %jit3A_240 = arith.constant 0xFF800000 : f32
    %broadcast_in_dim3A_241 = vector.broadcast %jit3A_240 : f32 to vector<64x4096xf32>
    %select_n3A_242 = arith.select %eq3A_239, %broadcast_in_dim3A_241, %select_n3A_210 : vector<64x4096xi1>, vector<64x4096xf32>
    %reduce_max3A_243 = arith.constant dense<0xFF800000> : vector<64xf32>
    %reduce_max3A_244 = vector.multi_reduction <maximumf>, %select_n3A_226, %reduce_max3A_243 [1] : vector<64x4096xf32> to vector<64xf32>
    %broadcast_in_dim3A_245 = vector.shape_cast %reduce_max3A_244 : vector<64xf32> to vector<64x1xf32>
    %eq3A_246 = vector.broadcast %broadcast_in_dim3A_245 : vector<64x1xf32> to vector<64x4096xf32>
    %eq3A_247 = arith.cmpf oeq, %select_n3A_226, %eq3A_246 : vector<64x4096xf32>
    %jit3A_248 = arith.constant 4096 : i32
    %broadcast_in_dim3A_249 = vector.broadcast %jit3A_248 : i32 to vector<64x4096xi32>
    %select_n3A_250 = arith.select %eq3A_247, %iota3A, %broadcast_in_dim3A_249 : vector<64x4096xi1>, vector<64x4096xi32>
    %reduce_min3A_251 = arith.constant dense<2147483647> : vector<64xi32>
    %reduce_min3A_252 = vector.multi_reduction <minsi>, %select_n3A_250, %reduce_min3A_251 [1] : vector<64x4096xi32> to vector<64xi32>
    %broadcast_in_dim3A_253 = vector.shape_cast %reduce_min3A_252 : vector<64xi32> to vector<64x1xi32>
    %eq3A_254 = vector.broadcast %broadcast_in_dim3A_253 : vector<64x1xi32> to vector<64x4096xi32>
    %eq3A_255 = arith.cmpi eq, %iota3A, %eq3A_254 : vector<64x4096xi32>
    %jit3A_256 = arith.constant 0xFF800000 : f32
    %broadcast_in_dim3A_257 = vector.broadcast %jit3A_256 : f32 to vector<64x4096xf32>
    %select_n3A_258 = arith.select %eq3A_255, %broadcast_in_dim3A_257, %select_n3A_226 : vector<64x4096xi1>, vector<64x4096xf32>
    %reduce_max3A_259 = arith.constant dense<0xFF800000> : vector<64xf32>
    %reduce_max3A_260 = vector.multi_reduction <maximumf>, %select_n3A_242, %reduce_max3A_259 [1] : vector<64x4096xf32> to vector<64xf32>
    %broadcast_in_dim3A_261 = vector.shape_cast %reduce_max3A_260 : vector<64xf32> to vector<64x1xf32>
    %eq3A_262 = vector.broadcast %broadcast_in_dim3A_261 : vector<64x1xf32> to vector<64x4096xf32>
    %eq3A_263 = arith.cmpf oeq, %select_n3A_242, %eq3A_262 : vector<64x4096xf32>
    %jit3A_264 = arith.constant 4096 : i32
    %broadcast_in_dim3A_265 = vector.broadcast %jit3A_264 : i32 to vector<64x4096xi32>
    %select_n3A_266 = arith.select %eq3A_263, %iota3A, %broadcast_in_dim3A_265 : vector<64x4096xi1>, vector<64x4096xi32>
    %reduce_min3A_267 = arith.constant dense<2147483647> : vector<64xi32>
    %reduce_min3A_268 = vector.multi_reduction <minsi>, %select_n3A_266, %reduce_min3A_267 [1] : vector<64x4096xi32> to vector<64xi32>
    %broadcast_in_dim3A_269 = vector.shape_cast %reduce_min3A_268 : vector<64xi32> to vector<64x1xi32>
    %eq3A_270 = vector.broadcast %broadcast_in_dim3A_269 : vector<64x1xi32> to vector<64x4096xi32>
    %eq3A_271 = arith.cmpi eq, %iota3A, %eq3A_270 : vector<64x4096xi32>
    %jit3A_272 = arith.constant 0xFF800000 : f32
    %broadcast_in_dim3A_273 = vector.broadcast %jit3A_272 : f32 to vector<64x4096xf32>
    %select_n3A_274 = arith.select %eq3A_271, %broadcast_in_dim3A_273, %select_n3A_242 : vector<64x4096xi1>, vector<64x4096xf32>
    %reduce_max3A_275 = arith.constant dense<0xFF800000> : vector<64xf32>
    %reduce_max3A_276 = vector.multi_reduction <maximumf>, %select_n3A_258, %reduce_max3A_275 [1] : vector<64x4096xf32> to vector<64xf32>
    %broadcast_in_dim3A_277 = vector.shape_cast %reduce_max3A_276 : vector<64xf32> to vector<64x1xf32>
    %eq3A_278 = vector.broadcast %broadcast_in_dim3A_277 : vector<64x1xf32> to vector<64x4096xf32>
    %eq3A_279 = arith.cmpf oeq, %select_n3A_258, %eq3A_278 : vector<64x4096xf32>
    %jit3A_280 = arith.constant 4096 : i32
    %broadcast_in_dim3A_281 = vector.broadcast %jit3A_280 : i32 to vector<64x4096xi32>
    %select_n3A_282 = arith.select %eq3A_279, %iota3A, %broadcast_in_dim3A_281 : vector<64x4096xi1>, vector<64x4096xi32>
    %reduce_min3A_283 = arith.constant dense<2147483647> : vector<64xi32>
    %reduce_min3A_284 = vector.multi_reduction <minsi>, %select_n3A_282, %reduce_min3A_283 [1] : vector<64x4096xi32> to vector<64xi32>
    %broadcast_in_dim3A_285 = vector.shape_cast %reduce_min3A_284 : vector<64xi32> to vector<64x1xi32>
    %eq3A_286 = vector.broadcast %broadcast_in_dim3A_285 : vector<64x1xi32> to vector<64x4096xi32>
    %eq3A_287 = arith.cmpi eq, %iota3A, %eq3A_286 : vector<64x4096xi32>
    %jit3A_288 = arith.constant 0xFF800000 : f32
    %broadcast_in_dim3A_289 = vector.broadcast %jit3A_288 : f32 to vector<64x4096xf32>
    %select_n3A_290 = arith.select %eq3A_287, %broadcast_in_dim3A_289, %select_n3A_258 : vector<64x4096xi1>, vector<64x4096xf32>
    %reduce_max3A_291 = arith.constant dense<0xFF800000> : vector<64xf32>
    %reduce_max3A_292 = vector.multi_reduction <maximumf>, %select_n3A_274, %reduce_max3A_291 [1] : vector<64x4096xf32> to vector<64xf32>
    %broadcast_in_dim3A_293 = vector.shape_cast %reduce_max3A_292 : vector<64xf32> to vector<64x1xf32>
    %eq3A_294 = vector.broadcast %broadcast_in_dim3A_293 : vector<64x1xf32> to vector<64x4096xf32>
    %eq3A_295 = arith.cmpf oeq, %select_n3A_274, %eq3A_294 : vector<64x4096xf32>
    %jit3A_296 = arith.constant 4096 : i32
    %broadcast_in_dim3A_297 = vector.broadcast %jit3A_296 : i32 to vector<64x4096xi32>
    %select_n3A_298 = arith.select %eq3A_295, %iota3A, %broadcast_in_dim3A_297 : vector<64x4096xi1>, vector<64x4096xi32>
    %reduce_min3A_299 = arith.constant dense<2147483647> : vector<64xi32>
    %reduce_min3A_300 = vector.multi_reduction <minsi>, %select_n3A_298, %reduce_min3A_299 [1] : vector<64x4096xi32> to vector<64xi32>
    %broadcast_in_dim3A_301 = vector.shape_cast %reduce_min3A_300 : vector<64xi32> to vector<64x1xi32>
    %eq3A_302 = vector.broadcast %broadcast_in_dim3A_301 : vector<64x1xi32> to vector<64x4096xi32>
    %eq3A_303 = arith.cmpi eq, %iota3A, %eq3A_302 : vector<64x4096xi32>
    %jit3A_304 = arith.constant 0xFF800000 : f32
    %broadcast_in_dim3A_305 = vector.broadcast %jit3A_304 : f32 to vector<64x4096xf32>
    %select_n3A_306 = arith.select %eq3A_303, %broadcast_in_dim3A_305, %select_n3A_274 : vector<64x4096xi1>, vector<64x4096xf32>
    %reduce_max3A_307 = arith.constant dense<0xFF800000> : vector<64xf32>
    %reduce_max3A_308 = vector.multi_reduction <maximumf>, %select_n3A_290, %reduce_max3A_307 [1] : vector<64x4096xf32> to vector<64xf32>
    %broadcast_in_dim3A_309 = vector.shape_cast %reduce_max3A_308 : vector<64xf32> to vector<64x1xf32>
    %eq3A_310 = vector.broadcast %broadcast_in_dim3A_309 : vector<64x1xf32> to vector<64x4096xf32>
    %eq3A_311 = arith.cmpf oeq, %select_n3A_290, %eq3A_310 : vector<64x4096xf32>
    %jit3A_312 = arith.constant 4096 : i32
    %broadcast_in_dim3A_313 = vector.broadcast %jit3A_312 : i32 to vector<64x4096xi32>
    %select_n3A_314 = arith.select %eq3A_311, %iota3A, %broadcast_in_dim3A_313 : vector<64x4096xi1>, vector<64x4096xi32>
    %reduce_min3A_315 = arith.constant dense<2147483647> : vector<64xi32>
    %reduce_min3A_316 = vector.multi_reduction <minsi>, %select_n3A_314, %reduce_min3A_315 [1] : vector<64x4096xi32> to vector<64xi32>
    %broadcast_in_dim3A_317 = vector.shape_cast %reduce_min3A_316 : vector<64xi32> to vector<64x1xi32>
    %eq3A_318 = vector.broadcast %broadcast_in_dim3A_317 : vector<64x1xi32> to vector<64x4096xi32>
    %eq3A_319 = arith.cmpi eq, %iota3A, %eq3A_318 : vector<64x4096xi32>
    %jit3A_320 = arith.constant 0xFF800000 : f32
    %broadcast_in_dim3A_321 = vector.broadcast %jit3A_320 : f32 to vector<64x4096xf32>
    %select_n3A_322 = arith.select %eq3A_319, %broadcast_in_dim3A_321, %select_n3A_290 : vector<64x4096xi1>, vector<64x4096xf32>
    %reduce_max3A_323 = arith.constant dense<0xFF800000> : vector<64xf32>
    %reduce_max3A_324 = vector.multi_reduction <maximumf>, %select_n3A_306, %reduce_max3A_323 [1] : vector<64x4096xf32> to vector<64xf32>
    %broadcast_in_dim3A_325 = vector.shape_cast %reduce_max3A_324 : vector<64xf32> to vector<64x1xf32>
    %eq3A_326 = vector.broadcast %broadcast_in_dim3A_325 : vector<64x1xf32> to vector<64x4096xf32>
    %eq3A_327 = arith.cmpf oeq, %select_n3A_306, %eq3A_326 : vector<64x4096xf32>
    %jit3A_328 = arith.constant 4096 : i32
    %broadcast_in_dim3A_329 = vector.broadcast %jit3A_328 : i32 to vector<64x4096xi32>
    %select_n3A_330 = arith.select %eq3A_327, %iota3A, %broadcast_in_dim3A_329 : vector<64x4096xi1>, vector<64x4096xi32>
    %reduce_min3A_331 = arith.constant dense<2147483647> : vector<64xi32>
    %reduce_min3A_332 = vector.multi_reduction <minsi>, %select_n3A_330, %reduce_min3A_331 [1] : vector<64x4096xi32> to vector<64xi32>
    %broadcast_in_dim3A_333 = vector.shape_cast %reduce_min3A_332 : vector<64xi32> to vector<64x1xi32>
    %eq3A_334 = vector.broadcast %broadcast_in_dim3A_333 : vector<64x1xi32> to vector<64x4096xi32>
    %eq3A_335 = arith.cmpi eq, %iota3A, %eq3A_334 : vector<64x4096xi32>
    %jit3A_336 = arith.constant 0xFF800000 : f32
    %broadcast_in_dim3A_337 = vector.broadcast %jit3A_336 : f32 to vector<64x4096xf32>
    %select_n3A_338 = arith.select %eq3A_335, %broadcast_in_dim3A_337, %select_n3A_306 : vector<64x4096xi1>, vector<64x4096xf32>
    %reduce_max3A_339 = arith.constant dense<0xFF800000> : vector<64xf32>
    %reduce_max3A_340 = vector.multi_reduction <maximumf>, %select_n3A_322, %reduce_max3A_339 [1] : vector<64x4096xf32> to vector<64xf32>
    %broadcast_in_dim3A_341 = vector.shape_cast %reduce_max3A_340 : vector<64xf32> to vector<64x1xf32>
    %eq3A_342 = vector.broadcast %broadcast_in_dim3A_341 : vector<64x1xf32> to vector<64x4096xf32>
    %eq3A_343 = arith.cmpf oeq, %select_n3A_322, %eq3A_342 : vector<64x4096xf32>
    %jit3A_344 = arith.constant 4096 : i32
    %broadcast_in_dim3A_345 = vector.broadcast %jit3A_344 : i32 to vector<64x4096xi32>
    %select_n3A_346 = arith.select %eq3A_343, %iota3A, %broadcast_in_dim3A_345 : vector<64x4096xi1>, vector<64x4096xi32>
    %reduce_min3A_347 = arith.constant dense<2147483647> : vector<64xi32>
    %reduce_min3A_348 = vector.multi_reduction <minsi>, %select_n3A_346, %reduce_min3A_347 [1] : vector<64x4096xi32> to vector<64xi32>
    %broadcast_in_dim3A_349 = vector.shape_cast %reduce_min3A_348 : vector<64xi32> to vector<64x1xi32>
    %eq3A_350 = vector.broadcast %broadcast_in_dim3A_349 : vector<64x1xi32> to vector<64x4096xi32>
    %eq3A_351 = arith.cmpi eq, %iota3A, %eq3A_350 : vector<64x4096xi32>
    %jit3A_352 = arith.constant 0xFF800000 : f32
    %broadcast_in_dim3A_353 = vector.broadcast %jit3A_352 : f32 to vector<64x4096xf32>
    %select_n3A_354 = arith.select %eq3A_351, %broadcast_in_dim3A_353, %select_n3A_322 : vector<64x4096xi1>, vector<64x4096xf32>
    %reduce_max3A_355 = arith.constant dense<0xFF800000> : vector<64xf32>
    %reduce_max3A_356 = vector.multi_reduction <maximumf>, %select_n3A_338, %reduce_max3A_355 [1] : vector<64x4096xf32> to vector<64xf32>
    %broadcast_in_dim3A_357 = vector.shape_cast %reduce_max3A_356 : vector<64xf32> to vector<64x1xf32>
    %eq3A_358 = vector.broadcast %broadcast_in_dim3A_357 : vector<64x1xf32> to vector<64x4096xf32>
    %eq3A_359 = arith.cmpf oeq, %select_n3A_338, %eq3A_358 : vector<64x4096xf32>
    %jit3A_360 = arith.constant 4096 : i32
    %broadcast_in_dim3A_361 = vector.broadcast %jit3A_360 : i32 to vector<64x4096xi32>
    %select_n3A_362 = arith.select %eq3A_359, %iota3A, %broadcast_in_dim3A_361 : vector<64x4096xi1>, vector<64x4096xi32>
    %reduce_min3A_363 = arith.constant dense<2147483647> : vector<64xi32>
    %reduce_min3A_364 = vector.multi_reduction <minsi>, %select_n3A_362, %reduce_min3A_363 [1] : vector<64x4096xi32> to vector<64xi32>
    %broadcast_in_dim3A_365 = vector.shape_cast %reduce_min3A_364 : vector<64xi32> to vector<64x1xi32>
    %eq3A_366 = vector.broadcast %broadcast_in_dim3A_365 : vector<64x1xi32> to vector<64x4096xi32>
    %eq3A_367 = arith.cmpi eq, %iota3A, %eq3A_366 : vector<64x4096xi32>
    %jit3A_368 = arith.constant 0xFF800000 : f32
    %broadcast_in_dim3A_369 = vector.broadcast %jit3A_368 : f32 to vector<64x4096xf32>
    %select_n3A_370 = arith.select %eq3A_367, %broadcast_in_dim3A_369, %select_n3A_338 : vector<64x4096xi1>, vector<64x4096xf32>
    %reduce_max3A_371 = arith.constant dense<0xFF800000> : vector<64xf32>
    %reduce_max3A_372 = vector.multi_reduction <maximumf>, %select_n3A_354, %reduce_max3A_371 [1] : vector<64x4096xf32> to vector<64xf32>
    %broadcast_in_dim3A_373 = vector.shape_cast %reduce_max3A_372 : vector<64xf32> to vector<64x1xf32>
    %eq3A_374 = vector.broadcast %broadcast_in_dim3A_373 : vector<64x1xf32> to vector<64x4096xf32>
    %eq3A_375 = arith.cmpf oeq, %select_n3A_354, %eq3A_374 : vector<64x4096xf32>
    %jit3A_376 = arith.constant 4096 : i32
    %broadcast_in_dim3A_377 = vector.broadcast %jit3A_376 : i32 to vector<64x4096xi32>
    %select_n3A_378 = arith.select %eq3A_375, %iota3A, %broadcast_in_dim3A_377 : vector<64x4096xi1>, vector<64x4096xi32>
    %reduce_min3A_379 = arith.constant dense<2147483647> : vector<64xi32>
    %reduce_min3A_380 = vector.multi_reduction <minsi>, %select_n3A_378, %reduce_min3A_379 [1] : vector<64x4096xi32> to vector<64xi32>
    %broadcast_in_dim3A_381 = vector.shape_cast %reduce_min3A_380 : vector<64xi32> to vector<64x1xi32>
    %eq3A_382 = vector.broadcast %broadcast_in_dim3A_381 : vector<64x1xi32> to vector<64x4096xi32>
    %eq3A_383 = arith.cmpi eq, %iota3A, %eq3A_382 : vector<64x4096xi32>
    %jit3A_384 = arith.constant 0xFF800000 : f32
    %broadcast_in_dim3A_385 = vector.broadcast %jit3A_384 : f32 to vector<64x4096xf32>
    %select_n3A_386 = arith.select %eq3A_383, %broadcast_in_dim3A_385, %select_n3A_354 : vector<64x4096xi1>, vector<64x4096xf32>
    %reduce_max3A_387 = arith.constant dense<0xFF800000> : vector<64xf32>
    %reduce_max3A_388 = vector.multi_reduction <maximumf>, %select_n3A_370, %reduce_max3A_387 [1] : vector<64x4096xf32> to vector<64xf32>
    %broadcast_in_dim3A_389 = vector.shape_cast %reduce_max3A_388 : vector<64xf32> to vector<64x1xf32>
    %eq3A_390 = vector.broadcast %broadcast_in_dim3A_389 : vector<64x1xf32> to vector<64x4096xf32>
    %eq3A_391 = arith.cmpf oeq, %select_n3A_370, %eq3A_390 : vector<64x4096xf32>
    %jit3A_392 = arith.constant 4096 : i32
    %broadcast_in_dim3A_393 = vector.broadcast %jit3A_392 : i32 to vector<64x4096xi32>
    %select_n3A_394 = arith.select %eq3A_391, %iota3A, %broadcast_in_dim3A_393 : vector<64x4096xi1>, vector<64x4096xi32>
    %reduce_min3A_395 = arith.constant dense<2147483647> : vector<64xi32>
    %reduce_min3A_396 = vector.multi_reduction <minsi>, %select_n3A_394, %reduce_min3A_395 [1] : vector<64x4096xi32> to vector<64xi32>
    %broadcast_in_dim3A_397 = vector.shape_cast %reduce_min3A_396 : vector<64xi32> to vector<64x1xi32>
    %eq3A_398 = vector.broadcast %broadcast_in_dim3A_397 : vector<64x1xi32> to vector<64x4096xi32>
    %eq3A_399 = arith.cmpi eq, %iota3A, %eq3A_398 : vector<64x4096xi32>
    %jit3A_400 = arith.constant 0xFF800000 : f32
    %broadcast_in_dim3A_401 = vector.broadcast %jit3A_400 : f32 to vector<64x4096xf32>
    %select_n3A_402 = arith.select %eq3A_399, %broadcast_in_dim3A_401, %select_n3A_370 : vector<64x4096xi1>, vector<64x4096xf32>
    %reduce_max3A_403 = arith.constant dense<0xFF800000> : vector<64xf32>
    %reduce_max3A_404 = vector.multi_reduction <maximumf>, %select_n3A_386, %reduce_max3A_403 [1] : vector<64x4096xf32> to vector<64xf32>
    %broadcast_in_dim3A_405 = vector.shape_cast %reduce_max3A_404 : vector<64xf32> to vector<64x1xf32>
    %eq3A_406 = vector.broadcast %broadcast_in_dim3A_405 : vector<64x1xf32> to vector<64x4096xf32>
    %eq3A_407 = arith.cmpf oeq, %select_n3A_386, %eq3A_406 : vector<64x4096xf32>
    %jit3A_408 = arith.constant 4096 : i32
    %broadcast_in_dim3A_409 = vector.broadcast %jit3A_408 : i32 to vector<64x4096xi32>
    %select_n3A_410 = arith.select %eq3A_407, %iota3A, %broadcast_in_dim3A_409 : vector<64x4096xi1>, vector<64x4096xi32>
    %reduce_min3A_411 = arith.constant dense<2147483647> : vector<64xi32>
    %reduce_min3A_412 = vector.multi_reduction <minsi>, %select_n3A_410, %reduce_min3A_411 [1] : vector<64x4096xi32> to vector<64xi32>
    %broadcast_in_dim3A_413 = vector.shape_cast %reduce_min3A_412 : vector<64xi32> to vector<64x1xi32>
    %eq3A_414 = vector.broadcast %broadcast_in_dim3A_413 : vector<64x1xi32> to vector<64x4096xi32>
    %eq3A_415 = arith.cmpi eq, %iota3A, %eq3A_414 : vector<64x4096xi32>
    %jit3A_416 = arith.constant 0xFF800000 : f32
    %broadcast_in_dim3A_417 = vector.broadcast %jit3A_416 : f32 to vector<64x4096xf32>
    %select_n3A_418 = arith.select %eq3A_415, %broadcast_in_dim3A_417, %select_n3A_386 : vector<64x4096xi1>, vector<64x4096xf32>
    %reduce_max3A_419 = arith.constant dense<0xFF800000> : vector<64xf32>
    %reduce_max3A_420 = vector.multi_reduction <maximumf>, %select_n3A_402, %reduce_max3A_419 [1] : vector<64x4096xf32> to vector<64xf32>
    %broadcast_in_dim3A_421 = vector.shape_cast %reduce_max3A_420 : vector<64xf32> to vector<64x1xf32>
    %eq3A_422 = vector.broadcast %broadcast_in_dim3A_421 : vector<64x1xf32> to vector<64x4096xf32>
    %eq3A_423 = arith.cmpf oeq, %select_n3A_402, %eq3A_422 : vector<64x4096xf32>
    %jit3A_424 = arith.constant 4096 : i32
    %broadcast_in_dim3A_425 = vector.broadcast %jit3A_424 : i32 to vector<64x4096xi32>
    %select_n3A_426 = arith.select %eq3A_423, %iota3A, %broadcast_in_dim3A_425 : vector<64x4096xi1>, vector<64x4096xi32>
    %reduce_min3A_427 = arith.constant dense<2147483647> : vector<64xi32>
    %reduce_min3A_428 = vector.multi_reduction <minsi>, %select_n3A_426, %reduce_min3A_427 [1] : vector<64x4096xi32> to vector<64xi32>
    %broadcast_in_dim3A_429 = vector.shape_cast %reduce_min3A_428 : vector<64xi32> to vector<64x1xi32>
    %eq3A_430 = vector.broadcast %broadcast_in_dim3A_429 : vector<64x1xi32> to vector<64x4096xi32>
    %eq3A_431 = arith.cmpi eq, %iota3A, %eq3A_430 : vector<64x4096xi32>
    %jit3A_432 = arith.constant 0xFF800000 : f32
    %broadcast_in_dim3A_433 = vector.broadcast %jit3A_432 : f32 to vector<64x4096xf32>
    %select_n3A_434 = arith.select %eq3A_431, %broadcast_in_dim3A_433, %select_n3A_402 : vector<64x4096xi1>, vector<64x4096xf32>
    %reduce_max3A_435 = arith.constant dense<0xFF800000> : vector<64xf32>
    %reduce_max3A_436 = vector.multi_reduction <maximumf>, %select_n3A_418, %reduce_max3A_435 [1] : vector<64x4096xf32> to vector<64xf32>
    %broadcast_in_dim3A_437 = vector.shape_cast %reduce_max3A_436 : vector<64xf32> to vector<64x1xf32>
    %eq3A_438 = vector.broadcast %broadcast_in_dim3A_437 : vector<64x1xf32> to vector<64x4096xf32>
    %eq3A_439 = arith.cmpf oeq, %select_n3A_418, %eq3A_438 : vector<64x4096xf32>
    %jit3A_440 = arith.constant 4096 : i32
    %broadcast_in_dim3A_441 = vector.broadcast %jit3A_440 : i32 to vector<64x4096xi32>
    %select_n3A_442 = arith.select %eq3A_439, %iota3A, %broadcast_in_dim3A_441 : vector<64x4096xi1>, vector<64x4096xi32>
    %reduce_min3A_443 = arith.constant dense<2147483647> : vector<64xi32>
    %reduce_min3A_444 = vector.multi_reduction <minsi>, %select_n3A_442, %reduce_min3A_443 [1] : vector<64x4096xi32> to vector<64xi32>
    %broadcast_in_dim3A_445 = vector.shape_cast %reduce_min3A_444 : vector<64xi32> to vector<64x1xi32>
    %eq3A_446 = vector.broadcast %broadcast_in_dim3A_445 : vector<64x1xi32> to vector<64x4096xi32>
    %eq3A_447 = arith.cmpi eq, %iota3A, %eq3A_446 : vector<64x4096xi32>
    %jit3A_448 = arith.constant 0xFF800000 : f32
    %broadcast_in_dim3A_449 = vector.broadcast %jit3A_448 : f32 to vector<64x4096xf32>
    %select_n3A_450 = arith.select %eq3A_447, %broadcast_in_dim3A_449, %select_n3A_418 : vector<64x4096xi1>, vector<64x4096xf32>
    %reduce_max3A_451 = arith.constant dense<0xFF800000> : vector<64xf32>
    %reduce_max3A_452 = vector.multi_reduction <maximumf>, %select_n3A_434, %reduce_max3A_451 [1] : vector<64x4096xf32> to vector<64xf32>
    %broadcast_in_dim3A_453 = vector.shape_cast %reduce_max3A_452 : vector<64xf32> to vector<64x1xf32>
    %eq3A_454 = vector.broadcast %broadcast_in_dim3A_453 : vector<64x1xf32> to vector<64x4096xf32>
    %eq3A_455 = arith.cmpf oeq, %select_n3A_434, %eq3A_454 : vector<64x4096xf32>
    %jit3A_456 = arith.constant 4096 : i32
    %broadcast_in_dim3A_457 = vector.broadcast %jit3A_456 : i32 to vector<64x4096xi32>
    %select_n3A_458 = arith.select %eq3A_455, %iota3A, %broadcast_in_dim3A_457 : vector<64x4096xi1>, vector<64x4096xi32>
    %reduce_min3A_459 = arith.constant dense<2147483647> : vector<64xi32>
    %reduce_min3A_460 = vector.multi_reduction <minsi>, %select_n3A_458, %reduce_min3A_459 [1] : vector<64x4096xi32> to vector<64xi32>
    %broadcast_in_dim3A_461 = vector.shape_cast %reduce_min3A_460 : vector<64xi32> to vector<64x1xi32>
    %eq3A_462 = vector.broadcast %broadcast_in_dim3A_461 : vector<64x1xi32> to vector<64x4096xi32>
    %eq3A_463 = arith.cmpi eq, %iota3A, %eq3A_462 : vector<64x4096xi32>
    %jit3A_464 = arith.constant 0xFF800000 : f32
    %broadcast_in_dim3A_465 = vector.broadcast %jit3A_464 : f32 to vector<64x4096xf32>
    %select_n3A_466 = arith.select %eq3A_463, %broadcast_in_dim3A_465, %select_n3A_434 : vector<64x4096xi1>, vector<64x4096xf32>
    %reduce_max3A_467 = arith.constant dense<0xFF800000> : vector<64xf32>
    %reduce_max3A_468 = vector.multi_reduction <maximumf>, %select_n3A_450, %reduce_max3A_467 [1] : vector<64x4096xf32> to vector<64xf32>
    %broadcast_in_dim3A_469 = vector.shape_cast %reduce_max3A_468 : vector<64xf32> to vector<64x1xf32>
    %eq3A_470 = vector.broadcast %broadcast_in_dim3A_469 : vector<64x1xf32> to vector<64x4096xf32>
    %eq3A_471 = arith.cmpf oeq, %select_n3A_450, %eq3A_470 : vector<64x4096xf32>
    %jit3A_472 = arith.constant 4096 : i32
    %broadcast_in_dim3A_473 = vector.broadcast %jit3A_472 : i32 to vector<64x4096xi32>
    %select_n3A_474 = arith.select %eq3A_471, %iota3A, %broadcast_in_dim3A_473 : vector<64x4096xi1>, vector<64x4096xi32>
    %reduce_min3A_475 = arith.constant dense<2147483647> : vector<64xi32>
    %reduce_min3A_476 = vector.multi_reduction <minsi>, %select_n3A_474, %reduce_min3A_475 [1] : vector<64x4096xi32> to vector<64xi32>
    %broadcast_in_dim3A_477 = vector.shape_cast %reduce_min3A_476 : vector<64xi32> to vector<64x1xi32>
    %eq3A_478 = vector.broadcast %broadcast_in_dim3A_477 : vector<64x1xi32> to vector<64x4096xi32>
    %eq3A_479 = arith.cmpi eq, %iota3A, %eq3A_478 : vector<64x4096xi32>
    %jit3A_480 = arith.constant 0xFF800000 : f32
    %broadcast_in_dim3A_481 = vector.broadcast %jit3A_480 : f32 to vector<64x4096xf32>
    %select_n3A_482 = arith.select %eq3A_479, %broadcast_in_dim3A_481, %select_n3A_450 : vector<64x4096xi1>, vector<64x4096xf32>
    %reduce_max3A_483 = arith.constant dense<0xFF800000> : vector<64xf32>
    %reduce_max3A_484 = vector.multi_reduction <maximumf>, %select_n3A_466, %reduce_max3A_483 [1] : vector<64x4096xf32> to vector<64xf32>
    %broadcast_in_dim3A_485 = vector.shape_cast %reduce_max3A_484 : vector<64xf32> to vector<64x1xf32>
    %eq3A_486 = vector.broadcast %broadcast_in_dim3A_485 : vector<64x1xf32> to vector<64x4096xf32>
    %eq3A_487 = arith.cmpf oeq, %select_n3A_466, %eq3A_486 : vector<64x4096xf32>
    %jit3A_488 = arith.constant 4096 : i32
    %broadcast_in_dim3A_489 = vector.broadcast %jit3A_488 : i32 to vector<64x4096xi32>
    %select_n3A_490 = arith.select %eq3A_487, %iota3A, %broadcast_in_dim3A_489 : vector<64x4096xi1>, vector<64x4096xi32>
    %reduce_min3A_491 = arith.constant dense<2147483647> : vector<64xi32>
    %reduce_min3A_492 = vector.multi_reduction <minsi>, %select_n3A_490, %reduce_min3A_491 [1] : vector<64x4096xi32> to vector<64xi32>
    %broadcast_in_dim3A_493 = vector.shape_cast %reduce_min3A_492 : vector<64xi32> to vector<64x1xi32>
    %eq3A_494 = vector.broadcast %broadcast_in_dim3A_493 : vector<64x1xi32> to vector<64x4096xi32>
    %eq3A_495 = arith.cmpi eq, %iota3A, %eq3A_494 : vector<64x4096xi32>
    %jit3A_496 = arith.constant 0xFF800000 : f32
    %broadcast_in_dim3A_497 = vector.broadcast %jit3A_496 : f32 to vector<64x4096xf32>
    %select_n3A_498 = arith.select %eq3A_495, %broadcast_in_dim3A_497, %select_n3A_466 : vector<64x4096xi1>, vector<64x4096xf32>
    %reduce_max3A_499 = arith.constant dense<0xFF800000> : vector<64xf32>
    %reduce_max3A_500 = vector.multi_reduction <maximumf>, %select_n3A_482, %reduce_max3A_499 [1] : vector<64x4096xf32> to vector<64xf32>
    %broadcast_in_dim3A_501 = vector.shape_cast %reduce_max3A_500 : vector<64xf32> to vector<64x1xf32>
    %eq3A_502 = vector.broadcast %broadcast_in_dim3A_501 : vector<64x1xf32> to vector<64x4096xf32>
    %eq3A_503 = arith.cmpf oeq, %select_n3A_482, %eq3A_502 : vector<64x4096xf32>
    %jit3A_504 = arith.constant 4096 : i32
    %broadcast_in_dim3A_505 = vector.broadcast %jit3A_504 : i32 to vector<64x4096xi32>
    %select_n3A_506 = arith.select %eq3A_503, %iota3A, %broadcast_in_dim3A_505 : vector<64x4096xi1>, vector<64x4096xi32>
    %reduce_min3A_507 = arith.constant dense<2147483647> : vector<64xi32>
    %reduce_min3A_508 = vector.multi_reduction <minsi>, %select_n3A_506, %reduce_min3A_507 [1] : vector<64x4096xi32> to vector<64xi32>
    %broadcast_in_dim3A_509 = vector.shape_cast %reduce_min3A_508 : vector<64xi32> to vector<64x1xi32>
    %eq3A_510 = vector.broadcast %broadcast_in_dim3A_509 : vector<64x1xi32> to vector<64x4096xi32>
    %eq3A_511 = arith.cmpi eq, %iota3A, %eq3A_510 : vector<64x4096xi32>
    %jit3A_512 = arith.constant 0xFF800000 : f32
    %broadcast_in_dim3A_513 = vector.broadcast %jit3A_512 : f32 to vector<64x4096xf32>
    %select_n3A_514 = arith.select %eq3A_511, %broadcast_in_dim3A_513, %select_n3A_482 : vector<64x4096xi1>, vector<64x4096xf32>
    %reduce_max3A_515 = arith.constant dense<0xFF800000> : vector<64xf32>
    %reduce_max3A_516 = vector.multi_reduction <maximumf>, %select_n3A_498, %reduce_max3A_515 [1] : vector<64x4096xf32> to vector<64xf32>
    %broadcast_in_dim3A_517 = vector.shape_cast %reduce_max3A_516 : vector<64xf32> to vector<64x1xf32>
    %eq3A_518 = vector.broadcast %broadcast_in_dim3A_517 : vector<64x1xf32> to vector<64x4096xf32>
    %eq3A_519 = arith.cmpf oeq, %select_n3A_498, %eq3A_518 : vector<64x4096xf32>
    %jit3A_520 = arith.constant 4096 : i32
    %broadcast_in_dim3A_521 = vector.broadcast %jit3A_520 : i32 to vector<64x4096xi32>
    %select_n3A_522 = arith.select %eq3A_519, %iota3A, %broadcast_in_dim3A_521 : vector<64x4096xi1>, vector<64x4096xi32>
    %reduce_min3A_523 = arith.constant dense<2147483647> : vector<64xi32>
    %reduce_min3A_524 = vector.multi_reduction <minsi>, %select_n3A_522, %reduce_min3A_523 [1] : vector<64x4096xi32> to vector<64xi32>
    %broadcast_in_dim3A_525 = vector.shape_cast %reduce_min3A_524 : vector<64xi32> to vector<64x1xi32>
    %eq3A_526 = vector.broadcast %broadcast_in_dim3A_525 : vector<64x1xi32> to vector<64x4096xi32>
    %eq3A_527 = arith.cmpi eq, %iota3A, %eq3A_526 : vector<64x4096xi32>
    %jit3A_528 = arith.constant 0xFF800000 : f32
    %broadcast_in_dim3A_529 = vector.broadcast %jit3A_528 : f32 to vector<64x4096xf32>
    %select_n3A_530 = arith.select %eq3A_527, %broadcast_in_dim3A_529, %select_n3A_498 : vector<64x4096xi1>, vector<64x4096xf32>
    %reduce_max3A_531 = arith.constant dense<0xFF800000> : vector<64xf32>
    %reduce_max3A_532 = vector.multi_reduction <maximumf>, %select_n3A_514, %reduce_max3A_531 [1] : vector<64x4096xf32> to vector<64xf32>
    %broadcast_in_dim3A_533 = vector.shape_cast %reduce_max3A_532 : vector<64xf32> to vector<64x1xf32>
    %eq3A_534 = vector.broadcast %broadcast_in_dim3A_533 : vector<64x1xf32> to vector<64x4096xf32>
    %eq3A_535 = arith.cmpf oeq, %select_n3A_514, %eq3A_534 : vector<64x4096xf32>
    %jit3A_536 = arith.constant 4096 : i32
    %broadcast_in_dim3A_537 = vector.broadcast %jit3A_536 : i32 to vector<64x4096xi32>
    %select_n3A_538 = arith.select %eq3A_535, %iota3A, %broadcast_in_dim3A_537 : vector<64x4096xi1>, vector<64x4096xi32>
    %reduce_min3A_539 = arith.constant dense<2147483647> : vector<64xi32>
    %reduce_min3A_540 = vector.multi_reduction <minsi>, %select_n3A_538, %reduce_min3A_539 [1] : vector<64x4096xi32> to vector<64xi32>
    %broadcast_in_dim3A_541 = vector.shape_cast %reduce_min3A_540 : vector<64xi32> to vector<64x1xi32>
    %eq3A_542 = vector.broadcast %broadcast_in_dim3A_541 : vector<64x1xi32> to vector<64x4096xi32>
    %eq3A_543 = arith.cmpi eq, %iota3A, %eq3A_542 : vector<64x4096xi32>
    %jit3A_544 = arith.constant 0xFF800000 : f32
    %broadcast_in_dim3A_545 = vector.broadcast %jit3A_544 : f32 to vector<64x4096xf32>
    %select_n3A_546 = arith.select %eq3A_543, %broadcast_in_dim3A_545, %select_n3A_514 : vector<64x4096xi1>, vector<64x4096xf32>
    %reduce_max3A_547 = arith.constant dense<0xFF800000> : vector<64xf32>
    %reduce_max3A_548 = vector.multi_reduction <maximumf>, %select_n3A_530, %reduce_max3A_547 [1] : vector<64x4096xf32> to vector<64xf32>
    %broadcast_in_dim3A_549 = vector.shape_cast %reduce_max3A_548 : vector<64xf32> to vector<64x1xf32>
    %eq3A_550 = vector.broadcast %broadcast_in_dim3A_549 : vector<64x1xf32> to vector<64x4096xf32>
    %eq3A_551 = arith.cmpf oeq, %select_n3A_530, %eq3A_550 : vector<64x4096xf32>
    %jit3A_552 = arith.constant 4096 : i32
    %broadcast_in_dim3A_553 = vector.broadcast %jit3A_552 : i32 to vector<64x4096xi32>
    %select_n3A_554 = arith.select %eq3A_551, %iota3A, %broadcast_in_dim3A_553 : vector<64x4096xi1>, vector<64x4096xi32>
    %reduce_min3A_555 = arith.constant dense<2147483647> : vector<64xi32>
    %reduce_min3A_556 = vector.multi_reduction <minsi>, %select_n3A_554, %reduce_min3A_555 [1] : vector<64x4096xi32> to vector<64xi32>
    %broadcast_in_dim3A_557 = vector.shape_cast %reduce_min3A_556 : vector<64xi32> to vector<64x1xi32>
    %eq3A_558 = vector.broadcast %broadcast_in_dim3A_557 : vector<64x1xi32> to vector<64x4096xi32>
    %eq3A_559 = arith.cmpi eq, %iota3A, %eq3A_558 : vector<64x4096xi32>
    %jit3A_560 = arith.constant 0xFF800000 : f32
    %broadcast_in_dim3A_561 = vector.broadcast %jit3A_560 : f32 to vector<64x4096xf32>
    %select_n3A_562 = arith.select %eq3A_559, %broadcast_in_dim3A_561, %select_n3A_530 : vector<64x4096xi1>, vector<64x4096xf32>
    %reduce_max3A_563 = arith.constant dense<0xFF800000> : vector<64xf32>
    %reduce_max3A_564 = vector.multi_reduction <maximumf>, %select_n3A_546, %reduce_max3A_563 [1] : vector<64x4096xf32> to vector<64xf32>
    %broadcast_in_dim3A_565 = vector.shape_cast %reduce_max3A_564 : vector<64xf32> to vector<64x1xf32>
    %eq3A_566 = vector.broadcast %broadcast_in_dim3A_565 : vector<64x1xf32> to vector<64x4096xf32>
    %eq3A_567 = arith.cmpf oeq, %select_n3A_546, %eq3A_566 : vector<64x4096xf32>
    %jit3A_568 = arith.constant 4096 : i32
    %broadcast_in_dim3A_569 = vector.broadcast %jit3A_568 : i32 to vector<64x4096xi32>
    %select_n3A_570 = arith.select %eq3A_567, %iota3A, %broadcast_in_dim3A_569 : vector<64x4096xi1>, vector<64x4096xi32>
    %reduce_min3A_571 = arith.constant dense<2147483647> : vector<64xi32>
    %reduce_min3A_572 = vector.multi_reduction <minsi>, %select_n3A_570, %reduce_min3A_571 [1] : vector<64x4096xi32> to vector<64xi32>
    %broadcast_in_dim3A_573 = vector.shape_cast %reduce_min3A_572 : vector<64xi32> to vector<64x1xi32>
    %eq3A_574 = vector.broadcast %broadcast_in_dim3A_573 : vector<64x1xi32> to vector<64x4096xi32>
    %eq3A_575 = arith.cmpi eq, %iota3A, %eq3A_574 : vector<64x4096xi32>
    %jit3A_576 = arith.constant 0xFF800000 : f32
    %broadcast_in_dim3A_577 = vector.broadcast %jit3A_576 : f32 to vector<64x4096xf32>
    %select_n3A_578 = arith.select %eq3A_575, %broadcast_in_dim3A_577, %select_n3A_546 : vector<64x4096xi1>, vector<64x4096xf32>
    %reduce_max3A_579 = arith.constant dense<0xFF800000> : vector<64xf32>
    %reduce_max3A_580 = vector.multi_reduction <maximumf>, %select_n3A_562, %reduce_max3A_579 [1] : vector<64x4096xf32> to vector<64xf32>
    %broadcast_in_dim3A_581 = vector.shape_cast %reduce_max3A_580 : vector<64xf32> to vector<64x1xf32>
    %eq3A_582 = vector.broadcast %broadcast_in_dim3A_581 : vector<64x1xf32> to vector<64x4096xf32>
    %eq3A_583 = arith.cmpf oeq, %select_n3A_562, %eq3A_582 : vector<64x4096xf32>
    %jit3A_584 = arith.constant 4096 : i32
    %broadcast_in_dim3A_585 = vector.broadcast %jit3A_584 : i32 to vector<64x4096xi32>
    %select_n3A_586 = arith.select %eq3A_583, %iota3A, %broadcast_in_dim3A_585 : vector<64x4096xi1>, vector<64x4096xi32>
    %reduce_min3A_587 = arith.constant dense<2147483647> : vector<64xi32>
    %reduce_min3A_588 = vector.multi_reduction <minsi>, %select_n3A_586, %reduce_min3A_587 [1] : vector<64x4096xi32> to vector<64xi32>
    %broadcast_in_dim3A_589 = vector.shape_cast %reduce_min3A_588 : vector<64xi32> to vector<64x1xi32>
    %eq3A_590 = vector.broadcast %broadcast_in_dim3A_589 : vector<64x1xi32> to vector<64x4096xi32>
    %eq3A_591 = arith.cmpi eq, %iota3A, %eq3A_590 : vector<64x4096xi32>
    %jit3A_592 = arith.constant 0xFF800000 : f32
    %broadcast_in_dim3A_593 = vector.broadcast %jit3A_592 : f32 to vector<64x4096xf32>
    %select_n3A_594 = arith.select %eq3A_591, %broadcast_in_dim3A_593, %select_n3A_562 : vector<64x4096xi1>, vector<64x4096xf32>
    %reduce_max3A_595 = arith.constant dense<0xFF800000> : vector<64xf32>
    %reduce_max3A_596 = vector.multi_reduction <maximumf>, %select_n3A_578, %reduce_max3A_595 [1] : vector<64x4096xf32> to vector<64xf32>
    %broadcast_in_dim3A_597 = vector.shape_cast %reduce_max3A_596 : vector<64xf32> to vector<64x1xf32>
    %eq3A_598 = vector.broadcast %broadcast_in_dim3A_597 : vector<64x1xf32> to vector<64x4096xf32>
    %eq3A_599 = arith.cmpf oeq, %select_n3A_578, %eq3A_598 : vector<64x4096xf32>
    %jit3A_600 = arith.constant 4096 : i32
    %broadcast_in_dim3A_601 = vector.broadcast %jit3A_600 : i32 to vector<64x4096xi32>
    %select_n3A_602 = arith.select %eq3A_599, %iota3A, %broadcast_in_dim3A_601 : vector<64x4096xi1>, vector<64x4096xi32>
    %reduce_min3A_603 = arith.constant dense<2147483647> : vector<64xi32>
    %reduce_min3A_604 = vector.multi_reduction <minsi>, %select_n3A_602, %reduce_min3A_603 [1] : vector<64x4096xi32> to vector<64xi32>
    %broadcast_in_dim3A_605 = vector.shape_cast %reduce_min3A_604 : vector<64xi32> to vector<64x1xi32>
    %eq3A_606 = vector.broadcast %broadcast_in_dim3A_605 : vector<64x1xi32> to vector<64x4096xi32>
    %eq3A_607 = arith.cmpi eq, %iota3A, %eq3A_606 : vector<64x4096xi32>
    %jit3A_608 = arith.constant 0xFF800000 : f32
    %broadcast_in_dim3A_609 = vector.broadcast %jit3A_608 : f32 to vector<64x4096xf32>
    %select_n3A_610 = arith.select %eq3A_607, %broadcast_in_dim3A_609, %select_n3A_578 : vector<64x4096xi1>, vector<64x4096xf32>
    %reduce_max3A_611 = arith.constant dense<0xFF800000> : vector<64xf32>
    %reduce_max3A_612 = vector.multi_reduction <maximumf>, %select_n3A_594, %reduce_max3A_611 [1] : vector<64x4096xf32> to vector<64xf32>
    %broadcast_in_dim3A_613 = vector.shape_cast %reduce_max3A_612 : vector<64xf32> to vector<64x1xf32>
    %eq3A_614 = vector.broadcast %broadcast_in_dim3A_613 : vector<64x1xf32> to vector<64x4096xf32>
    %eq3A_615 = arith.cmpf oeq, %select_n3A_594, %eq3A_614 : vector<64x4096xf32>
    %jit3A_616 = arith.constant 4096 : i32
    %broadcast_in_dim3A_617 = vector.broadcast %jit3A_616 : i32 to vector<64x4096xi32>
    %select_n3A_618 = arith.select %eq3A_615, %iota3A, %broadcast_in_dim3A_617 : vector<64x4096xi1>, vector<64x4096xi32>
    %reduce_min3A_619 = arith.constant dense<2147483647> : vector<64xi32>
    %reduce_min3A_620 = vector.multi_reduction <minsi>, %select_n3A_618, %reduce_min3A_619 [1] : vector<64x4096xi32> to vector<64xi32>
    %broadcast_in_dim3A_621 = vector.shape_cast %reduce_min3A_620 : vector<64xi32> to vector<64x1xi32>
    %eq3A_622 = vector.broadcast %broadcast_in_dim3A_621 : vector<64x1xi32> to vector<64x4096xi32>
    %eq3A_623 = arith.cmpi eq, %iota3A, %eq3A_622 : vector<64x4096xi32>
    %jit3A_624 = arith.constant 0xFF800000 : f32
    %broadcast_in_dim3A_625 = vector.broadcast %jit3A_624 : f32 to vector<64x4096xf32>
    %select_n3A_626 = arith.select %eq3A_623, %broadcast_in_dim3A_625, %select_n3A_594 : vector<64x4096xi1>, vector<64x4096xf32>
    %reduce_max3A_627 = arith.constant dense<0xFF800000> : vector<64xf32>
    %reduce_max3A_628 = vector.multi_reduction <maximumf>, %select_n3A_610, %reduce_max3A_627 [1] : vector<64x4096xf32> to vector<64xf32>
    %broadcast_in_dim3A_629 = vector.shape_cast %reduce_max3A_628 : vector<64xf32> to vector<64x1xf32>
    %eq3A_630 = vector.broadcast %broadcast_in_dim3A_629 : vector<64x1xf32> to vector<64x4096xf32>
    %eq3A_631 = arith.cmpf oeq, %select_n3A_610, %eq3A_630 : vector<64x4096xf32>
    %jit3A_632 = arith.constant 4096 : i32
    %broadcast_in_dim3A_633 = vector.broadcast %jit3A_632 : i32 to vector<64x4096xi32>
    %select_n3A_634 = arith.select %eq3A_631, %iota3A, %broadcast_in_dim3A_633 : vector<64x4096xi1>, vector<64x4096xi32>
    %reduce_min3A_635 = arith.constant dense<2147483647> : vector<64xi32>
    %reduce_min3A_636 = vector.multi_reduction <minsi>, %select_n3A_634, %reduce_min3A_635 [1] : vector<64x4096xi32> to vector<64xi32>
    %broadcast_in_dim3A_637 = vector.shape_cast %reduce_min3A_636 : vector<64xi32> to vector<64x1xi32>
    %eq3A_638 = vector.broadcast %broadcast_in_dim3A_637 : vector<64x1xi32> to vector<64x4096xi32>
    %eq3A_639 = arith.cmpi eq, %iota3A, %eq3A_638 : vector<64x4096xi32>
    %jit3A_640 = arith.constant 0xFF800000 : f32
    %broadcast_in_dim3A_641 = vector.broadcast %jit3A_640 : f32 to vector<64x4096xf32>
    %select_n3A_642 = arith.select %eq3A_639, %broadcast_in_dim3A_641, %select_n3A_610 : vector<64x4096xi1>, vector<64x4096xf32>
    %reduce_max3A_643 = arith.constant dense<0xFF800000> : vector<64xf32>
    %reduce_max3A_644 = vector.multi_reduction <maximumf>, %select_n3A_626, %reduce_max3A_643 [1] : vector<64x4096xf32> to vector<64xf32>
    %broadcast_in_dim3A_645 = vector.shape_cast %reduce_max3A_644 : vector<64xf32> to vector<64x1xf32>
    %eq3A_646 = vector.broadcast %broadcast_in_dim3A_645 : vector<64x1xf32> to vector<64x4096xf32>
    %eq3A_647 = arith.cmpf oeq, %select_n3A_626, %eq3A_646 : vector<64x4096xf32>
    %jit3A_648 = arith.constant 4096 : i32
    %broadcast_in_dim3A_649 = vector.broadcast %jit3A_648 : i32 to vector<64x4096xi32>
    %select_n3A_650 = arith.select %eq3A_647, %iota3A, %broadcast_in_dim3A_649 : vector<64x4096xi1>, vector<64x4096xi32>
    %reduce_min3A_651 = arith.constant dense<2147483647> : vector<64xi32>
    %reduce_min3A_652 = vector.multi_reduction <minsi>, %select_n3A_650, %reduce_min3A_651 [1] : vector<64x4096xi32> to vector<64xi32>
    %broadcast_in_dim3A_653 = vector.shape_cast %reduce_min3A_652 : vector<64xi32> to vector<64x1xi32>
    %eq3A_654 = vector.broadcast %broadcast_in_dim3A_653 : vector<64x1xi32> to vector<64x4096xi32>
    %eq3A_655 = arith.cmpi eq, %iota3A, %eq3A_654 : vector<64x4096xi32>
    %jit3A_656 = arith.constant 0xFF800000 : f32
    %broadcast_in_dim3A_657 = vector.broadcast %jit3A_656 : f32 to vector<64x4096xf32>
    %select_n3A_658 = arith.select %eq3A_655, %broadcast_in_dim3A_657, %select_n3A_626 : vector<64x4096xi1>, vector<64x4096xf32>
    %reduce_max3A_659 = arith.constant dense<0xFF800000> : vector<64xf32>
    %reduce_max3A_660 = vector.multi_reduction <maximumf>, %select_n3A_642, %reduce_max3A_659 [1] : vector<64x4096xf32> to vector<64xf32>
    %broadcast_in_dim3A_661 = vector.shape_cast %reduce_max3A_660 : vector<64xf32> to vector<64x1xf32>
    %eq3A_662 = vector.broadcast %broadcast_in_dim3A_661 : vector<64x1xf32> to vector<64x4096xf32>
    %eq3A_663 = arith.cmpf oeq, %select_n3A_642, %eq3A_662 : vector<64x4096xf32>
    %jit3A_664 = arith.constant 4096 : i32
    %broadcast_in_dim3A_665 = vector.broadcast %jit3A_664 : i32 to vector<64x4096xi32>
    %select_n3A_666 = arith.select %eq3A_663, %iota3A, %broadcast_in_dim3A_665 : vector<64x4096xi1>, vector<64x4096xi32>
    %reduce_min3A_667 = arith.constant dense<2147483647> : vector<64xi32>
    %reduce_min3A_668 = vector.multi_reduction <minsi>, %select_n3A_666, %reduce_min3A_667 [1] : vector<64x4096xi32> to vector<64xi32>
    %broadcast_in_dim3A_669 = vector.shape_cast %reduce_min3A_668 : vector<64xi32> to vector<64x1xi32>
    %eq3A_670 = vector.broadcast %broadcast_in_dim3A_669 : vector<64x1xi32> to vector<64x4096xi32>
    %eq3A_671 = arith.cmpi eq, %iota3A, %eq3A_670 : vector<64x4096xi32>
    %jit3A_672 = arith.constant 0xFF800000 : f32
    %broadcast_in_dim3A_673 = vector.broadcast %jit3A_672 : f32 to vector<64x4096xf32>
    %select_n3A_674 = arith.select %eq3A_671, %broadcast_in_dim3A_673, %select_n3A_642 : vector<64x4096xi1>, vector<64x4096xf32>
    %reduce_max3A_675 = arith.constant dense<0xFF800000> : vector<64xf32>
    %reduce_max3A_676 = vector.multi_reduction <maximumf>, %select_n3A_658, %reduce_max3A_675 [1] : vector<64x4096xf32> to vector<64xf32>
    %broadcast_in_dim3A_677 = vector.shape_cast %reduce_max3A_676 : vector<64xf32> to vector<64x1xf32>
    %eq3A_678 = vector.broadcast %broadcast_in_dim3A_677 : vector<64x1xf32> to vector<64x4096xf32>
    %eq3A_679 = arith.cmpf oeq, %select_n3A_658, %eq3A_678 : vector<64x4096xf32>
    %jit3A_680 = arith.constant 4096 : i32
    %broadcast_in_dim3A_681 = vector.broadcast %jit3A_680 : i32 to vector<64x4096xi32>
    %select_n3A_682 = arith.select %eq3A_679, %iota3A, %broadcast_in_dim3A_681 : vector<64x4096xi1>, vector<64x4096xi32>
    %reduce_min3A_683 = arith.constant dense<2147483647> : vector<64xi32>
    %reduce_min3A_684 = vector.multi_reduction <minsi>, %select_n3A_682, %reduce_min3A_683 [1] : vector<64x4096xi32> to vector<64xi32>
    %broadcast_in_dim3A_685 = vector.shape_cast %reduce_min3A_684 : vector<64xi32> to vector<64x1xi32>
    %eq3A_686 = vector.broadcast %broadcast_in_dim3A_685 : vector<64x1xi32> to vector<64x4096xi32>
    %eq3A_687 = arith.cmpi eq, %iota3A, %eq3A_686 : vector<64x4096xi32>
    %jit3A_688 = arith.constant 0xFF800000 : f32
    %broadcast_in_dim3A_689 = vector.broadcast %jit3A_688 : f32 to vector<64x4096xf32>
    %select_n3A_690 = arith.select %eq3A_687, %broadcast_in_dim3A_689, %select_n3A_658 : vector<64x4096xi1>, vector<64x4096xf32>
    %reduce_max3A_691 = arith.constant dense<0xFF800000> : vector<64xf32>
    %reduce_max3A_692 = vector.multi_reduction <maximumf>, %select_n3A_674, %reduce_max3A_691 [1] : vector<64x4096xf32> to vector<64xf32>
    %broadcast_in_dim3A_693 = vector.shape_cast %reduce_max3A_692 : vector<64xf32> to vector<64x1xf32>
    %eq3A_694 = vector.broadcast %broadcast_in_dim3A_693 : vector<64x1xf32> to vector<64x4096xf32>
    %eq3A_695 = arith.cmpf oeq, %select_n3A_674, %eq3A_694 : vector<64x4096xf32>
    %jit3A_696 = arith.constant 4096 : i32
    %broadcast_in_dim3A_697 = vector.broadcast %jit3A_696 : i32 to vector<64x4096xi32>
    %select_n3A_698 = arith.select %eq3A_695, %iota3A, %broadcast_in_dim3A_697 : vector<64x4096xi1>, vector<64x4096xi32>
    %reduce_min3A_699 = arith.constant dense<2147483647> : vector<64xi32>
    %reduce_min3A_700 = vector.multi_reduction <minsi>, %select_n3A_698, %reduce_min3A_699 [1] : vector<64x4096xi32> to vector<64xi32>
    %broadcast_in_dim3A_701 = vector.shape_cast %reduce_min3A_700 : vector<64xi32> to vector<64x1xi32>
    %eq3A_702 = vector.broadcast %broadcast_in_dim3A_701 : vector<64x1xi32> to vector<64x4096xi32>
    %eq3A_703 = arith.cmpi eq, %iota3A, %eq3A_702 : vector<64x4096xi32>
    %jit3A_704 = arith.constant 0xFF800000 : f32
    %broadcast_in_dim3A_705 = vector.broadcast %jit3A_704 : f32 to vector<64x4096xf32>
    %select_n3A_706 = arith.select %eq3A_703, %broadcast_in_dim3A_705, %select_n3A_674 : vector<64x4096xi1>, vector<64x4096xf32>
    %reduce_max3A_707 = arith.constant dense<0xFF800000> : vector<64xf32>
    %reduce_max3A_708 = vector.multi_reduction <maximumf>, %select_n3A_690, %reduce_max3A_707 [1] : vector<64x4096xf32> to vector<64xf32>
    %broadcast_in_dim3A_709 = vector.shape_cast %reduce_max3A_708 : vector<64xf32> to vector<64x1xf32>
    %eq3A_710 = vector.broadcast %broadcast_in_dim3A_709 : vector<64x1xf32> to vector<64x4096xf32>
    %eq3A_711 = arith.cmpf oeq, %select_n3A_690, %eq3A_710 : vector<64x4096xf32>
    %jit3A_712 = arith.constant 4096 : i32
    %broadcast_in_dim3A_713 = vector.broadcast %jit3A_712 : i32 to vector<64x4096xi32>
    %select_n3A_714 = arith.select %eq3A_711, %iota3A, %broadcast_in_dim3A_713 : vector<64x4096xi1>, vector<64x4096xi32>
    %reduce_min3A_715 = arith.constant dense<2147483647> : vector<64xi32>
    %reduce_min3A_716 = vector.multi_reduction <minsi>, %select_n3A_714, %reduce_min3A_715 [1] : vector<64x4096xi32> to vector<64xi32>
    %broadcast_in_dim3A_717 = vector.shape_cast %reduce_min3A_716 : vector<64xi32> to vector<64x1xi32>
    %eq3A_718 = vector.broadcast %broadcast_in_dim3A_717 : vector<64x1xi32> to vector<64x4096xi32>
    %eq3A_719 = arith.cmpi eq, %iota3A, %eq3A_718 : vector<64x4096xi32>
    %jit3A_720 = arith.constant 0xFF800000 : f32
    %broadcast_in_dim3A_721 = vector.broadcast %jit3A_720 : f32 to vector<64x4096xf32>
    %select_n3A_722 = arith.select %eq3A_719, %broadcast_in_dim3A_721, %select_n3A_690 : vector<64x4096xi1>, vector<64x4096xf32>
    %reduce_max3A_723 = arith.constant dense<0xFF800000> : vector<64xf32>
    %reduce_max3A_724 = vector.multi_reduction <maximumf>, %select_n3A_706, %reduce_max3A_723 [1] : vector<64x4096xf32> to vector<64xf32>
    %broadcast_in_dim3A_725 = vector.shape_cast %reduce_max3A_724 : vector<64xf32> to vector<64x1xf32>
    %eq3A_726 = vector.broadcast %broadcast_in_dim3A_725 : vector<64x1xf32> to vector<64x4096xf32>
    %eq3A_727 = arith.cmpf oeq, %select_n3A_706, %eq3A_726 : vector<64x4096xf32>
    %jit3A_728 = arith.constant 4096 : i32
    %broadcast_in_dim3A_729 = vector.broadcast %jit3A_728 : i32 to vector<64x4096xi32>
    %select_n3A_730 = arith.select %eq3A_727, %iota3A, %broadcast_in_dim3A_729 : vector<64x4096xi1>, vector<64x4096xi32>
    %reduce_min3A_731 = arith.constant dense<2147483647> : vector<64xi32>
    %reduce_min3A_732 = vector.multi_reduction <minsi>, %select_n3A_730, %reduce_min3A_731 [1] : vector<64x4096xi32> to vector<64xi32>
    %broadcast_in_dim3A_733 = vector.shape_cast %reduce_min3A_732 : vector<64xi32> to vector<64x1xi32>
    %eq3A_734 = vector.broadcast %broadcast_in_dim3A_733 : vector<64x1xi32> to vector<64x4096xi32>
    %eq3A_735 = arith.cmpi eq, %iota3A, %eq3A_734 : vector<64x4096xi32>
    %jit3A_736 = arith.constant 0xFF800000 : f32
    %broadcast_in_dim3A_737 = vector.broadcast %jit3A_736 : f32 to vector<64x4096xf32>
    %select_n3A_738 = arith.select %eq3A_735, %broadcast_in_dim3A_737, %select_n3A_706 : vector<64x4096xi1>, vector<64x4096xf32>
    %reduce_max3A_739 = arith.constant dense<0xFF800000> : vector<64xf32>
    %reduce_max3A_740 = vector.multi_reduction <maximumf>, %select_n3A_722, %reduce_max3A_739 [1] : vector<64x4096xf32> to vector<64xf32>
    %broadcast_in_dim3A_741 = vector.shape_cast %reduce_max3A_740 : vector<64xf32> to vector<64x1xf32>
    %eq3A_742 = vector.broadcast %broadcast_in_dim3A_741 : vector<64x1xf32> to vector<64x4096xf32>
    %eq3A_743 = arith.cmpf oeq, %select_n3A_722, %eq3A_742 : vector<64x4096xf32>
    %jit3A_744 = arith.constant 4096 : i32
    %broadcast_in_dim3A_745 = vector.broadcast %jit3A_744 : i32 to vector<64x4096xi32>
    %select_n3A_746 = arith.select %eq3A_743, %iota3A, %broadcast_in_dim3A_745 : vector<64x4096xi1>, vector<64x4096xi32>
    %reduce_min3A_747 = arith.constant dense<2147483647> : vector<64xi32>
    %reduce_min3A_748 = vector.multi_reduction <minsi>, %select_n3A_746, %reduce_min3A_747 [1] : vector<64x4096xi32> to vector<64xi32>
    %broadcast_in_dim3A_749 = vector.shape_cast %reduce_min3A_748 : vector<64xi32> to vector<64x1xi32>
    %eq3A_750 = vector.broadcast %broadcast_in_dim3A_749 : vector<64x1xi32> to vector<64x4096xi32>
    %eq3A_751 = arith.cmpi eq, %iota3A, %eq3A_750 : vector<64x4096xi32>
    %jit3A_752 = arith.constant 0xFF800000 : f32
    %broadcast_in_dim3A_753 = vector.broadcast %jit3A_752 : f32 to vector<64x4096xf32>
    %select_n3A_754 = arith.select %eq3A_751, %broadcast_in_dim3A_753, %select_n3A_722 : vector<64x4096xi1>, vector<64x4096xf32>
    %reduce_max3A_755 = arith.constant dense<0xFF800000> : vector<64xf32>
    %reduce_max3A_756 = vector.multi_reduction <maximumf>, %select_n3A_738, %reduce_max3A_755 [1] : vector<64x4096xf32> to vector<64xf32>
    %broadcast_in_dim3A_757 = vector.shape_cast %reduce_max3A_756 : vector<64xf32> to vector<64x1xf32>
    %eq3A_758 = vector.broadcast %broadcast_in_dim3A_757 : vector<64x1xf32> to vector<64x4096xf32>
    %eq3A_759 = arith.cmpf oeq, %select_n3A_738, %eq3A_758 : vector<64x4096xf32>
    %jit3A_760 = arith.constant 4096 : i32
    %broadcast_in_dim3A_761 = vector.broadcast %jit3A_760 : i32 to vector<64x4096xi32>
    %select_n3A_762 = arith.select %eq3A_759, %iota3A, %broadcast_in_dim3A_761 : vector<64x4096xi1>, vector<64x4096xi32>
    %reduce_min3A_763 = arith.constant dense<2147483647> : vector<64xi32>
    %reduce_min3A_764 = vector.multi_reduction <minsi>, %select_n3A_762, %reduce_min3A_763 [1] : vector<64x4096xi32> to vector<64xi32>
    %broadcast_in_dim3A_765 = vector.shape_cast %reduce_min3A_764 : vector<64xi32> to vector<64x1xi32>
    %eq3A_766 = vector.broadcast %broadcast_in_dim3A_765 : vector<64x1xi32> to vector<64x4096xi32>
    %eq3A_767 = arith.cmpi eq, %iota3A, %eq3A_766 : vector<64x4096xi32>
    %jit3A_768 = arith.constant 0xFF800000 : f32
    %broadcast_in_dim3A_769 = vector.broadcast %jit3A_768 : f32 to vector<64x4096xf32>
    %select_n3A_770 = arith.select %eq3A_767, %broadcast_in_dim3A_769, %select_n3A_738 : vector<64x4096xi1>, vector<64x4096xf32>
    %reduce_max3A_771 = arith.constant dense<0xFF800000> : vector<64xf32>
    %reduce_max3A_772 = vector.multi_reduction <maximumf>, %select_n3A_754, %reduce_max3A_771 [1] : vector<64x4096xf32> to vector<64xf32>
    %broadcast_in_dim3A_773 = vector.shape_cast %reduce_max3A_772 : vector<64xf32> to vector<64x1xf32>
    %eq3A_774 = vector.broadcast %broadcast_in_dim3A_773 : vector<64x1xf32> to vector<64x4096xf32>
    %eq3A_775 = arith.cmpf oeq, %select_n3A_754, %eq3A_774 : vector<64x4096xf32>
    %jit3A_776 = arith.constant 4096 : i32
    %broadcast_in_dim3A_777 = vector.broadcast %jit3A_776 : i32 to vector<64x4096xi32>
    %select_n3A_778 = arith.select %eq3A_775, %iota3A, %broadcast_in_dim3A_777 : vector<64x4096xi1>, vector<64x4096xi32>
    %reduce_min3A_779 = arith.constant dense<2147483647> : vector<64xi32>
    %reduce_min3A_780 = vector.multi_reduction <minsi>, %select_n3A_778, %reduce_min3A_779 [1] : vector<64x4096xi32> to vector<64xi32>
    %broadcast_in_dim3A_781 = vector.shape_cast %reduce_min3A_780 : vector<64xi32> to vector<64x1xi32>
    %eq3A_782 = vector.broadcast %broadcast_in_dim3A_781 : vector<64x1xi32> to vector<64x4096xi32>
    %eq3A_783 = arith.cmpi eq, %iota3A, %eq3A_782 : vector<64x4096xi32>
    %jit3A_784 = arith.constant 0xFF800000 : f32
    %broadcast_in_dim3A_785 = vector.broadcast %jit3A_784 : f32 to vector<64x4096xf32>
    %select_n3A_786 = arith.select %eq3A_783, %broadcast_in_dim3A_785, %select_n3A_754 : vector<64x4096xi1>, vector<64x4096xf32>
    %reduce_max3A_787 = arith.constant dense<0xFF800000> : vector<64xf32>
    %reduce_max3A_788 = vector.multi_reduction <maximumf>, %select_n3A_770, %reduce_max3A_787 [1] : vector<64x4096xf32> to vector<64xf32>
    %broadcast_in_dim3A_789 = vector.shape_cast %reduce_max3A_788 : vector<64xf32> to vector<64x1xf32>
    %eq3A_790 = vector.broadcast %broadcast_in_dim3A_789 : vector<64x1xf32> to vector<64x4096xf32>
    %eq3A_791 = arith.cmpf oeq, %select_n3A_770, %eq3A_790 : vector<64x4096xf32>
    %jit3A_792 = arith.constant 4096 : i32
    %broadcast_in_dim3A_793 = vector.broadcast %jit3A_792 : i32 to vector<64x4096xi32>
    %select_n3A_794 = arith.select %eq3A_791, %iota3A, %broadcast_in_dim3A_793 : vector<64x4096xi1>, vector<64x4096xi32>
    %reduce_min3A_795 = arith.constant dense<2147483647> : vector<64xi32>
    %reduce_min3A_796 = vector.multi_reduction <minsi>, %select_n3A_794, %reduce_min3A_795 [1] : vector<64x4096xi32> to vector<64xi32>
    %broadcast_in_dim3A_797 = vector.shape_cast %reduce_min3A_796 : vector<64xi32> to vector<64x1xi32>
    %eq3A_798 = vector.broadcast %broadcast_in_dim3A_797 : vector<64x1xi32> to vector<64x4096xi32>
    %eq3A_799 = arith.cmpi eq, %iota3A, %eq3A_798 : vector<64x4096xi32>
    %jit3A_800 = arith.constant 0xFF800000 : f32
    %broadcast_in_dim3A_801 = vector.broadcast %jit3A_800 : f32 to vector<64x4096xf32>
    %select_n3A_802 = arith.select %eq3A_799, %broadcast_in_dim3A_801, %select_n3A_770 : vector<64x4096xi1>, vector<64x4096xf32>
    %reduce_max3A_803 = arith.constant dense<0xFF800000> : vector<64xf32>
    %reduce_max3A_804 = vector.multi_reduction <maximumf>, %select_n3A_786, %reduce_max3A_803 [1] : vector<64x4096xf32> to vector<64xf32>
    %broadcast_in_dim3A_805 = vector.shape_cast %reduce_max3A_804 : vector<64xf32> to vector<64x1xf32>
    %eq3A_806 = vector.broadcast %broadcast_in_dim3A_805 : vector<64x1xf32> to vector<64x4096xf32>
    %eq3A_807 = arith.cmpf oeq, %select_n3A_786, %eq3A_806 : vector<64x4096xf32>
    %jit3A_808 = arith.constant 4096 : i32
    %broadcast_in_dim3A_809 = vector.broadcast %jit3A_808 : i32 to vector<64x4096xi32>
    %select_n3A_810 = arith.select %eq3A_807, %iota3A, %broadcast_in_dim3A_809 : vector<64x4096xi1>, vector<64x4096xi32>
    %reduce_min3A_811 = arith.constant dense<2147483647> : vector<64xi32>
    %reduce_min3A_812 = vector.multi_reduction <minsi>, %select_n3A_810, %reduce_min3A_811 [1] : vector<64x4096xi32> to vector<64xi32>
    %broadcast_in_dim3A_813 = vector.shape_cast %reduce_min3A_812 : vector<64xi32> to vector<64x1xi32>
    %eq3A_814 = vector.broadcast %broadcast_in_dim3A_813 : vector<64x1xi32> to vector<64x4096xi32>
    %eq3A_815 = arith.cmpi eq, %iota3A, %eq3A_814 : vector<64x4096xi32>
    %jit3A_816 = arith.constant 0xFF800000 : f32
    %broadcast_in_dim3A_817 = vector.broadcast %jit3A_816 : f32 to vector<64x4096xf32>
    %select_n3A_818 = arith.select %eq3A_815, %broadcast_in_dim3A_817, %select_n3A_786 : vector<64x4096xi1>, vector<64x4096xf32>
    %reduce_max3A_819 = arith.constant dense<0xFF800000> : vector<64xf32>
    %reduce_max3A_820 = vector.multi_reduction <maximumf>, %select_n3A_802, %reduce_max3A_819 [1] : vector<64x4096xf32> to vector<64xf32>
    %broadcast_in_dim3A_821 = vector.shape_cast %reduce_max3A_820 : vector<64xf32> to vector<64x1xf32>
    %eq3A_822 = vector.broadcast %broadcast_in_dim3A_821 : vector<64x1xf32> to vector<64x4096xf32>
    %eq3A_823 = arith.cmpf oeq, %select_n3A_802, %eq3A_822 : vector<64x4096xf32>
    %jit3A_824 = arith.constant 4096 : i32
    %broadcast_in_dim3A_825 = vector.broadcast %jit3A_824 : i32 to vector<64x4096xi32>
    %select_n3A_826 = arith.select %eq3A_823, %iota3A, %broadcast_in_dim3A_825 : vector<64x4096xi1>, vector<64x4096xi32>
    %reduce_min3A_827 = arith.constant dense<2147483647> : vector<64xi32>
    %reduce_min3A_828 = vector.multi_reduction <minsi>, %select_n3A_826, %reduce_min3A_827 [1] : vector<64x4096xi32> to vector<64xi32>
    %broadcast_in_dim3A_829 = vector.shape_cast %reduce_min3A_828 : vector<64xi32> to vector<64x1xi32>
    %eq3A_830 = vector.broadcast %broadcast_in_dim3A_829 : vector<64x1xi32> to vector<64x4096xi32>
    %eq3A_831 = arith.cmpi eq, %iota3A, %eq3A_830 : vector<64x4096xi32>
    %jit3A_832 = arith.constant 0xFF800000 : f32
    %broadcast_in_dim3A_833 = vector.broadcast %jit3A_832 : f32 to vector<64x4096xf32>
    %select_n3A_834 = arith.select %eq3A_831, %broadcast_in_dim3A_833, %select_n3A_802 : vector<64x4096xi1>, vector<64x4096xf32>
    %reduce_max3A_835 = arith.constant dense<0xFF800000> : vector<64xf32>
    %reduce_max3A_836 = vector.multi_reduction <maximumf>, %select_n3A_818, %reduce_max3A_835 [1] : vector<64x4096xf32> to vector<64xf32>
    %broadcast_in_dim3A_837 = vector.shape_cast %reduce_max3A_836 : vector<64xf32> to vector<64x1xf32>
    %eq3A_838 = vector.broadcast %broadcast_in_dim3A_837 : vector<64x1xf32> to vector<64x4096xf32>
    %eq3A_839 = arith.cmpf oeq, %select_n3A_818, %eq3A_838 : vector<64x4096xf32>
    %jit3A_840 = arith.constant 4096 : i32
    %broadcast_in_dim3A_841 = vector.broadcast %jit3A_840 : i32 to vector<64x4096xi32>
    %select_n3A_842 = arith.select %eq3A_839, %iota3A, %broadcast_in_dim3A_841 : vector<64x4096xi1>, vector<64x4096xi32>
    %reduce_min3A_843 = arith.constant dense<2147483647> : vector<64xi32>
    %reduce_min3A_844 = vector.multi_reduction <minsi>, %select_n3A_842, %reduce_min3A_843 [1] : vector<64x4096xi32> to vector<64xi32>
    %broadcast_in_dim3A_845 = vector.shape_cast %reduce_min3A_844 : vector<64xi32> to vector<64x1xi32>
    %eq3A_846 = vector.broadcast %broadcast_in_dim3A_845 : vector<64x1xi32> to vector<64x4096xi32>
    %eq3A_847 = arith.cmpi eq, %iota3A, %eq3A_846 : vector<64x4096xi32>
    %jit3A_848 = arith.constant 0xFF800000 : f32
    %broadcast_in_dim3A_849 = vector.broadcast %jit3A_848 : f32 to vector<64x4096xf32>
    %select_n3A_850 = arith.select %eq3A_847, %broadcast_in_dim3A_849, %select_n3A_818 : vector<64x4096xi1>, vector<64x4096xf32>
    %reduce_max3A_851 = arith.constant dense<0xFF800000> : vector<64xf32>
    %reduce_max3A_852 = vector.multi_reduction <maximumf>, %select_n3A_834, %reduce_max3A_851 [1] : vector<64x4096xf32> to vector<64xf32>
    %broadcast_in_dim3A_853 = vector.shape_cast %reduce_max3A_852 : vector<64xf32> to vector<64x1xf32>
    %eq3A_854 = vector.broadcast %broadcast_in_dim3A_853 : vector<64x1xf32> to vector<64x4096xf32>
    %eq3A_855 = arith.cmpf oeq, %select_n3A_834, %eq3A_854 : vector<64x4096xf32>
    %jit3A_856 = arith.constant 4096 : i32
    %broadcast_in_dim3A_857 = vector.broadcast %jit3A_856 : i32 to vector<64x4096xi32>
    %select_n3A_858 = arith.select %eq3A_855, %iota3A, %broadcast_in_dim3A_857 : vector<64x4096xi1>, vector<64x4096xi32>
    %reduce_min3A_859 = arith.constant dense<2147483647> : vector<64xi32>
    %reduce_min3A_860 = vector.multi_reduction <minsi>, %select_n3A_858, %reduce_min3A_859 [1] : vector<64x4096xi32> to vector<64xi32>
    %broadcast_in_dim3A_861 = vector.shape_cast %reduce_min3A_860 : vector<64xi32> to vector<64x1xi32>
    %eq3A_862 = vector.broadcast %broadcast_in_dim3A_861 : vector<64x1xi32> to vector<64x4096xi32>
    %eq3A_863 = arith.cmpi eq, %iota3A, %eq3A_862 : vector<64x4096xi32>
    %jit3A_864 = arith.constant 0xFF800000 : f32
    %broadcast_in_dim3A_865 = vector.broadcast %jit3A_864 : f32 to vector<64x4096xf32>
    %select_n3A_866 = arith.select %eq3A_863, %broadcast_in_dim3A_865, %select_n3A_834 : vector<64x4096xi1>, vector<64x4096xf32>
    %reduce_max3A_867 = arith.constant dense<0xFF800000> : vector<64xf32>
    %reduce_max3A_868 = vector.multi_reduction <maximumf>, %select_n3A_850, %reduce_max3A_867 [1] : vector<64x4096xf32> to vector<64xf32>
    %broadcast_in_dim3A_869 = vector.shape_cast %reduce_max3A_868 : vector<64xf32> to vector<64x1xf32>
    %eq3A_870 = vector.broadcast %broadcast_in_dim3A_869 : vector<64x1xf32> to vector<64x4096xf32>
    %eq3A_871 = arith.cmpf oeq, %select_n3A_850, %eq3A_870 : vector<64x4096xf32>
    %jit3A_872 = arith.constant 4096 : i32
    %broadcast_in_dim3A_873 = vector.broadcast %jit3A_872 : i32 to vector<64x4096xi32>
    %select_n3A_874 = arith.select %eq3A_871, %iota3A, %broadcast_in_dim3A_873 : vector<64x4096xi1>, vector<64x4096xi32>
    %reduce_min3A_875 = arith.constant dense<2147483647> : vector<64xi32>
    %reduce_min3A_876 = vector.multi_reduction <minsi>, %select_n3A_874, %reduce_min3A_875 [1] : vector<64x4096xi32> to vector<64xi32>
    %broadcast_in_dim3A_877 = vector.shape_cast %reduce_min3A_876 : vector<64xi32> to vector<64x1xi32>
    %eq3A_878 = vector.broadcast %broadcast_in_dim3A_877 : vector<64x1xi32> to vector<64x4096xi32>
    %eq3A_879 = arith.cmpi eq, %iota3A, %eq3A_878 : vector<64x4096xi32>
    %jit3A_880 = arith.constant 0xFF800000 : f32
    %broadcast_in_dim3A_881 = vector.broadcast %jit3A_880 : f32 to vector<64x4096xf32>
    %select_n3A_882 = arith.select %eq3A_879, %broadcast_in_dim3A_881, %select_n3A_850 : vector<64x4096xi1>, vector<64x4096xf32>
    %reduce_max3A_883 = arith.constant dense<0xFF800000> : vector<64xf32>
    %reduce_max3A_884 = vector.multi_reduction <maximumf>, %select_n3A_866, %reduce_max3A_883 [1] : vector<64x4096xf32> to vector<64xf32>
    %broadcast_in_dim3A_885 = vector.shape_cast %reduce_max3A_884 : vector<64xf32> to vector<64x1xf32>
    %eq3A_886 = vector.broadcast %broadcast_in_dim3A_885 : vector<64x1xf32> to vector<64x4096xf32>
    %eq3A_887 = arith.cmpf oeq, %select_n3A_866, %eq3A_886 : vector<64x4096xf32>
    %jit3A_888 = arith.constant 4096 : i32
    %broadcast_in_dim3A_889 = vector.broadcast %jit3A_888 : i32 to vector<64x4096xi32>
    %select_n3A_890 = arith.select %eq3A_887, %iota3A, %broadcast_in_dim3A_889 : vector<64x4096xi1>, vector<64x4096xi32>
    %reduce_min3A_891 = arith.constant dense<2147483647> : vector<64xi32>
    %reduce_min3A_892 = vector.multi_reduction <minsi>, %select_n3A_890, %reduce_min3A_891 [1] : vector<64x4096xi32> to vector<64xi32>
    %broadcast_in_dim3A_893 = vector.shape_cast %reduce_min3A_892 : vector<64xi32> to vector<64x1xi32>
    %eq3A_894 = vector.broadcast %broadcast_in_dim3A_893 : vector<64x1xi32> to vector<64x4096xi32>
    %eq3A_895 = arith.cmpi eq, %iota3A, %eq3A_894 : vector<64x4096xi32>
    %jit3A_896 = arith.constant 0xFF800000 : f32
    %broadcast_in_dim3A_897 = vector.broadcast %jit3A_896 : f32 to vector<64x4096xf32>
    %select_n3A_898 = arith.select %eq3A_895, %broadcast_in_dim3A_897, %select_n3A_866 : vector<64x4096xi1>, vector<64x4096xf32>
    %reduce_max3A_899 = arith.constant dense<0xFF800000> : vector<64xf32>
    %reduce_max3A_900 = vector.multi_reduction <maximumf>, %select_n3A_882, %reduce_max3A_899 [1] : vector<64x4096xf32> to vector<64xf32>
    %broadcast_in_dim3A_901 = vector.shape_cast %reduce_max3A_900 : vector<64xf32> to vector<64x1xf32>
    %eq3A_902 = vector.broadcast %broadcast_in_dim3A_901 : vector<64x1xf32> to vector<64x4096xf32>
    %eq3A_903 = arith.cmpf oeq, %select_n3A_882, %eq3A_902 : vector<64x4096xf32>
    %jit3A_904 = arith.constant 4096 : i32
    %broadcast_in_dim3A_905 = vector.broadcast %jit3A_904 : i32 to vector<64x4096xi32>
    %select_n3A_906 = arith.select %eq3A_903, %iota3A, %broadcast_in_dim3A_905 : vector<64x4096xi1>, vector<64x4096xi32>
    %reduce_min3A_907 = arith.constant dense<2147483647> : vector<64xi32>
    %reduce_min3A_908 = vector.multi_reduction <minsi>, %select_n3A_906, %reduce_min3A_907 [1] : vector<64x4096xi32> to vector<64xi32>
    %broadcast_in_dim3A_909 = vector.shape_cast %reduce_min3A_908 : vector<64xi32> to vector<64x1xi32>
    %eq3A_910 = vector.broadcast %broadcast_in_dim3A_909 : vector<64x1xi32> to vector<64x4096xi32>
    %eq3A_911 = arith.cmpi eq, %iota3A, %eq3A_910 : vector<64x4096xi32>
    %jit3A_912 = arith.constant 0xFF800000 : f32
    %broadcast_in_dim3A_913 = vector.broadcast %jit3A_912 : f32 to vector<64x4096xf32>
    %select_n3A_914 = arith.select %eq3A_911, %broadcast_in_dim3A_913, %select_n3A_882 : vector<64x4096xi1>, vector<64x4096xf32>
    %reduce_max3A_915 = arith.constant dense<0xFF800000> : vector<64xf32>
    %reduce_max3A_916 = vector.multi_reduction <maximumf>, %select_n3A_898, %reduce_max3A_915 [1] : vector<64x4096xf32> to vector<64xf32>
    %broadcast_in_dim3A_917 = vector.shape_cast %reduce_max3A_916 : vector<64xf32> to vector<64x1xf32>
    %eq3A_918 = vector.broadcast %broadcast_in_dim3A_917 : vector<64x1xf32> to vector<64x4096xf32>
    %eq3A_919 = arith.cmpf oeq, %select_n3A_898, %eq3A_918 : vector<64x4096xf32>
    %jit3A_920 = arith.constant 4096 : i32
    %broadcast_in_dim3A_921 = vector.broadcast %jit3A_920 : i32 to vector<64x4096xi32>
    %select_n3A_922 = arith.select %eq3A_919, %iota3A, %broadcast_in_dim3A_921 : vector<64x4096xi1>, vector<64x4096xi32>
    %reduce_min3A_923 = arith.constant dense<2147483647> : vector<64xi32>
    %reduce_min3A_924 = vector.multi_reduction <minsi>, %select_n3A_922, %reduce_min3A_923 [1] : vector<64x4096xi32> to vector<64xi32>
    %broadcast_in_dim3A_925 = vector.shape_cast %reduce_min3A_924 : vector<64xi32> to vector<64x1xi32>
    %eq3A_926 = vector.broadcast %broadcast_in_dim3A_925 : vector<64x1xi32> to vector<64x4096xi32>
    %eq3A_927 = arith.cmpi eq, %iota3A, %eq3A_926 : vector<64x4096xi32>
    %jit3A_928 = arith.constant 0xFF800000 : f32
    %broadcast_in_dim3A_929 = vector.broadcast %jit3A_928 : f32 to vector<64x4096xf32>
    %select_n3A_930 = arith.select %eq3A_927, %broadcast_in_dim3A_929, %select_n3A_898 : vector<64x4096xi1>, vector<64x4096xf32>
    %reduce_max3A_931 = arith.constant dense<0xFF800000> : vector<64xf32>
    %reduce_max3A_932 = vector.multi_reduction <maximumf>, %select_n3A_914, %reduce_max3A_931 [1] : vector<64x4096xf32> to vector<64xf32>
    %broadcast_in_dim3A_933 = vector.shape_cast %reduce_max3A_932 : vector<64xf32> to vector<64x1xf32>
    %eq3A_934 = vector.broadcast %broadcast_in_dim3A_933 : vector<64x1xf32> to vector<64x4096xf32>
    %eq3A_935 = arith.cmpf oeq, %select_n3A_914, %eq3A_934 : vector<64x4096xf32>
    %jit3A_936 = arith.constant 4096 : i32
    %broadcast_in_dim3A_937 = vector.broadcast %jit3A_936 : i32 to vector<64x4096xi32>
    %select_n3A_938 = arith.select %eq3A_935, %iota3A, %broadcast_in_dim3A_937 : vector<64x4096xi1>, vector<64x4096xi32>
    %reduce_min3A_939 = arith.constant dense<2147483647> : vector<64xi32>
    %reduce_min3A_940 = vector.multi_reduction <minsi>, %select_n3A_938, %reduce_min3A_939 [1] : vector<64x4096xi32> to vector<64xi32>
    %broadcast_in_dim3A_941 = vector.shape_cast %reduce_min3A_940 : vector<64xi32> to vector<64x1xi32>
    %eq3A_942 = vector.broadcast %broadcast_in_dim3A_941 : vector<64x1xi32> to vector<64x4096xi32>
    %eq3A_943 = arith.cmpi eq, %iota3A, %eq3A_942 : vector<64x4096xi32>
    %jit3A_944 = arith.constant 0xFF800000 : f32
    %broadcast_in_dim3A_945 = vector.broadcast %jit3A_944 : f32 to vector<64x4096xf32>
    %select_n3A_946 = arith.select %eq3A_943, %broadcast_in_dim3A_945, %select_n3A_914 : vector<64x4096xi1>, vector<64x4096xf32>
    %reduce_max3A_947 = arith.constant dense<0xFF800000> : vector<64xf32>
    %reduce_max3A_948 = vector.multi_reduction <maximumf>, %select_n3A_930, %reduce_max3A_947 [1] : vector<64x4096xf32> to vector<64xf32>
    %broadcast_in_dim3A_949 = vector.shape_cast %reduce_max3A_948 : vector<64xf32> to vector<64x1xf32>
    %eq3A_950 = vector.broadcast %broadcast_in_dim3A_949 : vector<64x1xf32> to vector<64x4096xf32>
    %eq3A_951 = arith.cmpf oeq, %select_n3A_930, %eq3A_950 : vector<64x4096xf32>
    %jit3A_952 = arith.constant 4096 : i32
    %broadcast_in_dim3A_953 = vector.broadcast %jit3A_952 : i32 to vector<64x4096xi32>
    %select_n3A_954 = arith.select %eq3A_951, %iota3A, %broadcast_in_dim3A_953 : vector<64x4096xi1>, vector<64x4096xi32>
    %reduce_min3A_955 = arith.constant dense<2147483647> : vector<64xi32>
    %reduce_min3A_956 = vector.multi_reduction <minsi>, %select_n3A_954, %reduce_min3A_955 [1] : vector<64x4096xi32> to vector<64xi32>
    %broadcast_in_dim3A_957 = vector.shape_cast %reduce_min3A_956 : vector<64xi32> to vector<64x1xi32>
    %eq3A_958 = vector.broadcast %broadcast_in_dim3A_957 : vector<64x1xi32> to vector<64x4096xi32>
    %eq3A_959 = arith.cmpi eq, %iota3A, %eq3A_958 : vector<64x4096xi32>
    %jit3A_960 = arith.constant 0xFF800000 : f32
    %broadcast_in_dim3A_961 = vector.broadcast %jit3A_960 : f32 to vector<64x4096xf32>
    %select_n3A_962 = arith.select %eq3A_959, %broadcast_in_dim3A_961, %select_n3A_930 : vector<64x4096xi1>, vector<64x4096xf32>
    %reduce_max3A_963 = arith.constant dense<0xFF800000> : vector<64xf32>
    %reduce_max3A_964 = vector.multi_reduction <maximumf>, %select_n3A_946, %reduce_max3A_963 [1] : vector<64x4096xf32> to vector<64xf32>
    %broadcast_in_dim3A_965 = vector.shape_cast %reduce_max3A_964 : vector<64xf32> to vector<64x1xf32>
    %eq3A_966 = vector.broadcast %broadcast_in_dim3A_965 : vector<64x1xf32> to vector<64x4096xf32>
    %eq3A_967 = arith.cmpf oeq, %select_n3A_946, %eq3A_966 : vector<64x4096xf32>
    %jit3A_968 = arith.constant 4096 : i32
    %broadcast_in_dim3A_969 = vector.broadcast %jit3A_968 : i32 to vector<64x4096xi32>
    %select_n3A_970 = arith.select %eq3A_967, %iota3A, %broadcast_in_dim3A_969 : vector<64x4096xi1>, vector<64x4096xi32>
    %reduce_min3A_971 = arith.constant dense<2147483647> : vector<64xi32>
    %reduce_min3A_972 = vector.multi_reduction <minsi>, %select_n3A_970, %reduce_min3A_971 [1] : vector<64x4096xi32> to vector<64xi32>
    %broadcast_in_dim3A_973 = vector.shape_cast %reduce_min3A_972 : vector<64xi32> to vector<64x1xi32>
    %eq3A_974 = vector.broadcast %broadcast_in_dim3A_973 : vector<64x1xi32> to vector<64x4096xi32>
    %eq3A_975 = arith.cmpi eq, %iota3A, %eq3A_974 : vector<64x4096xi32>
    %jit3A_976 = arith.constant 0xFF800000 : f32
    %broadcast_in_dim3A_977 = vector.broadcast %jit3A_976 : f32 to vector<64x4096xf32>
    %select_n3A_978 = arith.select %eq3A_975, %broadcast_in_dim3A_977, %select_n3A_946 : vector<64x4096xi1>, vector<64x4096xf32>
    %reduce_max3A_979 = arith.constant dense<0xFF800000> : vector<64xf32>
    %reduce_max3A_980 = vector.multi_reduction <maximumf>, %select_n3A_962, %reduce_max3A_979 [1] : vector<64x4096xf32> to vector<64xf32>
    %broadcast_in_dim3A_981 = vector.shape_cast %reduce_max3A_980 : vector<64xf32> to vector<64x1xf32>
    %eq3A_982 = vector.broadcast %broadcast_in_dim3A_981 : vector<64x1xf32> to vector<64x4096xf32>
    %eq3A_983 = arith.cmpf oeq, %select_n3A_962, %eq3A_982 : vector<64x4096xf32>
    %jit3A_984 = arith.constant 4096 : i32
    %broadcast_in_dim3A_985 = vector.broadcast %jit3A_984 : i32 to vector<64x4096xi32>
    %select_n3A_986 = arith.select %eq3A_983, %iota3A, %broadcast_in_dim3A_985 : vector<64x4096xi1>, vector<64x4096xi32>
    %reduce_min3A_987 = arith.constant dense<2147483647> : vector<64xi32>
    %reduce_min3A_988 = vector.multi_reduction <minsi>, %select_n3A_986, %reduce_min3A_987 [1] : vector<64x4096xi32> to vector<64xi32>
    %broadcast_in_dim3A_989 = vector.shape_cast %reduce_min3A_988 : vector<64xi32> to vector<64x1xi32>
    %eq3A_990 = vector.broadcast %broadcast_in_dim3A_989 : vector<64x1xi32> to vector<64x4096xi32>
    %eq3A_991 = arith.cmpi eq, %iota3A, %eq3A_990 : vector<64x4096xi32>
    %jit3A_992 = arith.constant 0xFF800000 : f32
    %broadcast_in_dim3A_993 = vector.broadcast %jit3A_992 : f32 to vector<64x4096xf32>
    %select_n3A_994 = arith.select %eq3A_991, %broadcast_in_dim3A_993, %select_n3A_962 : vector<64x4096xi1>, vector<64x4096xf32>
    %reduce_max3A_995 = arith.constant dense<0xFF800000> : vector<64xf32>
    %reduce_max3A_996 = vector.multi_reduction <maximumf>, %select_n3A_978, %reduce_max3A_995 [1] : vector<64x4096xf32> to vector<64xf32>
    %broadcast_in_dim3A_997 = vector.shape_cast %reduce_max3A_996 : vector<64xf32> to vector<64x1xf32>
    %eq3A_998 = vector.broadcast %broadcast_in_dim3A_997 : vector<64x1xf32> to vector<64x4096xf32>
    %eq3A_999 = arith.cmpf oeq, %select_n3A_978, %eq3A_998 : vector<64x4096xf32>
    %jit3A_1000 = arith.constant 4096 : i32
    %broadcast_in_dim3A_1001 = vector.broadcast %jit3A_1000 : i32 to vector<64x4096xi32>
    %select_n3A_1002 = arith.select %eq3A_999, %iota3A, %broadcast_in_dim3A_1001 : vector<64x4096xi1>, vector<64x4096xi32>
    %reduce_min3A_1003 = arith.constant dense<2147483647> : vector<64xi32>
    %reduce_min3A_1004 = vector.multi_reduction <minsi>, %select_n3A_1002, %reduce_min3A_1003 [1] : vector<64x4096xi32> to vector<64xi32>
    %broadcast_in_dim3A_1005 = vector.shape_cast %reduce_min3A_1004 : vector<64xi32> to vector<64x1xi32>
    %reduce_max3A_1006 = arith.constant dense<0xFF800000> : vector<64xf32>
    %reduce_max3A_1007 = vector.multi_reduction <maximumf>, %select_n3A_994, %reduce_max3A_1006 [1] : vector<64x4096xf32> to vector<64xf32>
    %broadcast_in_dim3A_1008 = vector.shape_cast %reduce_max3A_1007 : vector<64xf32> to vector<64x1xf32>
    %eq3A_1009 = vector.broadcast %broadcast_in_dim3A_1008 : vector<64x1xf32> to vector<64x4096xf32>
    %eq3A_1010 = arith.cmpf oeq, %select_n3A_994, %eq3A_1009 : vector<64x4096xf32>
    %jit3A_1011 = arith.constant 4096 : i32
    %broadcast_in_dim3A_1012 = vector.broadcast %jit3A_1011 : i32 to vector<64x4096xi32>
    %select_n3A_1013 = arith.select %eq3A_1010, %iota3A, %broadcast_in_dim3A_1012 : vector<64x4096xi1>, vector<64x4096xi32>
    %reduce_min3A_1014 = arith.constant dense<2147483647> : vector<64xi32>
    %reduce_min3A_1015 = vector.multi_reduction <minsi>, %select_n3A_1013, %reduce_min3A_1014 [1] : vector<64x4096xi32> to vector<64xi32>
    %broadcast_in_dim3A_1016 = vector.shape_cast %reduce_min3A_1015 : vector<64xi32> to vector<64x1xi32>
    %concatenate3A = tpu.concatenate %broadcast_in_dim3A, %broadcast_in_dim3A_37, %broadcast_in_dim3A_69, %broadcast_in_dim3A_101, %broadcast_in_dim3A_133, %broadcast_in_dim3A_165, %broadcast_in_dim3A_197, %broadcast_in_dim3A_229, %broadcast_in_dim3A_261, %broadcast_in_dim3A_293, %broadcast_in_dim3A_325, %broadcast_in_dim3A_357, %broadcast_in_dim3A_389, %broadcast_in_dim3A_421, %broadcast_in_dim3A_453, %broadcast_in_dim3A_485, %broadcast_in_dim3A_517, %broadcast_in_dim3A_549, %broadcast_in_dim3A_581, %broadcast_in_dim3A_613, %broadcast_in_dim3A_645, %broadcast_in_dim3A_677, %broadcast_in_dim3A_709, %broadcast_in_dim3A_741, %broadcast_in_dim3A_773, %broadcast_in_dim3A_805, %broadcast_in_dim3A_837, %broadcast_in_dim3A_869, %broadcast_in_dim3A_901, %broadcast_in_dim3A_933, %broadcast_in_dim3A_965, %broadcast_in_dim3A_997 in 1 : vector<64x1xf32>, vector<64x1xf32>, vector<64x1xf32>, vector<64x1xf32>, vector<64x1xf32>, vector<64x1xf32>, vector<64x1xf32>, vector<64x1xf32>, vector<64x1xf32>, vector<64x1xf32>, vector<64x1xf32>, vector<64x1xf32>, vector<64x1xf32>, vector<64x1xf32>, vector<64x1xf32>, vector<64x1xf32>, vector<64x1xf32>, vector<64x1xf32>, vector<64x1xf32>, vector<64x1xf32>, vector<64x1xf32>, vector<64x1xf32>, vector<64x1xf32>, vector<64x1xf32>, vector<64x1xf32>, vector<64x1xf32>, vector<64x1xf32>, vector<64x1xf32>, vector<64x1xf32>, vector<64x1xf32>, vector<64x1xf32>, vector<64x1xf32> -> vector<64x32xf32>
    %concatenate3A_1017 = tpu.concatenate %broadcast_in_dim3A_21, %broadcast_in_dim3A_53, %broadcast_in_dim3A_85, %broadcast_in_dim3A_117, %broadcast_in_dim3A_149, %broadcast_in_dim3A_181, %broadcast_in_dim3A_213, %broadcast_in_dim3A_245, %broadcast_in_dim3A_277, %broadcast_in_dim3A_309, %broadcast_in_dim3A_341, %broadcast_in_dim3A_373, %broadcast_in_dim3A_405, %broadcast_in_dim3A_437, %broadcast_in_dim3A_469, %broadcast_in_dim3A_501, %broadcast_in_dim3A_533, %broadcast_in_dim3A_565, %broadcast_in_dim3A_597, %broadcast_in_dim3A_629, %broadcast_in_dim3A_661, %broadcast_in_dim3A_693, %broadcast_in_dim3A_725, %broadcast_in_dim3A_757, %broadcast_in_dim3A_789, %broadcast_in_dim3A_821, %broadcast_in_dim3A_853, %broadcast_in_dim3A_885, %broadcast_in_dim3A_917, %broadcast_in_dim3A_949, %broadcast_in_dim3A_981, %broadcast_in_dim3A_1008 in 1 : vector<64x1xf32>, vector<64x1xf32>, vector<64x1xf32>, vector<64x1xf32>, vector<64x1xf32>, vector<64x1xf32>, vector<64x1xf32>, vector<64x1xf32>, vector<64x1xf32>, vector<64x1xf32>, vector<64x1xf32>, vector<64x1xf32>, vector<64x1xf32>, vector<64x1xf32>, vector<64x1xf32>, vector<64x1xf32>, vector<64x1xf32>, vector<64x1xf32>, vector<64x1xf32>, vector<64x1xf32>, vector<64x1xf32>, vector<64x1xf32>, vector<64x1xf32>, vector<64x1xf32>, vector<64x1xf32>, vector<64x1xf32>, vector<64x1xf32>, vector<64x1xf32>, vector<64x1xf32>, vector<64x1xf32>, vector<64x1xf32>, vector<64x1xf32> -> vector<64x32xf32>
    %concatenate3A_1018 = tpu.concatenate %concatenate3A, %concatenate3A_1017 in 0 : vector<64x32xf32>, vector<64x32xf32> -> vector<128x32xf32>
    %swap3A = arith.constant 0 : index
    %swap3A_1019 = arith.constant 0 : index
    %swap3A_1020 = arith.constant 0 : index
    %swap3A_1021 = vector.load %arg3[%swap3A, %swap3A_1019, %swap3A_1020] : memref<1x128x32xf32, #tpu.memory_space<vmem>>, vector<1x128x32xf32>
    %swap3A_1022 = vector.shape_cast %swap3A_1021 : vector<1x128x32xf32> to vector<128x32xf32>
    %swap3A_1023 = vector.shape_cast %concatenate3A_1018 : vector<128x32xf32> to vector<1x128x32xf32>
    tpu.vector_store %arg3[%swap3A, %swap3A_1019, %swap3A_1020], %swap3A_1023 {strides = array<i32>} : memref<1x128x32xf32, #tpu.memory_space<vmem>>, vector<1x128x32xf32>,
    %concatenate3A_1024 = tpu.concatenate %broadcast_in_dim3A_13, %broadcast_in_dim3A_45, %broadcast_in_dim3A_77, %broadcast_in_dim3A_109, %broadcast_in_dim3A_141, %broadcast_in_dim3A_173, %broadcast_in_dim3A_205, %broadcast_in_dim3A_237, %broadcast_in_dim3A_269, %broadcast_in_dim3A_301, %broadcast_in_dim3A_333, %broadcast_in_dim3A_365, %broadcast_in_dim3A_397, %broadcast_in_dim3A_429, %broadcast_in_dim3A_461, %broadcast_in_dim3A_493, %broadcast_in_dim3A_525, %broadcast_in_dim3A_557, %broadcast_in_dim3A_589, %broadcast_in_dim3A_621, %broadcast_in_dim3A_653, %broadcast_in_dim3A_685, %broadcast_in_dim3A_717, %broadcast_in_dim3A_749, %broadcast_in_dim3A_781, %broadcast_in_dim3A_813, %broadcast_in_dim3A_845, %broadcast_in_dim3A_877, %broadcast_in_dim3A_909, %broadcast_in_dim3A_941, %broadcast_in_dim3A_973, %broadcast_in_dim3A_1005 in 1 : vector<64x1xi32>, vector<64x1xi32>, vector<64x1xi32>, vector<64x1xi32>, vector<64x1xi32>, vector<64x1xi32>, vector<64x1xi32>, vector<64x1xi32>, vector<64x1xi32>, vector<64x1xi32>, vector<64x1xi32>, vector<64x1xi32>, vector<64x1xi32>, vector<64x1xi32>, vector<64x1xi32>, vector<64x1xi32>, vector<64x1xi32>, vector<64x1xi32>, vector<64x1xi32>, vector<64x1xi32>, vector<64x1xi32>, vector<64x1xi32>, vector<64x1xi32>, vector<64x1xi32>, vector<64x1xi32>, vector<64x1xi32>, vector<64x1xi32>, vector<64x1xi32>, vector<64x1xi32>, vector<64x1xi32>, vector<64x1xi32>, vector<64x1xi32> -> vector<64x32xi32>
    %concatenate3A_1025 = tpu.concatenate %broadcast_in_dim3A_29, %broadcast_in_dim3A_61, %broadcast_in_dim3A_93, %broadcast_in_dim3A_125, %broadcast_in_dim3A_157, %broadcast_in_dim3A_189, %broadcast_in_dim3A_221, %broadcast_in_dim3A_253, %broadcast_in_dim3A_285, %broadcast_in_dim3A_317, %broadcast_in_dim3A_349, %broadcast_in_dim3A_381, %broadcast_in_dim3A_413, %broadcast_in_dim3A_445, %broadcast_in_dim3A_477, %broadcast_in_dim3A_509, %broadcast_in_dim3A_541, %broadcast_in_dim3A_573, %broadcast_in_dim3A_605, %broadcast_in_dim3A_637, %broadcast_in_dim3A_669, %broadcast_in_dim3A_701, %broadcast_in_dim3A_733, %broadcast_in_dim3A_765, %broadcast_in_dim3A_797, %broadcast_in_dim3A_829, %broadcast_in_dim3A_861, %broadcast_in_dim3A_893, %broadcast_in_dim3A_925, %broadcast_in_dim3A_957, %broadcast_in_dim3A_989, %broadcast_in_dim3A_1016 in 1 : vector<64x1xi32>, vector<64x1xi32>, vector<64x1xi32>, vector<64x1xi32>, vector<64x1xi32>, vector<64x1xi32>, vector<64x1xi32>, vector<64x1xi32>, vector<64x1xi32>, vector<64x1xi32>, vector<64x1xi32>, vector<64x1xi32>, vector<64x1xi32>, vector<64x1xi32>, vector<64x1xi32>, vector<64x1xi32>, vector<64x1xi32>, vector<64x1xi32>, vector<64x1xi32>, vector<64x1xi32>, vector<64x1xi32>, vector<64x1xi32>, vector<64x1xi32>, vector<64x1xi32>, vector<64x1xi32>, vector<64x1xi32>, vector<64x1xi32>, vector<64x1xi32>, vector<64x1xi32>, vector<64x1xi32>, vector<64x1xi32>, vector<64x1xi32> -> vector<64x32xi32>
    %concatenate3A_1026 = tpu.concatenate %concatenate3A_1024, %concatenate3A_1025 in 0 : vector<64x32xi32>, vector<64x32xi32> -> vector<128x32xi32>
    %swap3A_1027 = arith.constant 0 : index
    %swap3A_1028 = arith.constant 0 : index
    %swap3A_1029 = arith.constant 0 : index
    %swap3A_1030 = vector.load %arg4[%swap3A_1027, %swap3A_1028, %swap3A_1029] : memref<1x128x32xi32, #tpu.memory_space<vmem>>, vector<1x128x32xi32>
    %swap3A_1031 = vector.shape_cast %swap3A_1030 : vector<1x128x32xi32> to vector<128x32xi32>
    %swap3A_1032 = vector.shape_cast %concatenate3A_1026 : vector<128x32xi32> to vector<1x128x32xi32>
    tpu.vector_store %arg4[%swap3A_1027, %swap3A_1028, %swap3A_1029], %swap3A_1032 {strides = array<i32>} : memref<1x128x32xi32, #tpu.memory_space<vmem>>, vector<1x128x32xi32>,
    return
  }
  func.func @transform_0(%arg0: i32, %arg1: i32) -> (i32, i32, i32) {
    %c0_i32 = arith.constant 0 : i32
    %c0_i32_0 = arith.constant 0 : i32
    return %arg0, %arg1, %c0_i32 : i32, i32, i32
  }
  func.func @transform_1(%arg0: i32, %arg1: i32) -> (i32, i32, i32) {
    %c0_i32 = arith.constant 0 : i32
    %c0_i32_0 = arith.constant 0 : i32
    return %arg0, %arg1, %c0_i32 : i32, i32, i32
  }
  func.func @transform_2(%arg0: i32, %arg1: i32) -> (i32, i32, i32) {
    %c0_i32 = arith.constant 0 : i32
    %c0_i32_0 = arith.constant 0 : i32
    return %arg0, %arg1, %c0_i32 : i32, i32, i32
  }
}

module attributes {stable_mosaic.version = 14 : i64} {
  func.func @_proj_body(%arg0: i32, %arg1: i32, %arg2: memref<1x512x192xf32, #tpu.memory_space<vmem>>, %arg3: memref<576x192xf32, #tpu.memory_space<vmem>>, %arg4: memref<1x192xf32, #tpu.memory_space<vmem>>, %arg5: memref<1x192xf32, #tpu.memory_space<vmem>>, %arg6: memref<1x512x640xf32, #tpu.memory_space<vmem>>) attributes {dimension_semantics = [#tpu.dimension_semantics<arbitrary>, #tpu.dimension_semantics<arbitrary>], iteration_bounds = array<i64: 4, 8>, scalar_prefetch = 0 : i64, scratch_operands = 0 : i64, tpu.core_type = #tpu.core_type<tc>, window_params = [{transform_indices = @transform_0, window_bounds = array<i64: 1, 512, 192>}, {pipeline_mode = #tpu.pipeline_mode<synchronous>, transform_indices = @transform_1, window_bounds = array<i64: 576, 192>}, {pipeline_mode = #tpu.pipeline_mode<synchronous>, transform_indices = @transform_2, window_bounds = array<i64: 1, 192>}, {pipeline_mode = #tpu.pipeline_mode<synchronous>, transform_indices = @transform_3, window_bounds = array<i64: 1, 192>}, {transform_indices = @transform_4, window_bounds = array<i64: 1, 512, 640>}]} {
    %get3A = arith.constant 0 : index
    %get3A_0 = arith.constant 0 : index
    %get3A_1 = arith.constant 0 : index
    %get3A_2 = vector.load %arg2[%get3A, %get3A_0, %get3A_1] : memref<1x512x192xf32, #tpu.memory_space<vmem>>, vector<1x512x192xf32>
    %get3A_3 = vector.shape_cast %get3A_2 : vector<1x512x192xf32> to vector<512x192xf32>
    %reduce_sum3A = arith.constant dense<0.000000e+00> : vector<512xf32>
    %reduce_sum3A_4 = vector.multi_reduction <add>, %get3A_3, %reduce_sum3A [1] : vector<512x192xf32> to vector<512xf32>
    %broadcast_in_dim3A = vector.shape_cast %reduce_sum3A_4 : vector<512xf32> to vector<512x1xf32>
    %div3A = arith.constant 1.920000e+02 : f32
    %div3A_5 = vector.broadcast %div3A : f32 to vector<512x1xf32>
    %div3A_6 = arith.divf %broadcast_in_dim3A, %div3A_5 : vector<512x1xf32>
    %sub3A = vector.broadcast %div3A_6 : vector<512x1xf32> to vector<512x192xf32>
    %sub3A_7 = arith.subf %get3A_3, %sub3A : vector<512x192xf32>
    %mul3A = arith.mulf %sub3A_7, %sub3A_7 : vector<512x192xf32>
    %reduce_sum3A_8 = arith.constant dense<0.000000e+00> : vector<512xf32>
    %reduce_sum3A_9 = vector.multi_reduction <add>, %mul3A, %reduce_sum3A_8 [1] : vector<512x192xf32> to vector<512xf32>
    %broadcast_in_dim3A_10 = vector.shape_cast %reduce_sum3A_9 : vector<512xf32> to vector<512x1xf32>
    %div3A_11 = arith.constant 1.920000e+02 : f32
    %div3A_12 = vector.broadcast %div3A_11 : f32 to vector<512x1xf32>
    %div3A_13 = arith.divf %broadcast_in_dim3A_10, %div3A_12 : vector<512x1xf32>
    %add3A = arith.constant 9.99999997E-7 : f32
    %add3A_14 = vector.broadcast %add3A : f32 to vector<512x1xf32>
    %add3A_15 = arith.addf %div3A_13, %add3A_14 : vector<512x1xf32>
    %rsqrt3A = math.rsqrt %add3A_15 : vector<512x1xf32>
    %mul3A_16 = vector.broadcast %rsqrt3A : vector<512x1xf32> to vector<512x192xf32>
    %mul3A_17 = arith.mulf %sub3A_7, %mul3A_16 : vector<512x192xf32>
    %get3A_18 = arith.constant 0 : index
    %get3A_19 = arith.constant 0 : index
    %get3A_20 = vector.load %arg4[%get3A_18, %get3A_19] : memref<1x192xf32, #tpu.memory_space<vmem>>, vector<1x192xf32>
    %get3A_21 = vector.shape_cast %get3A_20 : vector<1x192xf32> to vector<192xf32>
    %broadcast_in_dim3A_22 = vector.shape_cast %get3A_21 : vector<192xf32> to vector<1x192xf32>
    %mul3A_23 = vector.broadcast %broadcast_in_dim3A_22 : vector<1x192xf32> to vector<512x192xf32>
    %mul3A_24 = arith.mulf %mul3A_17, %mul3A_23 : vector<512x192xf32>
    %get3A_25 = arith.constant 0 : index
    %get3A_26 = arith.constant 0 : index
    %get3A_27 = vector.load %arg5[%get3A_25, %get3A_26] : memref<1x192xf32, #tpu.memory_space<vmem>>, vector<1x192xf32>
    %get3A_28 = vector.shape_cast %get3A_27 : vector<1x192xf32> to vector<192xf32>
    %broadcast_in_dim3A_29 = vector.shape_cast %get3A_28 : vector<192xf32> to vector<1x192xf32>
    %add3A_30 = vector.broadcast %broadcast_in_dim3A_29 : vector<1x192xf32> to vector<512x192xf32>
    %add3A_31 = arith.addf %mul3A_24, %add3A_30 : vector<512x192xf32>
    %get3A_32 = arith.constant 0 : index
    %get3A_33 = arith.constant 0 : index
    %get3A_34 = vector.load %arg3[%get3A_32, %get3A_33] : memref<576x192xf32, #tpu.memory_space<vmem>>, vector<576x192xf32>
    %dot_general3A = arith.constant dense<0.000000e+00> : vector<512x576xf32>
    %dot_general3A_35 = tpu.matmul %add3A_31, %get3A_34, %dot_general3A {dimension_numbers = #tpu.dot_dimension_numbers<[1], [1], [0], [0], [0, 0, 1, 0], [], []>, transpose_lhs_hint = false} : vector<512x192xf32>, vector<576x192xf32>, vector<512x576xf32> -> vector<512x576xf32>
    %broadcast_in_dim3A_36 = arith.constant 0.000000e+00 : f32
    %broadcast_in_dim3A_37 = vector.broadcast %broadcast_in_dim3A_36 : f32 to vector<512x64xf32>
    %concatenate3A = tpu.concatenate %dot_general3A_35, %broadcast_in_dim3A_37 in 1 : vector<512x576xf32>, vector<512x64xf32> -> vector<512x640xf32>
    %swap3A = arith.constant 0 : index
    %swap3A_38 = arith.constant 0 : index
    %swap3A_39 = arith.constant 0 : index
    %swap3A_40 = vector.load %arg6[%swap3A, %swap3A_38, %swap3A_39] : memref<1x512x640xf32, #tpu.memory_space<vmem>>, vector<1x512x640xf32>
    %swap3A_41 = vector.shape_cast %swap3A_40 : vector<1x512x640xf32> to vector<512x640xf32>
    %swap3A_42 = vector.shape_cast %concatenate3A : vector<512x640xf32> to vector<1x512x640xf32>
    tpu.vector_store %arg6[%swap3A, %swap3A_38, %swap3A_39], %swap3A_42 {strides = array<i32>} : memref<1x512x640xf32, #tpu.memory_space<vmem>>, vector<1x512x640xf32>,
    return
  }
  func.func @transform_0(%arg0: i32, %arg1: i32) -> (i32, i32, i32) {
    %c0_i32 = arith.constant 0 : i32
    %c0_i32_0 = arith.constant 0 : i32
    return %arg0, %arg1, %c0_i32 : i32, i32, i32
  }
  func.func @transform_1(%arg0: i32, %arg1: i32) -> (i32, i32) {
    %c0_i32 = arith.constant 0 : i32
    %c0_i32_0 = arith.constant 0 : i32
    %c0_i32_1 = arith.constant 0 : i32
    return %c0_i32, %c0_i32_0 : i32, i32
  }
  func.func @transform_2(%arg0: i32, %arg1: i32) -> (i32, i32) {
    %c0_i32 = arith.constant 0 : i32
    %c0_i32_0 = arith.constant 0 : i32
    %c0_i32_1 = arith.constant 0 : i32
    return %c0_i32, %c0_i32_0 : i32, i32
  }
  func.func @transform_3(%arg0: i32, %arg1: i32) -> (i32, i32) {
    %c0_i32 = arith.constant 0 : i32
    %c0_i32_0 = arith.constant 0 : i32
    %c0_i32_1 = arith.constant 0 : i32
    return %c0_i32, %c0_i32_0 : i32, i32
  }
  func.func @transform_4(%arg0: i32, %arg1: i32) -> (i32, i32, i32) {
    %c0_i32 = arith.constant 0 : i32
    %c0_i32_0 = arith.constant 0 : i32
    return %arg0, %arg1, %c0_i32 : i32, i32, i32
  }
}

module attributes {stable_mosaic.version = 14 : i64} {
  func.func @_attn_body(%arg0: i32, %arg1: memref<8x32x640xf32, #tpu.memory_space<vmem>>, %arg2: memref<8x32x1xf32, #tpu.memory_space<vmem>>, %arg3: memref<8x32x192xbf16, #tpu.memory_space<vmem>>) attributes {dimension_semantics = [#tpu.dimension_semantics<arbitrary>], iteration_bounds = array<i64: 512>, scalar_prefetch = 0 : i64, scratch_operands = 0 : i64, tpu.core_type = #tpu.core_type<tc>, window_params = [{transform_indices = @transform_0, window_bounds = array<i64: 8, 32, 640>}, {transform_indices = @transform_1, window_bounds = array<i64: 8, 32, 1>}, {transform_indices = @transform_2, window_bounds = array<i64: 8, 32, 192>}]} {
    %iota3A = tpu.iota {dimensions = array<i32: 0>} : vector<192x192xi32>
    %jit3A = arith.constant 32 : i32
    %div3A = vector.broadcast %jit3A : i32 to vector<192x192xi32>
    %div3A_0 = arith.divsi %iota3A, %div3A : vector<192x192xi32>
    %sign3A = arith.constant 0 : i32
    %sign3A_1 = vector.broadcast %sign3A : i32 to vector<192x192xi32>
    %sign3A_2 = arith.cmpi sgt, %iota3A, %sign3A_1 : vector<192x192xi32>
    %sign3A_3 = arith.extui %sign3A_2 : vector<192x192xi1> to vector<192x192xi32>
    %sign3A_4 = arith.constant 0 : i32
    %sign3A_5 = vector.broadcast %sign3A_4 : i32 to vector<192x192xi32>
    %sign3A_6 = arith.cmpi slt, %iota3A, %sign3A_5 : vector<192x192xi32>
    %sign3A_7 = arith.extui %sign3A_6 : vector<192x192xi1> to vector<192x192xi32>
    %sign3A_8 = arith.subi %sign3A_3, %sign3A_7 : vector<192x192xi32>
    %sign3A_9 = arith.constant 0 : i32
    %sign3A_10 = arith.cmpi sgt, %jit3A, %sign3A_9 : i32
    %sign3A_11 = arith.extui %sign3A_10 : i1 to i32
    %sign3A_12 = arith.constant 0 : i32
    %sign3A_13 = arith.cmpi slt, %jit3A, %sign3A_12 : i32
    %sign3A_14 = arith.extui %sign3A_13 : i1 to i32
    %sign3A_15 = arith.subi %sign3A_11, %sign3A_14 : i32
    %ne3A = vector.broadcast %sign3A_15 : i32 to vector<192x192xi32>
    %ne3A_16 = arith.cmpi ne, %sign3A_8, %ne3A : vector<192x192xi32>
    %rem3A = vector.broadcast %jit3A : i32 to vector<192x192xi32>
    %rem3A_17 = arith.remsi %iota3A, %rem3A : vector<192x192xi32>
    %ne3A_18 = arith.constant 0 : i32
    %ne3A_19 = vector.broadcast %ne3A_18 : i32 to vector<192x192xi32>
    %ne3A_20 = arith.cmpi ne, %rem3A_17, %ne3A_19 : vector<192x192xi32>
    %and3A = arith.andi %ne3A_16, %ne3A_20 : vector<192x192xi1>
    %sub3A = arith.constant 1 : i32
    %sub3A_21 = vector.broadcast %sub3A : i32 to vector<192x192xi32>
    %sub3A_22 = arith.subi %div3A_0, %sub3A_21 : vector<192x192xi32>
    %select_n3A = arith.select %and3A, %sub3A_22, %div3A_0 : vector<192x192xi1>, vector<192x192xi32>
    %iota3A_23 = tpu.iota {dimensions = array<i32: 1>} : vector<192x192xi32>
    %jit3A_24 = arith.constant 32 : i32
    %div3A_25 = vector.broadcast %jit3A_24 : i32 to vector<192x192xi32>
    %div3A_26 = arith.divsi %iota3A_23, %div3A_25 : vector<192x192xi32>
    %sign3A_27 = arith.constant 0 : i32
    %sign3A_28 = vector.broadcast %sign3A_27 : i32 to vector<192x192xi32>
    %sign3A_29 = arith.cmpi sgt, %iota3A_23, %sign3A_28 : vector<192x192xi32>
    %sign3A_30 = arith.extui %sign3A_29 : vector<192x192xi1> to vector<192x192xi32>
    %sign3A_31 = arith.constant 0 : i32
    %sign3A_32 = vector.broadcast %sign3A_31 : i32 to vector<192x192xi32>
    %sign3A_33 = arith.cmpi slt, %iota3A_23, %sign3A_32 : vector<192x192xi32>
    %sign3A_34 = arith.extui %sign3A_33 : vector<192x192xi1> to vector<192x192xi32>
    %sign3A_35 = arith.subi %sign3A_30, %sign3A_34 : vector<192x192xi32>
    %sign3A_36 = arith.constant 0 : i32
    %sign3A_37 = arith.cmpi sgt, %jit3A_24, %sign3A_36 : i32
    %sign3A_38 = arith.extui %sign3A_37 : i1 to i32
    %sign3A_39 = arith.constant 0 : i32
    %sign3A_40 = arith.cmpi slt, %jit3A_24, %sign3A_39 : i32
    %sign3A_41 = arith.extui %sign3A_40 : i1 to i32
    %sign3A_42 = arith.subi %sign3A_38, %sign3A_41 : i32
    %ne3A_43 = vector.broadcast %sign3A_42 : i32 to vector<192x192xi32>
    %ne3A_44 = arith.cmpi ne, %sign3A_35, %ne3A_43 : vector<192x192xi32>
    %rem3A_45 = vector.broadcast %jit3A_24 : i32 to vector<192x192xi32>
    %rem3A_46 = arith.remsi %iota3A_23, %rem3A_45 : vector<192x192xi32>
    %ne3A_47 = arith.constant 0 : i32
    %ne3A_48 = vector.broadcast %ne3A_47 : i32 to vector<192x192xi32>
    %ne3A_49 = arith.cmpi ne, %rem3A_46, %ne3A_48 : vector<192x192xi32>
    %and3A_50 = arith.andi %ne3A_44, %ne3A_49 : vector<192x192xi1>
    %sub3A_51 = arith.constant 1 : i32
    %sub3A_52 = vector.broadcast %sub3A_51 : i32 to vector<192x192xi32>
    %sub3A_53 = arith.subi %div3A_26, %sub3A_52 : vector<192x192xi32>
    %select_n3A_54 = arith.select %and3A_50, %sub3A_53, %div3A_26 : vector<192x192xi1>, vector<192x192xi32>
    %eq3A = arith.cmpi eq, %select_n3A, %select_n3A_54 : vector<192x192xi32>
    %jit3A_55 = arith.constant 0.000000e+00 : f32
    %jit3A_56 = arith.constant -1.000000e+30 : f32
    %broadcast_in_dim3A = vector.broadcast %jit3A_55 : f32 to vector<192x192xf32>
    %broadcast_in_dim3A_57 = vector.broadcast %jit3A_56 : f32 to vector<192x192xf32>
    %select_n3A_58 = arith.select %eq3A, %broadcast_in_dim3A, %broadcast_in_dim3A_57 : vector<192x192xi1>, vector<192x192xf32>
    %get3A = arith.constant 0 : index
    %get3A_59 = arith.constant 0 : index
    %get3A_60 = arith.constant 0 : index
    %get3A_61 = vector.load %arg1[%get3A, %get3A_59, %get3A_60] : memref<8x32x640xf32, #tpu.memory_space<vmem>>, vector<1x32x640xf32>
    %get3A_62 = vector.shape_cast %get3A_61 : vector<1x32x640xf32> to vector<32x640xf32>
    %get3A_63 = arith.constant 0 : index
    %get3A_64 = arith.constant 0 : index
    %get3A_65 = arith.constant 0 : index
    %get3A_66 = vector.load %arg2[%get3A_63, %get3A_64, %get3A_65] : memref<8x32x1xf32, #tpu.memory_space<vmem>>, vector<1x32x1xf32>
    %get3A_67 = vector.shape_cast %get3A_66 : vector<1x32x1xf32> to vector<32x1xf32>
    %slice3A = vector.extract_strided_slice %get3A_62 {offsets = [0, 0], sizes = [32, 192], strides = [1, 1]} : vector<32x640xf32> to vector<32x192xf32>
    %slice3A_68 = vector.extract_strided_slice %get3A_62 {offsets = [0, 192], sizes = [32, 192], strides = [1, 1]} : vector<32x640xf32> to vector<32x192xf32>
    %slice3A_69 = vector.extract_strided_slice %get3A_62 {offsets = [0, 384], sizes = [32, 192], strides = [1, 1]} : vector<32x640xf32> to vector<32x192xf32>
    %mul3A = vector.broadcast %get3A_67 : vector<32x1xf32> to vector<32x192xf32>
    %mul3A_70 = arith.mulf %mul3A, %slice3A_69 : vector<32x192xf32>
    %slice3A_71 = vector.extract_strided_slice %slice3A {offsets = [0, 0], sizes = [32, 32], strides = [1, 1]} : vector<32x192xf32> to vector<32x32xf32>
    %slice3A_72 = vector.extract_strided_slice %slice3A {offsets = [0, 32], sizes = [32, 32], strides = [1, 1]} : vector<32x192xf32> to vector<32x32xf32>
    %slice3A_73 = vector.extract_strided_slice %slice3A {offsets = [0, 64], sizes = [32, 32], strides = [1, 1]} : vector<32x192xf32> to vector<32x32xf32>
    %slice3A_74 = vector.extract_strided_slice %slice3A {offsets = [0, 96], sizes = [32, 32], strides = [1, 1]} : vector<32x192xf32> to vector<32x32xf32>
    %slice3A_75 = vector.extract_strided_slice %slice3A {offsets = [0, 128], sizes = [32, 32], strides = [1, 1]} : vector<32x192xf32> to vector<32x32xf32>
    %slice3A_76 = vector.extract_strided_slice %slice3A {offsets = [0, 160], sizes = [32, 32], strides = [1, 1]} : vector<32x192xf32> to vector<32x32xf32>
    %concatenate3A = tpu.concatenate %slice3A_71, %slice3A_72, %slice3A_73, %slice3A_74, %slice3A_75, %slice3A_76 in 0 : vector<32x32xf32>, vector<32x32xf32>, vector<32x32xf32>, vector<32x32xf32>, vector<32x32xf32>, vector<32x32xf32> -> vector<192x32xf32>
    %slice3A_77 = vector.extract_strided_slice %slice3A_68 {offsets = [0, 0], sizes = [32, 32], strides = [1, 1]} : vector<32x192xf32> to vector<32x32xf32>
    %slice3A_78 = vector.extract_strided_slice %slice3A_68 {offsets = [0, 32], sizes = [32, 32], strides = [1, 1]} : vector<32x192xf32> to vector<32x32xf32>
    %slice3A_79 = vector.extract_strided_slice %slice3A_68 {offsets = [0, 64], sizes = [32, 32], strides = [1, 1]} : vector<32x192xf32> to vector<32x32xf32>
    %slice3A_80 = vector.extract_strided_slice %slice3A_68 {offsets = [0, 96], sizes = [32, 32], strides = [1, 1]} : vector<32x192xf32> to vector<32x32xf32>
    %slice3A_81 = vector.extract_strided_slice %slice3A_68 {offsets = [0, 128], sizes = [32, 32], strides = [1, 1]} : vector<32x192xf32> to vector<32x32xf32>
    %slice3A_82 = vector.extract_strided_slice %slice3A_68 {offsets = [0, 160], sizes = [32, 32], strides = [1, 1]} : vector<32x192xf32> to vector<32x32xf32>
    %concatenate3A_83 = tpu.concatenate %slice3A_77, %slice3A_78, %slice3A_79, %slice3A_80, %slice3A_81, %slice3A_82 in 0 : vector<32x32xf32>, vector<32x32xf32>, vector<32x32xf32>, vector<32x32xf32>, vector<32x32xf32>, vector<32x32xf32> -> vector<192x32xf32>
    %slice3A_84 = vector.extract_strided_slice %mul3A_70 {offsets = [0, 0], sizes = [32, 32], strides = [1, 1]} : vector<32x192xf32> to vector<32x32xf32>
    %slice3A_85 = vector.extract_strided_slice %mul3A_70 {offsets = [0, 32], sizes = [32, 32], strides = [1, 1]} : vector<32x192xf32> to vector<32x32xf32>
    %slice3A_86 = vector.extract_strided_slice %mul3A_70 {offsets = [0, 64], sizes = [32, 32], strides = [1, 1]} : vector<32x192xf32> to vector<32x32xf32>
    %slice3A_87 = vector.extract_strided_slice %mul3A_70 {offsets = [0, 96], sizes = [32, 32], strides = [1, 1]} : vector<32x192xf32> to vector<32x32xf32>
    %slice3A_88 = vector.extract_strided_slice %mul3A_70 {offsets = [0, 128], sizes = [32, 32], strides = [1, 1]} : vector<32x192xf32> to vector<32x32xf32>
    %slice3A_89 = vector.extract_strided_slice %mul3A_70 {offsets = [0, 160], sizes = [32, 32], strides = [1, 1]} : vector<32x192xf32> to vector<32x32xf32>
    %concatenate3A_90 = tpu.concatenate %slice3A_84, %slice3A_85, %slice3A_86, %slice3A_87, %slice3A_88, %slice3A_89 in 0 : vector<32x32xf32>, vector<32x32xf32>, vector<32x32xf32>, vector<32x32xf32>, vector<32x32xf32>, vector<32x32xf32> -> vector<192x32xf32>
    %dot_general3A = arith.constant dense<0.000000e+00> : vector<192x192xf32>
    %dot_general3A_91 = tpu.matmul %concatenate3A, %concatenate3A_83, %dot_general3A {dimension_numbers = #tpu.dot_dimension_numbers<[1], [1], [0], [0], [0, 0, 1, 0], [], []>, transpose_lhs_hint = false} : vector<192x32xf32>, vector<192x32xf32>, vector<192x192xf32> -> vector<192x192xf32>
    %mul3A_92 = arith.constant 0.176776692 : f32
    %mul3A_93 = vector.broadcast %mul3A_92 : f32 to vector<192x192xf32>
    %mul3A_94 = arith.mulf %dot_general3A_91, %mul3A_93 : vector<192x192xf32>
    %add3A = arith.addf %mul3A_94, %select_n3A_58 : vector<192x192xf32>
    %reduce_max3A = arith.constant dense<0xFF800000> : vector<192xf32>
    %reduce_max3A_95 = vector.multi_reduction <maximumf>, %add3A, %reduce_max3A [1] : vector<192x192xf32> to vector<192xf32>
    %broadcast_in_dim3A_96 = vector.shape_cast %reduce_max3A_95 : vector<192xf32> to vector<192x1xf32>
    %sub3A_97 = vector.broadcast %broadcast_in_dim3A_96 : vector<192x1xf32> to vector<192x192xf32>
    %sub3A_98 = arith.subf %add3A, %sub3A_97 : vector<192x192xf32>
    %exp3A = math.exp %sub3A_98 : vector<192x192xf32>
    %reduce_sum3A = arith.constant dense<0.000000e+00> : vector<192xf32>
    %reduce_sum3A_99 = vector.multi_reduction <add>, %exp3A, %reduce_sum3A [1] : vector<192x192xf32> to vector<192xf32>
    %broadcast_in_dim3A_100 = vector.shape_cast %reduce_sum3A_99 : vector<192xf32> to vector<192x1xf32>
    %div3A_101 = vector.broadcast %broadcast_in_dim3A_100 : vector<192x1xf32> to vector<192x192xf32>
    %div3A_102 = arith.divf %exp3A, %div3A_101 : vector<192x192xf32>
    %dot_general3A_103 = arith.constant dense<0.000000e+00> : vector<192x32xf32>
    %dot_general3A_104 = tpu.matmul %div3A_102, %concatenate3A_90, %dot_general3A_103 {dimension_numbers = #tpu.dot_dimension_numbers<[1], [0], [0], [1], [0, 0, 1, 1], [], []>, transpose_lhs_hint = false} : vector<192x192xf32>, vector<192x32xf32>, vector<192x32xf32> -> vector<192x32xf32>
    %slice3A_105 = vector.extract_strided_slice %dot_general3A_104 {offsets = [0, 0], sizes = [32, 32], strides = [1, 1]} : vector<192x32xf32> to vector<32x32xf32>
    %mul3A_106 = vector.broadcast %get3A_67 : vector<32x1xf32> to vector<32x32xf32>
    %mul3A_107 = arith.mulf %mul3A_106, %slice3A_105 : vector<32x32xf32>
    %slice3A_108 = vector.extract_strided_slice %dot_general3A_104 {offsets = [32, 0], sizes = [32, 32], strides = [1, 1]} : vector<192x32xf32> to vector<32x32xf32>
    %mul3A_109 = vector.broadcast %get3A_67 : vector<32x1xf32> to vector<32x32xf32>
    %mul3A_110 = arith.mulf %mul3A_109, %slice3A_108 : vector<32x32xf32>
    %slice3A_111 = vector.extract_strided_slice %dot_general3A_104 {offsets = [64, 0], sizes = [32, 32], strides = [1, 1]} : vector<192x32xf32> to vector<32x32xf32>
    %mul3A_112 = vector.broadcast %get3A_67 : vector<32x1xf32> to vector<32x32xf32>
    %mul3A_113 = arith.mulf %mul3A_112, %slice3A_111 : vector<32x32xf32>
    %slice3A_114 = vector.extract_strided_slice %dot_general3A_104 {offsets = [96, 0], sizes = [32, 32], strides = [1, 1]} : vector<192x32xf32> to vector<32x32xf32>
    %mul3A_115 = vector.broadcast %get3A_67 : vector<32x1xf32> to vector<32x32xf32>
    %mul3A_116 = arith.mulf %mul3A_115, %slice3A_114 : vector<32x32xf32>
    %slice3A_117 = vector.extract_strided_slice %dot_general3A_104 {offsets = [128, 0], sizes = [32, 32], strides = [1, 1]} : vector<192x32xf32> to vector<32x32xf32>
    %mul3A_118 = vector.broadcast %get3A_67 : vector<32x1xf32> to vector<32x32xf32>
    %mul3A_119 = arith.mulf %mul3A_118, %slice3A_117 : vector<32x32xf32>
    %slice3A_120 = vector.extract_strided_slice %dot_general3A_104 {offsets = [160, 0], sizes = [32, 32], strides = [1, 1]} : vector<192x32xf32> to vector<32x32xf32>
    %mul3A_121 = vector.broadcast %get3A_67 : vector<32x1xf32> to vector<32x32xf32>
    %mul3A_122 = arith.mulf %mul3A_121, %slice3A_120 : vector<32x32xf32>
    %concatenate3A_123 = tpu.concatenate %mul3A_107, %mul3A_110, %mul3A_113, %mul3A_116, %mul3A_119, %mul3A_122 in 1 : vector<32x32xf32>, vector<32x32xf32>, vector<32x32xf32>, vector<32x32xf32>, vector<32x32xf32>, vector<32x32xf32> -> vector<32x192xf32>
    %convert_element_type3A = arith.truncf %concatenate3A_123 : vector<32x192xf32> to vector<32x192xbf16>
    %swap3A = arith.constant 0 : index
    %swap3A_124 = arith.constant 0 : index
    %swap3A_125 = arith.constant 0 : index
    %swap3A_126 = vector.load %arg3[%swap3A, %swap3A_124, %swap3A_125] : memref<8x32x192xbf16, #tpu.memory_space<vmem>>, vector<1x32x192xbf16>
    %swap3A_127 = vector.shape_cast %swap3A_126 : vector<1x32x192xbf16> to vector<32x192xbf16>
    %swap3A_128 = vector.shape_cast %convert_element_type3A : vector<32x192xbf16> to vector<1x32x192xbf16>
    tpu.vector_store %arg3[%swap3A, %swap3A_124, %swap3A_125], %swap3A_128 {strides = array<i32>} : memref<8x32x192xbf16, #tpu.memory_space<vmem>>, vector<1x32x192xbf16>,
    %get3A_129 = arith.constant 1 : index
    %get3A_130 = arith.constant 0 : index
    %get3A_131 = arith.constant 0 : index
    %get3A_132 = vector.load %arg1[%get3A_129, %get3A_130, %get3A_131] : memref<8x32x640xf32, #tpu.memory_space<vmem>>, vector<1x32x640xf32>
    %get3A_133 = vector.shape_cast %get3A_132 : vector<1x32x640xf32> to vector<32x640xf32>
    %get3A_134 = arith.constant 1 : index
    %get3A_135 = arith.constant 0 : index
    %get3A_136 = arith.constant 0 : index
    %get3A_137 = vector.load %arg2[%get3A_134, %get3A_135, %get3A_136] : memref<8x32x1xf32, #tpu.memory_space<vmem>>, vector<1x32x1xf32>
    %get3A_138 = vector.shape_cast %get3A_137 : vector<1x32x1xf32> to vector<32x1xf32>
    %slice3A_139 = vector.extract_strided_slice %get3A_133 {offsets = [0, 0], sizes = [32, 192], strides = [1, 1]} : vector<32x640xf32> to vector<32x192xf32>
    %slice3A_140 = vector.extract_strided_slice %get3A_133 {offsets = [0, 192], sizes = [32, 192], strides = [1, 1]} : vector<32x640xf32> to vector<32x192xf32>
    %slice3A_141 = vector.extract_strided_slice %get3A_133 {offsets = [0, 384], sizes = [32, 192], strides = [1, 1]} : vector<32x640xf32> to vector<32x192xf32>
    %mul3A_142 = vector.broadcast %get3A_138 : vector<32x1xf32> to vector<32x192xf32>
    %mul3A_143 = arith.mulf %mul3A_142, %slice3A_141 : vector<32x192xf32>
    %slice3A_144 = vector.extract_strided_slice %slice3A_139 {offsets = [0, 0], sizes = [32, 32], strides = [1, 1]} : vector<32x192xf32> to vector<32x32xf32>
    %slice3A_145 = vector.extract_strided_slice %slice3A_139 {offsets = [0, 32], sizes = [32, 32], strides = [1, 1]} : vector<32x192xf32> to vector<32x32xf32>
    %slice3A_146 = vector.extract_strided_slice %slice3A_139 {offsets = [0, 64], sizes = [32, 32], strides = [1, 1]} : vector<32x192xf32> to vector<32x32xf32>
    %slice3A_147 = vector.extract_strided_slice %slice3A_139 {offsets = [0, 96], sizes = [32, 32], strides = [1, 1]} : vector<32x192xf32> to vector<32x32xf32>
    %slice3A_148 = vector.extract_strided_slice %slice3A_139 {offsets = [0, 128], sizes = [32, 32], strides = [1, 1]} : vector<32x192xf32> to vector<32x32xf32>
    %slice3A_149 = vector.extract_strided_slice %slice3A_139 {offsets = [0, 160], sizes = [32, 32], strides = [1, 1]} : vector<32x192xf32> to vector<32x32xf32>
    %concatenate3A_150 = tpu.concatenate %slice3A_144, %slice3A_145, %slice3A_146, %slice3A_147, %slice3A_148, %slice3A_149 in 0 : vector<32x32xf32>, vector<32x32xf32>, vector<32x32xf32>, vector<32x32xf32>, vector<32x32xf32>, vector<32x32xf32> -> vector<192x32xf32>
    %slice3A_151 = vector.extract_strided_slice %slice3A_140 {offsets = [0, 0], sizes = [32, 32], strides = [1, 1]} : vector<32x192xf32> to vector<32x32xf32>
    %slice3A_152 = vector.extract_strided_slice %slice3A_140 {offsets = [0, 32], sizes = [32, 32], strides = [1, 1]} : vector<32x192xf32> to vector<32x32xf32>
    %slice3A_153 = vector.extract_strided_slice %slice3A_140 {offsets = [0, 64], sizes = [32, 32], strides = [1, 1]} : vector<32x192xf32> to vector<32x32xf32>
    %slice3A_154 = vector.extract_strided_slice %slice3A_140 {offsets = [0, 96], sizes = [32, 32], strides = [1, 1]} : vector<32x192xf32> to vector<32x32xf32>
    %slice3A_155 = vector.extract_strided_slice %slice3A_140 {offsets = [0, 128], sizes = [32, 32], strides = [1, 1]} : vector<32x192xf32> to vector<32x32xf32>
    %slice3A_156 = vector.extract_strided_slice %slice3A_140 {offsets = [0, 160], sizes = [32, 32], strides = [1, 1]} : vector<32x192xf32> to vector<32x32xf32>
    %concatenate3A_157 = tpu.concatenate %slice3A_151, %slice3A_152, %slice3A_153, %slice3A_154, %slice3A_155, %slice3A_156 in 0 : vector<32x32xf32>, vector<32x32xf32>, vector<32x32xf32>, vector<32x32xf32>, vector<32x32xf32>, vector<32x32xf32> -> vector<192x32xf32>
    %slice3A_158 = vector.extract_strided_slice %mul3A_143 {offsets = [0, 0], sizes = [32, 32], strides = [1, 1]} : vector<32x192xf32> to vector<32x32xf32>
    %slice3A_159 = vector.extract_strided_slice %mul3A_143 {offsets = [0, 32], sizes = [32, 32], strides = [1, 1]} : vector<32x192xf32> to vector<32x32xf32>
    %slice3A_160 = vector.extract_strided_slice %mul3A_143 {offsets = [0, 64], sizes = [32, 32], strides = [1, 1]} : vector<32x192xf32> to vector<32x32xf32>
    %slice3A_161 = vector.extract_strided_slice %mul3A_143 {offsets = [0, 96], sizes = [32, 32], strides = [1, 1]} : vector<32x192xf32> to vector<32x32xf32>
    %slice3A_162 = vector.extract_strided_slice %mul3A_143 {offsets = [0, 128], sizes = [32, 32], strides = [1, 1]} : vector<32x192xf32> to vector<32x32xf32>
    %slice3A_163 = vector.extract_strided_slice %mul3A_143 {offsets = [0, 160], sizes = [32, 32], strides = [1, 1]} : vector<32x192xf32> to vector<32x32xf32>
    %concatenate3A_164 = tpu.concatenate %slice3A_158, %slice3A_159, %slice3A_160, %slice3A_161, %slice3A_162, %slice3A_163 in 0 : vector<32x32xf32>, vector<32x32xf32>, vector<32x32xf32>, vector<32x32xf32>, vector<32x32xf32>, vector<32x32xf32> -> vector<192x32xf32>
    %dot_general3A_165 = arith.constant dense<0.000000e+00> : vector<192x192xf32>
    %dot_general3A_166 = tpu.matmul %concatenate3A_150, %concatenate3A_157, %dot_general3A_165 {dimension_numbers = #tpu.dot_dimension_numbers<[1], [1], [0], [0], [0, 0, 1, 0], [], []>, transpose_lhs_hint = false} : vector<192x32xf32>, vector<192x32xf32>, vector<192x192xf32> -> vector<192x192xf32>
    %mul3A_167 = arith.constant 0.176776692 : f32
    %mul3A_168 = vector.broadcast %mul3A_167 : f32 to vector<192x192xf32>
    %mul3A_169 = arith.mulf %dot_general3A_166, %mul3A_168 : vector<192x192xf32>
    %add3A_170 = arith.addf %mul3A_169, %select_n3A_58 : vector<192x192xf32>
    %reduce_max3A_171 = arith.constant dense<0xFF800000> : vector<192xf32>
    %reduce_max3A_172 = vector.multi_reduction <maximumf>, %add3A_170, %reduce_max3A_171 [1] : vector<192x192xf32> to vector<192xf32>
    %broadcast_in_dim3A_173 = vector.shape_cast %reduce_max3A_172 : vector<192xf32> to vector<192x1xf32>
    %sub3A_174 = vector.broadcast %broadcast_in_dim3A_173 : vector<192x1xf32> to vector<192x192xf32>
    %sub3A_175 = arith.subf %add3A_170, %sub3A_174 : vector<192x192xf32>
    %exp3A_176 = math.exp %sub3A_175 : vector<192x192xf32>
    %reduce_sum3A_177 = arith.constant dense<0.000000e+00> : vector<192xf32>
    %reduce_sum3A_178 = vector.multi_reduction <add>, %exp3A_176, %reduce_sum3A_177 [1] : vector<192x192xf32> to vector<192xf32>
    %broadcast_in_dim3A_179 = vector.shape_cast %reduce_sum3A_178 : vector<192xf32> to vector<192x1xf32>
    %div3A_180 = vector.broadcast %broadcast_in_dim3A_179 : vector<192x1xf32> to vector<192x192xf32>
    %div3A_181 = arith.divf %exp3A_176, %div3A_180 : vector<192x192xf32>
    %dot_general3A_182 = arith.constant dense<0.000000e+00> : vector<192x32xf32>
    %dot_general3A_183 = tpu.matmul %div3A_181, %concatenate3A_164, %dot_general3A_182 {dimension_numbers = #tpu.dot_dimension_numbers<[1], [0], [0], [1], [0, 0, 1, 1], [], []>, transpose_lhs_hint = false} : vector<192x192xf32>, vector<192x32xf32>, vector<192x32xf32> -> vector<192x32xf32>
    %slice3A_184 = vector.extract_strided_slice %dot_general3A_183 {offsets = [0, 0], sizes = [32, 32], strides = [1, 1]} : vector<192x32xf32> to vector<32x32xf32>
    %mul3A_185 = vector.broadcast %get3A_138 : vector<32x1xf32> to vector<32x32xf32>
    %mul3A_186 = arith.mulf %mul3A_185, %slice3A_184 : vector<32x32xf32>
    %slice3A_187 = vector.extract_strided_slice %dot_general3A_183 {offsets = [32, 0], sizes = [32, 32], strides = [1, 1]} : vector<192x32xf32> to vector<32x32xf32>
    %mul3A_188 = vector.broadcast %get3A_138 : vector<32x1xf32> to vector<32x32xf32>
    %mul3A_189 = arith.mulf %mul3A_188, %slice3A_187 : vector<32x32xf32>
    %slice3A_190 = vector.extract_strided_slice %dot_general3A_183 {offsets = [64, 0], sizes = [32, 32], strides = [1, 1]} : vector<192x32xf32> to vector<32x32xf32>
    %mul3A_191 = vector.broadcast %get3A_138 : vector<32x1xf32> to vector<32x32xf32>
    %mul3A_192 = arith.mulf %mul3A_191, %slice3A_190 : vector<32x32xf32>
    %slice3A_193 = vector.extract_strided_slice %dot_general3A_183 {offsets = [96, 0], sizes = [32, 32], strides = [1, 1]} : vector<192x32xf32> to vector<32x32xf32>
    %mul3A_194 = vector.broadcast %get3A_138 : vector<32x1xf32> to vector<32x32xf32>
    %mul3A_195 = arith.mulf %mul3A_194, %slice3A_193 : vector<32x32xf32>
    %slice3A_196 = vector.extract_strided_slice %dot_general3A_183 {offsets = [128, 0], sizes = [32, 32], strides = [1, 1]} : vector<192x32xf32> to vector<32x32xf32>
    %mul3A_197 = vector.broadcast %get3A_138 : vector<32x1xf32> to vector<32x32xf32>
    %mul3A_198 = arith.mulf %mul3A_197, %slice3A_196 : vector<32x32xf32>
    %slice3A_199 = vector.extract_strided_slice %dot_general3A_183 {offsets = [160, 0], sizes = [32, 32], strides = [1, 1]} : vector<192x32xf32> to vector<32x32xf32>
    %mul3A_200 = vector.broadcast %get3A_138 : vector<32x1xf32> to vector<32x32xf32>
    %mul3A_201 = arith.mulf %mul3A_200, %slice3A_199 : vector<32x32xf32>
    %concatenate3A_202 = tpu.concatenate %mul3A_186, %mul3A_189, %mul3A_192, %mul3A_195, %mul3A_198, %mul3A_201 in 1 : vector<32x32xf32>, vector<32x32xf32>, vector<32x32xf32>, vector<32x32xf32>, vector<32x32xf32>, vector<32x32xf32> -> vector<32x192xf32>
    %convert_element_type3A_203 = arith.truncf %concatenate3A_202 : vector<32x192xf32> to vector<32x192xbf16>
    %swap3A_204 = arith.constant 1 : index
    %swap3A_205 = arith.constant 0 : index
    %swap3A_206 = arith.constant 0 : index
    %swap3A_207 = vector.load %arg3[%swap3A_204, %swap3A_205, %swap3A_206] : memref<8x32x192xbf16, #tpu.memory_space<vmem>>, vector<1x32x192xbf16>
    %swap3A_208 = vector.shape_cast %swap3A_207 : vector<1x32x192xbf16> to vector<32x192xbf16>
    %swap3A_209 = vector.shape_cast %convert_element_type3A_203 : vector<32x192xbf16> to vector<1x32x192xbf16>
    tpu.vector_store %arg3[%swap3A_204, %swap3A_205, %swap3A_206], %swap3A_209 {strides = array<i32>} : memref<8x32x192xbf16, #tpu.memory_space<vmem>>, vector<1x32x192xbf16>,
    %get3A_210 = arith.constant 2 : index
    %get3A_211 = arith.constant 0 : index
    %get3A_212 = arith.constant 0 : index
    %get3A_213 = vector.load %arg1[%get3A_210, %get3A_211, %get3A_212] : memref<8x32x640xf32, #tpu.memory_space<vmem>>, vector<1x32x640xf32>
    %get3A_214 = vector.shape_cast %get3A_213 : vector<1x32x640xf32> to vector<32x640xf32>
    %get3A_215 = arith.constant 2 : index
    %get3A_216 = arith.constant 0 : index
    %get3A_217 = arith.constant 0 : index
    %get3A_218 = vector.load %arg2[%get3A_215, %get3A_216, %get3A_217] : memref<8x32x1xf32, #tpu.memory_space<vmem>>, vector<1x32x1xf32>
    %get3A_219 = vector.shape_cast %get3A_218 : vector<1x32x1xf32> to vector<32x1xf32>
    %slice3A_220 = vector.extract_strided_slice %get3A_214 {offsets = [0, 0], sizes = [32, 192], strides = [1, 1]} : vector<32x640xf32> to vector<32x192xf32>
    %slice3A_221 = vector.extract_strided_slice %get3A_214 {offsets = [0, 192], sizes = [32, 192], strides = [1, 1]} : vector<32x640xf32> to vector<32x192xf32>
    %slice3A_222 = vector.extract_strided_slice %get3A_214 {offsets = [0, 384], sizes = [32, 192], strides = [1, 1]} : vector<32x640xf32> to vector<32x192xf32>
    %mul3A_223 = vector.broadcast %get3A_219 : vector<32x1xf32> to vector<32x192xf32>
    %mul3A_224 = arith.mulf %mul3A_223, %slice3A_222 : vector<32x192xf32>
    %slice3A_225 = vector.extract_strided_slice %slice3A_220 {offsets = [0, 0], sizes = [32, 32], strides = [1, 1]} : vector<32x192xf32> to vector<32x32xf32>
    %slice3A_226 = vector.extract_strided_slice %slice3A_220 {offsets = [0, 32], sizes = [32, 32], strides = [1, 1]} : vector<32x192xf32> to vector<32x32xf32>
    %slice3A_227 = vector.extract_strided_slice %slice3A_220 {offsets = [0, 64], sizes = [32, 32], strides = [1, 1]} : vector<32x192xf32> to vector<32x32xf32>
    %slice3A_228 = vector.extract_strided_slice %slice3A_220 {offsets = [0, 96], sizes = [32, 32], strides = [1, 1]} : vector<32x192xf32> to vector<32x32xf32>
    %slice3A_229 = vector.extract_strided_slice %slice3A_220 {offsets = [0, 128], sizes = [32, 32], strides = [1, 1]} : vector<32x192xf32> to vector<32x32xf32>
    %slice3A_230 = vector.extract_strided_slice %slice3A_220 {offsets = [0, 160], sizes = [32, 32], strides = [1, 1]} : vector<32x192xf32> to vector<32x32xf32>
    %concatenate3A_231 = tpu.concatenate %slice3A_225, %slice3A_226, %slice3A_227, %slice3A_228, %slice3A_229, %slice3A_230 in 0 : vector<32x32xf32>, vector<32x32xf32>, vector<32x32xf32>, vector<32x32xf32>, vector<32x32xf32>, vector<32x32xf32> -> vector<192x32xf32>
    %slice3A_232 = vector.extract_strided_slice %slice3A_221 {offsets = [0, 0], sizes = [32, 32], strides = [1, 1]} : vector<32x192xf32> to vector<32x32xf32>
    %slice3A_233 = vector.extract_strided_slice %slice3A_221 {offsets = [0, 32], sizes = [32, 32], strides = [1, 1]} : vector<32x192xf32> to vector<32x32xf32>
    %slice3A_234 = vector.extract_strided_slice %slice3A_221 {offsets = [0, 64], sizes = [32, 32], strides = [1, 1]} : vector<32x192xf32> to vector<32x32xf32>
    %slice3A_235 = vector.extract_strided_slice %slice3A_221 {offsets = [0, 96], sizes = [32, 32], strides = [1, 1]} : vector<32x192xf32> to vector<32x32xf32>
    %slice3A_236 = vector.extract_strided_slice %slice3A_221 {offsets = [0, 128], sizes = [32, 32], strides = [1, 1]} : vector<32x192xf32> to vector<32x32xf32>
    %slice3A_237 = vector.extract_strided_slice %slice3A_221 {offsets = [0, 160], sizes = [32, 32], strides = [1, 1]} : vector<32x192xf32> to vector<32x32xf32>
    %concatenate3A_238 = tpu.concatenate %slice3A_232, %slice3A_233, %slice3A_234, %slice3A_235, %slice3A_236, %slice3A_237 in 0 : vector<32x32xf32>, vector<32x32xf32>, vector<32x32xf32>, vector<32x32xf32>, vector<32x32xf32>, vector<32x32xf32> -> vector<192x32xf32>
    %slice3A_239 = vector.extract_strided_slice %mul3A_224 {offsets = [0, 0], sizes = [32, 32], strides = [1, 1]} : vector<32x192xf32> to vector<32x32xf32>
    %slice3A_240 = vector.extract_strided_slice %mul3A_224 {offsets = [0, 32], sizes = [32, 32], strides = [1, 1]} : vector<32x192xf32> to vector<32x32xf32>
    %slice3A_241 = vector.extract_strided_slice %mul3A_224 {offsets = [0, 64], sizes = [32, 32], strides = [1, 1]} : vector<32x192xf32> to vector<32x32xf32>
    %slice3A_242 = vector.extract_strided_slice %mul3A_224 {offsets = [0, 96], sizes = [32, 32], strides = [1, 1]} : vector<32x192xf32> to vector<32x32xf32>
    %slice3A_243 = vector.extract_strided_slice %mul3A_224 {offsets = [0, 128], sizes = [32, 32], strides = [1, 1]} : vector<32x192xf32> to vector<32x32xf32>
    %slice3A_244 = vector.extract_strided_slice %mul3A_224 {offsets = [0, 160], sizes = [32, 32], strides = [1, 1]} : vector<32x192xf32> to vector<32x32xf32>
    %concatenate3A_245 = tpu.concatenate %slice3A_239, %slice3A_240, %slice3A_241, %slice3A_242, %slice3A_243, %slice3A_244 in 0 : vector<32x32xf32>, vector<32x32xf32>, vector<32x32xf32>, vector<32x32xf32>, vector<32x32xf32>, vector<32x32xf32> -> vector<192x32xf32>
    %dot_general3A_246 = arith.constant dense<0.000000e+00> : vector<192x192xf32>
    %dot_general3A_247 = tpu.matmul %concatenate3A_231, %concatenate3A_238, %dot_general3A_246 {dimension_numbers = #tpu.dot_dimension_numbers<[1], [1], [0], [0], [0, 0, 1, 0], [], []>, transpose_lhs_hint = false} : vector<192x32xf32>, vector<192x32xf32>, vector<192x192xf32> -> vector<192x192xf32>
    %mul3A_248 = arith.constant 0.176776692 : f32
    %mul3A_249 = vector.broadcast %mul3A_248 : f32 to vector<192x192xf32>
    %mul3A_250 = arith.mulf %dot_general3A_247, %mul3A_249 : vector<192x192xf32>
    %add3A_251 = arith.addf %mul3A_250, %select_n3A_58 : vector<192x192xf32>
    %reduce_max3A_252 = arith.constant dense<0xFF800000> : vector<192xf32>
    %reduce_max3A_253 = vector.multi_reduction <maximumf>, %add3A_251, %reduce_max3A_252 [1] : vector<192x192xf32> to vector<192xf32>
    %broadcast_in_dim3A_254 = vector.shape_cast %reduce_max3A_253 : vector<192xf32> to vector<192x1xf32>
    %sub3A_255 = vector.broadcast %broadcast_in_dim3A_254 : vector<192x1xf32> to vector<192x192xf32>
    %sub3A_256 = arith.subf %add3A_251, %sub3A_255 : vector<192x192xf32>
    %exp3A_257 = math.exp %sub3A_256 : vector<192x192xf32>
    %reduce_sum3A_258 = arith.constant dense<0.000000e+00> : vector<192xf32>
    %reduce_sum3A_259 = vector.multi_reduction <add>, %exp3A_257, %reduce_sum3A_258 [1] : vector<192x192xf32> to vector<192xf32>
    %broadcast_in_dim3A_260 = vector.shape_cast %reduce_sum3A_259 : vector<192xf32> to vector<192x1xf32>
    %div3A_261 = vector.broadcast %broadcast_in_dim3A_260 : vector<192x1xf32> to vector<192x192xf32>
    %div3A_262 = arith.divf %exp3A_257, %div3A_261 : vector<192x192xf32>
    %dot_general3A_263 = arith.constant dense<0.000000e+00> : vector<192x32xf32>
    %dot_general3A_264 = tpu.matmul %div3A_262, %concatenate3A_245, %dot_general3A_263 {dimension_numbers = #tpu.dot_dimension_numbers<[1], [0], [0], [1], [0, 0, 1, 1], [], []>, transpose_lhs_hint = false} : vector<192x192xf32>, vector<192x32xf32>, vector<192x32xf32> -> vector<192x32xf32>
    %slice3A_265 = vector.extract_strided_slice %dot_general3A_264 {offsets = [0, 0], sizes = [32, 32], strides = [1, 1]} : vector<192x32xf32> to vector<32x32xf32>
    %mul3A_266 = vector.broadcast %get3A_219 : vector<32x1xf32> to vector<32x32xf32>
    %mul3A_267 = arith.mulf %mul3A_266, %slice3A_265 : vector<32x32xf32>
    %slice3A_268 = vector.extract_strided_slice %dot_general3A_264 {offsets = [32, 0], sizes = [32, 32], strides = [1, 1]} : vector<192x32xf32> to vector<32x32xf32>
    %mul3A_269 = vector.broadcast %get3A_219 : vector<32x1xf32> to vector<32x32xf32>
    %mul3A_270 = arith.mulf %mul3A_269, %slice3A_268 : vector<32x32xf32>
    %slice3A_271 = vector.extract_strided_slice %dot_general3A_264 {offsets = [64, 0], sizes = [32, 32], strides = [1, 1]} : vector<192x32xf32> to vector<32x32xf32>
    %mul3A_272 = vector.broadcast %get3A_219 : vector<32x1xf32> to vector<32x32xf32>
    %mul3A_273 = arith.mulf %mul3A_272, %slice3A_271 : vector<32x32xf32>
    %slice3A_274 = vector.extract_strided_slice %dot_general3A_264 {offsets = [96, 0], sizes = [32, 32], strides = [1, 1]} : vector<192x32xf32> to vector<32x32xf32>
    %mul3A_275 = vector.broadcast %get3A_219 : vector<32x1xf32> to vector<32x32xf32>
    %mul3A_276 = arith.mulf %mul3A_275, %slice3A_274 : vector<32x32xf32>
    %slice3A_277 = vector.extract_strided_slice %dot_general3A_264 {offsets = [128, 0], sizes = [32, 32], strides = [1, 1]} : vector<192x32xf32> to vector<32x32xf32>
    %mul3A_278 = vector.broadcast %get3A_219 : vector<32x1xf32> to vector<32x32xf32>
    %mul3A_279 = arith.mulf %mul3A_278, %slice3A_277 : vector<32x32xf32>
    %slice3A_280 = vector.extract_strided_slice %dot_general3A_264 {offsets = [160, 0], sizes = [32, 32], strides = [1, 1]} : vector<192x32xf32> to vector<32x32xf32>
    %mul3A_281 = vector.broadcast %get3A_219 : vector<32x1xf32> to vector<32x32xf32>
    %mul3A_282 = arith.mulf %mul3A_281, %slice3A_280 : vector<32x32xf32>
    %concatenate3A_283 = tpu.concatenate %mul3A_267, %mul3A_270, %mul3A_273, %mul3A_276, %mul3A_279, %mul3A_282 in 1 : vector<32x32xf32>, vector<32x32xf32>, vector<32x32xf32>, vector<32x32xf32>, vector<32x32xf32>, vector<32x32xf32> -> vector<32x192xf32>
    %convert_element_type3A_284 = arith.truncf %concatenate3A_283 : vector<32x192xf32> to vector<32x192xbf16>
    %swap3A_285 = arith.constant 2 : index
    %swap3A_286 = arith.constant 0 : index
    %swap3A_287 = arith.constant 0 : index
    %swap3A_288 = vector.load %arg3[%swap3A_285, %swap3A_286, %swap3A_287] : memref<8x32x192xbf16, #tpu.memory_space<vmem>>, vector<1x32x192xbf16>
    %swap3A_289 = vector.shape_cast %swap3A_288 : vector<1x32x192xbf16> to vector<32x192xbf16>
    %swap3A_290 = vector.shape_cast %convert_element_type3A_284 : vector<32x192xbf16> to vector<1x32x192xbf16>
    tpu.vector_store %arg3[%swap3A_285, %swap3A_286, %swap3A_287], %swap3A_290 {strides = array<i32>} : memref<8x32x192xbf16, #tpu.memory_space<vmem>>, vector<1x32x192xbf16>,
    %get3A_291 = arith.constant 3 : index
    %get3A_292 = arith.constant 0 : index
    %get3A_293 = arith.constant 0 : index
    %get3A_294 = vector.load %arg1[%get3A_291, %get3A_292, %get3A_293] : memref<8x32x640xf32, #tpu.memory_space<vmem>>, vector<1x32x640xf32>
    %get3A_295 = vector.shape_cast %get3A_294 : vector<1x32x640xf32> to vector<32x640xf32>
    %get3A_296 = arith.constant 3 : index
    %get3A_297 = arith.constant 0 : index
    %get3A_298 = arith.constant 0 : index
    %get3A_299 = vector.load %arg2[%get3A_296, %get3A_297, %get3A_298] : memref<8x32x1xf32, #tpu.memory_space<vmem>>, vector<1x32x1xf32>
    %get3A_300 = vector.shape_cast %get3A_299 : vector<1x32x1xf32> to vector<32x1xf32>
    %slice3A_301 = vector.extract_strided_slice %get3A_295 {offsets = [0, 0], sizes = [32, 192], strides = [1, 1]} : vector<32x640xf32> to vector<32x192xf32>
    %slice3A_302 = vector.extract_strided_slice %get3A_295 {offsets = [0, 192], sizes = [32, 192], strides = [1, 1]} : vector<32x640xf32> to vector<32x192xf32>
    %slice3A_303 = vector.extract_strided_slice %get3A_295 {offsets = [0, 384], sizes = [32, 192], strides = [1, 1]} : vector<32x640xf32> to vector<32x192xf32>
    %mul3A_304 = vector.broadcast %get3A_300 : vector<32x1xf32> to vector<32x192xf32>
    %mul3A_305 = arith.mulf %mul3A_304, %slice3A_303 : vector<32x192xf32>
    %slice3A_306 = vector.extract_strided_slice %slice3A_301 {offsets = [0, 0], sizes = [32, 32], strides = [1, 1]} : vector<32x192xf32> to vector<32x32xf32>
    %slice3A_307 = vector.extract_strided_slice %slice3A_301 {offsets = [0, 32], sizes = [32, 32], strides = [1, 1]} : vector<32x192xf32> to vector<32x32xf32>
    %slice3A_308 = vector.extract_strided_slice %slice3A_301 {offsets = [0, 64], sizes = [32, 32], strides = [1, 1]} : vector<32x192xf32> to vector<32x32xf32>
    %slice3A_309 = vector.extract_strided_slice %slice3A_301 {offsets = [0, 96], sizes = [32, 32], strides = [1, 1]} : vector<32x192xf32> to vector<32x32xf32>
    %slice3A_310 = vector.extract_strided_slice %slice3A_301 {offsets = [0, 128], sizes = [32, 32], strides = [1, 1]} : vector<32x192xf32> to vector<32x32xf32>
    %slice3A_311 = vector.extract_strided_slice %slice3A_301 {offsets = [0, 160], sizes = [32, 32], strides = [1, 1]} : vector<32x192xf32> to vector<32x32xf32>
    %concatenate3A_312 = tpu.concatenate %slice3A_306, %slice3A_307, %slice3A_308, %slice3A_309, %slice3A_310, %slice3A_311 in 0 : vector<32x32xf32>, vector<32x32xf32>, vector<32x32xf32>, vector<32x32xf32>, vector<32x32xf32>, vector<32x32xf32> -> vector<192x32xf32>
    %slice3A_313 = vector.extract_strided_slice %slice3A_302 {offsets = [0, 0], sizes = [32, 32], strides = [1, 1]} : vector<32x192xf32> to vector<32x32xf32>
    %slice3A_314 = vector.extract_strided_slice %slice3A_302 {offsets = [0, 32], sizes = [32, 32], strides = [1, 1]} : vector<32x192xf32> to vector<32x32xf32>
    %slice3A_315 = vector.extract_strided_slice %slice3A_302 {offsets = [0, 64], sizes = [32, 32], strides = [1, 1]} : vector<32x192xf32> to vector<32x32xf32>
    %slice3A_316 = vector.extract_strided_slice %slice3A_302 {offsets = [0, 96], sizes = [32, 32], strides = [1, 1]} : vector<32x192xf32> to vector<32x32xf32>
    %slice3A_317 = vector.extract_strided_slice %slice3A_302 {offsets = [0, 128], sizes = [32, 32], strides = [1, 1]} : vector<32x192xf32> to vector<32x32xf32>
    %slice3A_318 = vector.extract_strided_slice %slice3A_302 {offsets = [0, 160], sizes = [32, 32], strides = [1, 1]} : vector<32x192xf32> to vector<32x32xf32>
    %concatenate3A_319 = tpu.concatenate %slice3A_313, %slice3A_314, %slice3A_315, %slice3A_316, %slice3A_317, %slice3A_318 in 0 : vector<32x32xf32>, vector<32x32xf32>, vector<32x32xf32>, vector<32x32xf32>, vector<32x32xf32>, vector<32x32xf32> -> vector<192x32xf32>
    %slice3A_320 = vector.extract_strided_slice %mul3A_305 {offsets = [0, 0], sizes = [32, 32], strides = [1, 1]} : vector<32x192xf32> to vector<32x32xf32>
    %slice3A_321 = vector.extract_strided_slice %mul3A_305 {offsets = [0, 32], sizes = [32, 32], strides = [1, 1]} : vector<32x192xf32> to vector<32x32xf32>
    %slice3A_322 = vector.extract_strided_slice %mul3A_305 {offsets = [0, 64], sizes = [32, 32], strides = [1, 1]} : vector<32x192xf32> to vector<32x32xf32>
    %slice3A_323 = vector.extract_strided_slice %mul3A_305 {offsets = [0, 96], sizes = [32, 32], strides = [1, 1]} : vector<32x192xf32> to vector<32x32xf32>
    %slice3A_324 = vector.extract_strided_slice %mul3A_305 {offsets = [0, 128], sizes = [32, 32], strides = [1, 1]} : vector<32x192xf32> to vector<32x32xf32>
    %slice3A_325 = vector.extract_strided_slice %mul3A_305 {offsets = [0, 160], sizes = [32, 32], strides = [1, 1]} : vector<32x192xf32> to vector<32x32xf32>
    %concatenate3A_326 = tpu.concatenate %slice3A_320, %slice3A_321, %slice3A_322, %slice3A_323, %slice3A_324, %slice3A_325 in 0 : vector<32x32xf32>, vector<32x32xf32>, vector<32x32xf32>, vector<32x32xf32>, vector<32x32xf32>, vector<32x32xf32> -> vector<192x32xf32>
    %dot_general3A_327 = arith.constant dense<0.000000e+00> : vector<192x192xf32>
    %dot_general3A_328 = tpu.matmul %concatenate3A_312, %concatenate3A_319, %dot_general3A_327 {dimension_numbers = #tpu.dot_dimension_numbers<[1], [1], [0], [0], [0, 0, 1, 0], [], []>, transpose_lhs_hint = false} : vector<192x32xf32>, vector<192x32xf32>, vector<192x192xf32> -> vector<192x192xf32>
    %mul3A_329 = arith.constant 0.176776692 : f32
    %mul3A_330 = vector.broadcast %mul3A_329 : f32 to vector<192x192xf32>
    %mul3A_331 = arith.mulf %dot_general3A_328, %mul3A_330 : vector<192x192xf32>
    %add3A_332 = arith.addf %mul3A_331, %select_n3A_58 : vector<192x192xf32>
    %reduce_max3A_333 = arith.constant dense<0xFF800000> : vector<192xf32>
    %reduce_max3A_334 = vector.multi_reduction <maximumf>, %add3A_332, %reduce_max3A_333 [1] : vector<192x192xf32> to vector<192xf32>
    %broadcast_in_dim3A_335 = vector.shape_cast %reduce_max3A_334 : vector<192xf32> to vector<192x1xf32>
    %sub3A_336 = vector.broadcast %broadcast_in_dim3A_335 : vector<192x1xf32> to vector<192x192xf32>
    %sub3A_337 = arith.subf %add3A_332, %sub3A_336 : vector<192x192xf32>
    %exp3A_338 = math.exp %sub3A_337 : vector<192x192xf32>
    %reduce_sum3A_339 = arith.constant dense<0.000000e+00> : vector<192xf32>
    %reduce_sum3A_340 = vector.multi_reduction <add>, %exp3A_338, %reduce_sum3A_339 [1] : vector<192x192xf32> to vector<192xf32>
    %broadcast_in_dim3A_341 = vector.shape_cast %reduce_sum3A_340 : vector<192xf32> to vector<192x1xf32>
    %div3A_342 = vector.broadcast %broadcast_in_dim3A_341 : vector<192x1xf32> to vector<192x192xf32>
    %div3A_343 = arith.divf %exp3A_338, %div3A_342 : vector<192x192xf32>
    %dot_general3A_344 = arith.constant dense<0.000000e+00> : vector<192x32xf32>
    %dot_general3A_345 = tpu.matmul %div3A_343, %concatenate3A_326, %dot_general3A_344 {dimension_numbers = #tpu.dot_dimension_numbers<[1], [0], [0], [1], [0, 0, 1, 1], [], []>, transpose_lhs_hint = false} : vector<192x192xf32>, vector<192x32xf32>, vector<192x32xf32> -> vector<192x32xf32>
    %slice3A_346 = vector.extract_strided_slice %dot_general3A_345 {offsets = [0, 0], sizes = [32, 32], strides = [1, 1]} : vector<192x32xf32> to vector<32x32xf32>
    %mul3A_347 = vector.broadcast %get3A_300 : vector<32x1xf32> to vector<32x32xf32>
    %mul3A_348 = arith.mulf %mul3A_347, %slice3A_346 : vector<32x32xf32>
    %slice3A_349 = vector.extract_strided_slice %dot_general3A_345 {offsets = [32, 0], sizes = [32, 32], strides = [1, 1]} : vector<192x32xf32> to vector<32x32xf32>
    %mul3A_350 = vector.broadcast %get3A_300 : vector<32x1xf32> to vector<32x32xf32>
    %mul3A_351 = arith.mulf %mul3A_350, %slice3A_349 : vector<32x32xf32>
    %slice3A_352 = vector.extract_strided_slice %dot_general3A_345 {offsets = [64, 0], sizes = [32, 32], strides = [1, 1]} : vector<192x32xf32> to vector<32x32xf32>
    %mul3A_353 = vector.broadcast %get3A_300 : vector<32x1xf32> to vector<32x32xf32>
    %mul3A_354 = arith.mulf %mul3A_353, %slice3A_352 : vector<32x32xf32>
    %slice3A_355 = vector.extract_strided_slice %dot_general3A_345 {offsets = [96, 0], sizes = [32, 32], strides = [1, 1]} : vector<192x32xf32> to vector<32x32xf32>
    %mul3A_356 = vector.broadcast %get3A_300 : vector<32x1xf32> to vector<32x32xf32>
    %mul3A_357 = arith.mulf %mul3A_356, %slice3A_355 : vector<32x32xf32>
    %slice3A_358 = vector.extract_strided_slice %dot_general3A_345 {offsets = [128, 0], sizes = [32, 32], strides = [1, 1]} : vector<192x32xf32> to vector<32x32xf32>
    %mul3A_359 = vector.broadcast %get3A_300 : vector<32x1xf32> to vector<32x32xf32>
    %mul3A_360 = arith.mulf %mul3A_359, %slice3A_358 : vector<32x32xf32>
    %slice3A_361 = vector.extract_strided_slice %dot_general3A_345 {offsets = [160, 0], sizes = [32, 32], strides = [1, 1]} : vector<192x32xf32> to vector<32x32xf32>
    %mul3A_362 = vector.broadcast %get3A_300 : vector<32x1xf32> to vector<32x32xf32>
    %mul3A_363 = arith.mulf %mul3A_362, %slice3A_361 : vector<32x32xf32>
    %concatenate3A_364 = tpu.concatenate %mul3A_348, %mul3A_351, %mul3A_354, %mul3A_357, %mul3A_360, %mul3A_363 in 1 : vector<32x32xf32>, vector<32x32xf32>, vector<32x32xf32>, vector<32x32xf32>, vector<32x32xf32>, vector<32x32xf32> -> vector<32x192xf32>
    %convert_element_type3A_365 = arith.truncf %concatenate3A_364 : vector<32x192xf32> to vector<32x192xbf16>
    %swap3A_366 = arith.constant 3 : index
    %swap3A_367 = arith.constant 0 : index
    %swap3A_368 = arith.constant 0 : index
    %swap3A_369 = vector.load %arg3[%swap3A_366, %swap3A_367, %swap3A_368] : memref<8x32x192xbf16, #tpu.memory_space<vmem>>, vector<1x32x192xbf16>
    %swap3A_370 = vector.shape_cast %swap3A_369 : vector<1x32x192xbf16> to vector<32x192xbf16>
    %swap3A_371 = vector.shape_cast %convert_element_type3A_365 : vector<32x192xbf16> to vector<1x32x192xbf16>
    tpu.vector_store %arg3[%swap3A_366, %swap3A_367, %swap3A_368], %swap3A_371 {strides = array<i32>} : memref<8x32x192xbf16, #tpu.memory_space<vmem>>, vector<1x32x192xbf16>,
    %get3A_372 = arith.constant 4 : index
    %get3A_373 = arith.constant 0 : index
    %get3A_374 = arith.constant 0 : index
    %get3A_375 = vector.load %arg1[%get3A_372, %get3A_373, %get3A_374] : memref<8x32x640xf32, #tpu.memory_space<vmem>>, vector<1x32x640xf32>
    %get3A_376 = vector.shape_cast %get3A_375 : vector<1x32x640xf32> to vector<32x640xf32>
    %get3A_377 = arith.constant 4 : index
    %get3A_378 = arith.constant 0 : index
    %get3A_379 = arith.constant 0 : index
    %get3A_380 = vector.load %arg2[%get3A_377, %get3A_378, %get3A_379] : memref<8x32x1xf32, #tpu.memory_space<vmem>>, vector<1x32x1xf32>
    %get3A_381 = vector.shape_cast %get3A_380 : vector<1x32x1xf32> to vector<32x1xf32>
    %slice3A_382 = vector.extract_strided_slice %get3A_376 {offsets = [0, 0], sizes = [32, 192], strides = [1, 1]} : vector<32x640xf32> to vector<32x192xf32>
    %slice3A_383 = vector.extract_strided_slice %get3A_376 {offsets = [0, 192], sizes = [32, 192], strides = [1, 1]} : vector<32x640xf32> to vector<32x192xf32>
    %slice3A_384 = vector.extract_strided_slice %get3A_376 {offsets = [0, 384], sizes = [32, 192], strides = [1, 1]} : vector<32x640xf32> to vector<32x192xf32>
    %mul3A_385 = vector.broadcast %get3A_381 : vector<32x1xf32> to vector<32x192xf32>
    %mul3A_386 = arith.mulf %mul3A_385, %slice3A_384 : vector<32x192xf32>
    %slice3A_387 = vector.extract_strided_slice %slice3A_382 {offsets = [0, 0], sizes = [32, 32], strides = [1, 1]} : vector<32x192xf32> to vector<32x32xf32>
    %slice3A_388 = vector.extract_strided_slice %slice3A_382 {offsets = [0, 32], sizes = [32, 32], strides = [1, 1]} : vector<32x192xf32> to vector<32x32xf32>
    %slice3A_389 = vector.extract_strided_slice %slice3A_382 {offsets = [0, 64], sizes = [32, 32], strides = [1, 1]} : vector<32x192xf32> to vector<32x32xf32>
    %slice3A_390 = vector.extract_strided_slice %slice3A_382 {offsets = [0, 96], sizes = [32, 32], strides = [1, 1]} : vector<32x192xf32> to vector<32x32xf32>
    %slice3A_391 = vector.extract_strided_slice %slice3A_382 {offsets = [0, 128], sizes = [32, 32], strides = [1, 1]} : vector<32x192xf32> to vector<32x32xf32>
    %slice3A_392 = vector.extract_strided_slice %slice3A_382 {offsets = [0, 160], sizes = [32, 32], strides = [1, 1]} : vector<32x192xf32> to vector<32x32xf32>
    %concatenate3A_393 = tpu.concatenate %slice3A_387, %slice3A_388, %slice3A_389, %slice3A_390, %slice3A_391, %slice3A_392 in 0 : vector<32x32xf32>, vector<32x32xf32>, vector<32x32xf32>, vector<32x32xf32>, vector<32x32xf32>, vector<32x32xf32> -> vector<192x32xf32>
    %slice3A_394 = vector.extract_strided_slice %slice3A_383 {offsets = [0, 0], sizes = [32, 32], strides = [1, 1]} : vector<32x192xf32> to vector<32x32xf32>
    %slice3A_395 = vector.extract_strided_slice %slice3A_383 {offsets = [0, 32], sizes = [32, 32], strides = [1, 1]} : vector<32x192xf32> to vector<32x32xf32>
    %slice3A_396 = vector.extract_strided_slice %slice3A_383 {offsets = [0, 64], sizes = [32, 32], strides = [1, 1]} : vector<32x192xf32> to vector<32x32xf32>
    %slice3A_397 = vector.extract_strided_slice %slice3A_383 {offsets = [0, 96], sizes = [32, 32], strides = [1, 1]} : vector<32x192xf32> to vector<32x32xf32>
    %slice3A_398 = vector.extract_strided_slice %slice3A_383 {offsets = [0, 128], sizes = [32, 32], strides = [1, 1]} : vector<32x192xf32> to vector<32x32xf32>
    %slice3A_399 = vector.extract_strided_slice %slice3A_383 {offsets = [0, 160], sizes = [32, 32], strides = [1, 1]} : vector<32x192xf32> to vector<32x32xf32>
    %concatenate3A_400 = tpu.concatenate %slice3A_394, %slice3A_395, %slice3A_396, %slice3A_397, %slice3A_398, %slice3A_399 in 0 : vector<32x32xf32>, vector<32x32xf32>, vector<32x32xf32>, vector<32x32xf32>, vector<32x32xf32>, vector<32x32xf32> -> vector<192x32xf32>
    %slice3A_401 = vector.extract_strided_slice %mul3A_386 {offsets = [0, 0], sizes = [32, 32], strides = [1, 1]} : vector<32x192xf32> to vector<32x32xf32>
    %slice3A_402 = vector.extract_strided_slice %mul3A_386 {offsets = [0, 32], sizes = [32, 32], strides = [1, 1]} : vector<32x192xf32> to vector<32x32xf32>
    %slice3A_403 = vector.extract_strided_slice %mul3A_386 {offsets = [0, 64], sizes = [32, 32], strides = [1, 1]} : vector<32x192xf32> to vector<32x32xf32>
    %slice3A_404 = vector.extract_strided_slice %mul3A_386 {offsets = [0, 96], sizes = [32, 32], strides = [1, 1]} : vector<32x192xf32> to vector<32x32xf32>
    %slice3A_405 = vector.extract_strided_slice %mul3A_386 {offsets = [0, 128], sizes = [32, 32], strides = [1, 1]} : vector<32x192xf32> to vector<32x32xf32>
    %slice3A_406 = vector.extract_strided_slice %mul3A_386 {offsets = [0, 160], sizes = [32, 32], strides = [1, 1]} : vector<32x192xf32> to vector<32x32xf32>
    %concatenate3A_407 = tpu.concatenate %slice3A_401, %slice3A_402, %slice3A_403, %slice3A_404, %slice3A_405, %slice3A_406 in 0 : vector<32x32xf32>, vector<32x32xf32>, vector<32x32xf32>, vector<32x32xf32>, vector<32x32xf32>, vector<32x32xf32> -> vector<192x32xf32>
    %dot_general3A_408 = arith.constant dense<0.000000e+00> : vector<192x192xf32>
    %dot_general3A_409 = tpu.matmul %concatenate3A_393, %concatenate3A_400, %dot_general3A_408 {dimension_numbers = #tpu.dot_dimension_numbers<[1], [1], [0], [0], [0, 0, 1, 0], [], []>, transpose_lhs_hint = false} : vector<192x32xf32>, vector<192x32xf32>, vector<192x192xf32> -> vector<192x192xf32>
    %mul3A_410 = arith.constant 0.176776692 : f32
    %mul3A_411 = vector.broadcast %mul3A_410 : f32 to vector<192x192xf32>
    %mul3A_412 = arith.mulf %dot_general3A_409, %mul3A_411 : vector<192x192xf32>
    %add3A_413 = arith.addf %mul3A_412, %select_n3A_58 : vector<192x192xf32>
    %reduce_max3A_414 = arith.constant dense<0xFF800000> : vector<192xf32>
    %reduce_max3A_415 = vector.multi_reduction <maximumf>, %add3A_413, %reduce_max3A_414 [1] : vector<192x192xf32> to vector<192xf32>
    %broadcast_in_dim3A_416 = vector.shape_cast %reduce_max3A_415 : vector<192xf32> to vector<192x1xf32>
    %sub3A_417 = vector.broadcast %broadcast_in_dim3A_416 : vector<192x1xf32> to vector<192x192xf32>
    %sub3A_418 = arith.subf %add3A_413, %sub3A_417 : vector<192x192xf32>
    %exp3A_419 = math.exp %sub3A_418 : vector<192x192xf32>
    %reduce_sum3A_420 = arith.constant dense<0.000000e+00> : vector<192xf32>
    %reduce_sum3A_421 = vector.multi_reduction <add>, %exp3A_419, %reduce_sum3A_420 [1] : vector<192x192xf32> to vector<192xf32>
    %broadcast_in_dim3A_422 = vector.shape_cast %reduce_sum3A_421 : vector<192xf32> to vector<192x1xf32>
    %div3A_423 = vector.broadcast %broadcast_in_dim3A_422 : vector<192x1xf32> to vector<192x192xf32>
    %div3A_424 = arith.divf %exp3A_419, %div3A_423 : vector<192x192xf32>
    %dot_general3A_425 = arith.constant dense<0.000000e+00> : vector<192x32xf32>
    %dot_general3A_426 = tpu.matmul %div3A_424, %concatenate3A_407, %dot_general3A_425 {dimension_numbers = #tpu.dot_dimension_numbers<[1], [0], [0], [1], [0, 0, 1, 1], [], []>, transpose_lhs_hint = false} : vector<192x192xf32>, vector<192x32xf32>, vector<192x32xf32> -> vector<192x32xf32>
    %slice3A_427 = vector.extract_strided_slice %dot_general3A_426 {offsets = [0, 0], sizes = [32, 32], strides = [1, 1]} : vector<192x32xf32> to vector<32x32xf32>
    %mul3A_428 = vector.broadcast %get3A_381 : vector<32x1xf32> to vector<32x32xf32>
    %mul3A_429 = arith.mulf %mul3A_428, %slice3A_427 : vector<32x32xf32>
    %slice3A_430 = vector.extract_strided_slice %dot_general3A_426 {offsets = [32, 0], sizes = [32, 32], strides = [1, 1]} : vector<192x32xf32> to vector<32x32xf32>
    %mul3A_431 = vector.broadcast %get3A_381 : vector<32x1xf32> to vector<32x32xf32>
    %mul3A_432 = arith.mulf %mul3A_431, %slice3A_430 : vector<32x32xf32>
    %slice3A_433 = vector.extract_strided_slice %dot_general3A_426 {offsets = [64, 0], sizes = [32, 32], strides = [1, 1]} : vector<192x32xf32> to vector<32x32xf32>
    %mul3A_434 = vector.broadcast %get3A_381 : vector<32x1xf32> to vector<32x32xf32>
    %mul3A_435 = arith.mulf %mul3A_434, %slice3A_433 : vector<32x32xf32>
    %slice3A_436 = vector.extract_strided_slice %dot_general3A_426 {offsets = [96, 0], sizes = [32, 32], strides = [1, 1]} : vector<192x32xf32> to vector<32x32xf32>
    %mul3A_437 = vector.broadcast %get3A_381 : vector<32x1xf32> to vector<32x32xf32>
    %mul3A_438 = arith.mulf %mul3A_437, %slice3A_436 : vector<32x32xf32>
    %slice3A_439 = vector.extract_strided_slice %dot_general3A_426 {offsets = [128, 0], sizes = [32, 32], strides = [1, 1]} : vector<192x32xf32> to vector<32x32xf32>
    %mul3A_440 = vector.broadcast %get3A_381 : vector<32x1xf32> to vector<32x32xf32>
    %mul3A_441 = arith.mulf %mul3A_440, %slice3A_439 : vector<32x32xf32>
    %slice3A_442 = vector.extract_strided_slice %dot_general3A_426 {offsets = [160, 0], sizes = [32, 32], strides = [1, 1]} : vector<192x32xf32> to vector<32x32xf32>
    %mul3A_443 = vector.broadcast %get3A_381 : vector<32x1xf32> to vector<32x32xf32>
    %mul3A_444 = arith.mulf %mul3A_443, %slice3A_442 : vector<32x32xf32>
    %concatenate3A_445 = tpu.concatenate %mul3A_429, %mul3A_432, %mul3A_435, %mul3A_438, %mul3A_441, %mul3A_444 in 1 : vector<32x32xf32>, vector<32x32xf32>, vector<32x32xf32>, vector<32x32xf32>, vector<32x32xf32>, vector<32x32xf32> -> vector<32x192xf32>
    %convert_element_type3A_446 = arith.truncf %concatenate3A_445 : vector<32x192xf32> to vector<32x192xbf16>
    %swap3A_447 = arith.constant 4 : index
    %swap3A_448 = arith.constant 0 : index
    %swap3A_449 = arith.constant 0 : index
    %swap3A_450 = vector.load %arg3[%swap3A_447, %swap3A_448, %swap3A_449] : memref<8x32x192xbf16, #tpu.memory_space<vmem>>, vector<1x32x192xbf16>
    %swap3A_451 = vector.shape_cast %swap3A_450 : vector<1x32x192xbf16> to vector<32x192xbf16>
    %swap3A_452 = vector.shape_cast %convert_element_type3A_446 : vector<32x192xbf16> to vector<1x32x192xbf16>
    tpu.vector_store %arg3[%swap3A_447, %swap3A_448, %swap3A_449], %swap3A_452 {strides = array<i32>} : memref<8x32x192xbf16, #tpu.memory_space<vmem>>, vector<1x32x192xbf16>,
    %get3A_453 = arith.constant 5 : index
    %get3A_454 = arith.constant 0 : index
    %get3A_455 = arith.constant 0 : index
    %get3A_456 = vector.load %arg1[%get3A_453, %get3A_454, %get3A_455] : memref<8x32x640xf32, #tpu.memory_space<vmem>>, vector<1x32x640xf32>
    %get3A_457 = vector.shape_cast %get3A_456 : vector<1x32x640xf32> to vector<32x640xf32>
    %get3A_458 = arith.constant 5 : index
    %get3A_459 = arith.constant 0 : index
    %get3A_460 = arith.constant 0 : index
    %get3A_461 = vector.load %arg2[%get3A_458, %get3A_459, %get3A_460] : memref<8x32x1xf32, #tpu.memory_space<vmem>>, vector<1x32x1xf32>
    %get3A_462 = vector.shape_cast %get3A_461 : vector<1x32x1xf32> to vector<32x1xf32>
    %slice3A_463 = vector.extract_strided_slice %get3A_457 {offsets = [0, 0], sizes = [32, 192], strides = [1, 1]} : vector<32x640xf32> to vector<32x192xf32>
    %slice3A_464 = vector.extract_strided_slice %get3A_457 {offsets = [0, 192], sizes = [32, 192], strides = [1, 1]} : vector<32x640xf32> to vector<32x192xf32>
    %slice3A_465 = vector.extract_strided_slice %get3A_457 {offsets = [0, 384], sizes = [32, 192], strides = [1, 1]} : vector<32x640xf32> to vector<32x192xf32>
    %mul3A_466 = vector.broadcast %get3A_462 : vector<32x1xf32> to vector<32x192xf32>
    %mul3A_467 = arith.mulf %mul3A_466, %slice3A_465 : vector<32x192xf32>
    %slice3A_468 = vector.extract_strided_slice %slice3A_463 {offsets = [0, 0], sizes = [32, 32], strides = [1, 1]} : vector<32x192xf32> to vector<32x32xf32>
    %slice3A_469 = vector.extract_strided_slice %slice3A_463 {offsets = [0, 32], sizes = [32, 32], strides = [1, 1]} : vector<32x192xf32> to vector<32x32xf32>
    %slice3A_470 = vector.extract_strided_slice %slice3A_463 {offsets = [0, 64], sizes = [32, 32], strides = [1, 1]} : vector<32x192xf32> to vector<32x32xf32>
    %slice3A_471 = vector.extract_strided_slice %slice3A_463 {offsets = [0, 96], sizes = [32, 32], strides = [1, 1]} : vector<32x192xf32> to vector<32x32xf32>
    %slice3A_472 = vector.extract_strided_slice %slice3A_463 {offsets = [0, 128], sizes = [32, 32], strides = [1, 1]} : vector<32x192xf32> to vector<32x32xf32>
    %slice3A_473 = vector.extract_strided_slice %slice3A_463 {offsets = [0, 160], sizes = [32, 32], strides = [1, 1]} : vector<32x192xf32> to vector<32x32xf32>
    %concatenate3A_474 = tpu.concatenate %slice3A_468, %slice3A_469, %slice3A_470, %slice3A_471, %slice3A_472, %slice3A_473 in 0 : vector<32x32xf32>, vector<32x32xf32>, vector<32x32xf32>, vector<32x32xf32>, vector<32x32xf32>, vector<32x32xf32> -> vector<192x32xf32>
    %slice3A_475 = vector.extract_strided_slice %slice3A_464 {offsets = [0, 0], sizes = [32, 32], strides = [1, 1]} : vector<32x192xf32> to vector<32x32xf32>
    %slice3A_476 = vector.extract_strided_slice %slice3A_464 {offsets = [0, 32], sizes = [32, 32], strides = [1, 1]} : vector<32x192xf32> to vector<32x32xf32>
    %slice3A_477 = vector.extract_strided_slice %slice3A_464 {offsets = [0, 64], sizes = [32, 32], strides = [1, 1]} : vector<32x192xf32> to vector<32x32xf32>
    %slice3A_478 = vector.extract_strided_slice %slice3A_464 {offsets = [0, 96], sizes = [32, 32], strides = [1, 1]} : vector<32x192xf32> to vector<32x32xf32>
    %slice3A_479 = vector.extract_strided_slice %slice3A_464 {offsets = [0, 128], sizes = [32, 32], strides = [1, 1]} : vector<32x192xf32> to vector<32x32xf32>
    %slice3A_480 = vector.extract_strided_slice %slice3A_464 {offsets = [0, 160], sizes = [32, 32], strides = [1, 1]} : vector<32x192xf32> to vector<32x32xf32>
    %concatenate3A_481 = tpu.concatenate %slice3A_475, %slice3A_476, %slice3A_477, %slice3A_478, %slice3A_479, %slice3A_480 in 0 : vector<32x32xf32>, vector<32x32xf32>, vector<32x32xf32>, vector<32x32xf32>, vector<32x32xf32>, vector<32x32xf32> -> vector<192x32xf32>
    %slice3A_482 = vector.extract_strided_slice %mul3A_467 {offsets = [0, 0], sizes = [32, 32], strides = [1, 1]} : vector<32x192xf32> to vector<32x32xf32>
    %slice3A_483 = vector.extract_strided_slice %mul3A_467 {offsets = [0, 32], sizes = [32, 32], strides = [1, 1]} : vector<32x192xf32> to vector<32x32xf32>
    %slice3A_484 = vector.extract_strided_slice %mul3A_467 {offsets = [0, 64], sizes = [32, 32], strides = [1, 1]} : vector<32x192xf32> to vector<32x32xf32>
    %slice3A_485 = vector.extract_strided_slice %mul3A_467 {offsets = [0, 96], sizes = [32, 32], strides = [1, 1]} : vector<32x192xf32> to vector<32x32xf32>
    %slice3A_486 = vector.extract_strided_slice %mul3A_467 {offsets = [0, 128], sizes = [32, 32], strides = [1, 1]} : vector<32x192xf32> to vector<32x32xf32>
    %slice3A_487 = vector.extract_strided_slice %mul3A_467 {offsets = [0, 160], sizes = [32, 32], strides = [1, 1]} : vector<32x192xf32> to vector<32x32xf32>
    %concatenate3A_488 = tpu.concatenate %slice3A_482, %slice3A_483, %slice3A_484, %slice3A_485, %slice3A_486, %slice3A_487 in 0 : vector<32x32xf32>, vector<32x32xf32>, vector<32x32xf32>, vector<32x32xf32>, vector<32x32xf32>, vector<32x32xf32> -> vector<192x32xf32>
    %dot_general3A_489 = arith.constant dense<0.000000e+00> : vector<192x192xf32>
    %dot_general3A_490 = tpu.matmul %concatenate3A_474, %concatenate3A_481, %dot_general3A_489 {dimension_numbers = #tpu.dot_dimension_numbers<[1], [1], [0], [0], [0, 0, 1, 0], [], []>, transpose_lhs_hint = false} : vector<192x32xf32>, vector<192x32xf32>, vector<192x192xf32> -> vector<192x192xf32>
    %mul3A_491 = arith.constant 0.176776692 : f32
    %mul3A_492 = vector.broadcast %mul3A_491 : f32 to vector<192x192xf32>
    %mul3A_493 = arith.mulf %dot_general3A_490, %mul3A_492 : vector<192x192xf32>
    %add3A_494 = arith.addf %mul3A_493, %select_n3A_58 : vector<192x192xf32>
    %reduce_max3A_495 = arith.constant dense<0xFF800000> : vector<192xf32>
    %reduce_max3A_496 = vector.multi_reduction <maximumf>, %add3A_494, %reduce_max3A_495 [1] : vector<192x192xf32> to vector<192xf32>
    %broadcast_in_dim3A_497 = vector.shape_cast %reduce_max3A_496 : vector<192xf32> to vector<192x1xf32>
    %sub3A_498 = vector.broadcast %broadcast_in_dim3A_497 : vector<192x1xf32> to vector<192x192xf32>
    %sub3A_499 = arith.subf %add3A_494, %sub3A_498 : vector<192x192xf32>
    %exp3A_500 = math.exp %sub3A_499 : vector<192x192xf32>
    %reduce_sum3A_501 = arith.constant dense<0.000000e+00> : vector<192xf32>
    %reduce_sum3A_502 = vector.multi_reduction <add>, %exp3A_500, %reduce_sum3A_501 [1] : vector<192x192xf32> to vector<192xf32>
    %broadcast_in_dim3A_503 = vector.shape_cast %reduce_sum3A_502 : vector<192xf32> to vector<192x1xf32>
    %div3A_504 = vector.broadcast %broadcast_in_dim3A_503 : vector<192x1xf32> to vector<192x192xf32>
    %div3A_505 = arith.divf %exp3A_500, %div3A_504 : vector<192x192xf32>
    %dot_general3A_506 = arith.constant dense<0.000000e+00> : vector<192x32xf32>
    %dot_general3A_507 = tpu.matmul %div3A_505, %concatenate3A_488, %dot_general3A_506 {dimension_numbers = #tpu.dot_dimension_numbers<[1], [0], [0], [1], [0, 0, 1, 1], [], []>, transpose_lhs_hint = false} : vector<192x192xf32>, vector<192x32xf32>, vector<192x32xf32> -> vector<192x32xf32>
    %slice3A_508 = vector.extract_strided_slice %dot_general3A_507 {offsets = [0, 0], sizes = [32, 32], strides = [1, 1]} : vector<192x32xf32> to vector<32x32xf32>
    %mul3A_509 = vector.broadcast %get3A_462 : vector<32x1xf32> to vector<32x32xf32>
    %mul3A_510 = arith.mulf %mul3A_509, %slice3A_508 : vector<32x32xf32>
    %slice3A_511 = vector.extract_strided_slice %dot_general3A_507 {offsets = [32, 0], sizes = [32, 32], strides = [1, 1]} : vector<192x32xf32> to vector<32x32xf32>
    %mul3A_512 = vector.broadcast %get3A_462 : vector<32x1xf32> to vector<32x32xf32>
    %mul3A_513 = arith.mulf %mul3A_512, %slice3A_511 : vector<32x32xf32>
    %slice3A_514 = vector.extract_strided_slice %dot_general3A_507 {offsets = [64, 0], sizes = [32, 32], strides = [1, 1]} : vector<192x32xf32> to vector<32x32xf32>
    %mul3A_515 = vector.broadcast %get3A_462 : vector<32x1xf32> to vector<32x32xf32>
    %mul3A_516 = arith.mulf %mul3A_515, %slice3A_514 : vector<32x32xf32>
    %slice3A_517 = vector.extract_strided_slice %dot_general3A_507 {offsets = [96, 0], sizes = [32, 32], strides = [1, 1]} : vector<192x32xf32> to vector<32x32xf32>
    %mul3A_518 = vector.broadcast %get3A_462 : vector<32x1xf32> to vector<32x32xf32>
    %mul3A_519 = arith.mulf %mul3A_518, %slice3A_517 : vector<32x32xf32>
    %slice3A_520 = vector.extract_strided_slice %dot_general3A_507 {offsets = [128, 0], sizes = [32, 32], strides = [1, 1]} : vector<192x32xf32> to vector<32x32xf32>
    %mul3A_521 = vector.broadcast %get3A_462 : vector<32x1xf32> to vector<32x32xf32>
    %mul3A_522 = arith.mulf %mul3A_521, %slice3A_520 : vector<32x32xf32>
    %slice3A_523 = vector.extract_strided_slice %dot_general3A_507 {offsets = [160, 0], sizes = [32, 32], strides = [1, 1]} : vector<192x32xf32> to vector<32x32xf32>
    %mul3A_524 = vector.broadcast %get3A_462 : vector<32x1xf32> to vector<32x32xf32>
    %mul3A_525 = arith.mulf %mul3A_524, %slice3A_523 : vector<32x32xf32>
    %concatenate3A_526 = tpu.concatenate %mul3A_510, %mul3A_513, %mul3A_516, %mul3A_519, %mul3A_522, %mul3A_525 in 1 : vector<32x32xf32>, vector<32x32xf32>, vector<32x32xf32>, vector<32x32xf32>, vector<32x32xf32>, vector<32x32xf32> -> vector<32x192xf32>
    %convert_element_type3A_527 = arith.truncf %concatenate3A_526 : vector<32x192xf32> to vector<32x192xbf16>
    %swap3A_528 = arith.constant 5 : index
    %swap3A_529 = arith.constant 0 : index
    %swap3A_530 = arith.constant 0 : index
    %swap3A_531 = vector.load %arg3[%swap3A_528, %swap3A_529, %swap3A_530] : memref<8x32x192xbf16, #tpu.memory_space<vmem>>, vector<1x32x192xbf16>
    %swap3A_532 = vector.shape_cast %swap3A_531 : vector<1x32x192xbf16> to vector<32x192xbf16>
    %swap3A_533 = vector.shape_cast %convert_element_type3A_527 : vector<32x192xbf16> to vector<1x32x192xbf16>
    tpu.vector_store %arg3[%swap3A_528, %swap3A_529, %swap3A_530], %swap3A_533 {strides = array<i32>} : memref<8x32x192xbf16, #tpu.memory_space<vmem>>, vector<1x32x192xbf16>,
    %get3A_534 = arith.constant 6 : index
    %get3A_535 = arith.constant 0 : index
    %get3A_536 = arith.constant 0 : index
    %get3A_537 = vector.load %arg1[%get3A_534, %get3A_535, %get3A_536] : memref<8x32x640xf32, #tpu.memory_space<vmem>>, vector<1x32x640xf32>
    %get3A_538 = vector.shape_cast %get3A_537 : vector<1x32x640xf32> to vector<32x640xf32>
    %get3A_539 = arith.constant 6 : index
    %get3A_540 = arith.constant 0 : index
    %get3A_541 = arith.constant 0 : index
    %get3A_542 = vector.load %arg2[%get3A_539, %get3A_540, %get3A_541] : memref<8x32x1xf32, #tpu.memory_space<vmem>>, vector<1x32x1xf32>
    %get3A_543 = vector.shape_cast %get3A_542 : vector<1x32x1xf32> to vector<32x1xf32>
    %slice3A_544 = vector.extract_strided_slice %get3A_538 {offsets = [0, 0], sizes = [32, 192], strides = [1, 1]} : vector<32x640xf32> to vector<32x192xf32>
    %slice3A_545 = vector.extract_strided_slice %get3A_538 {offsets = [0, 192], sizes = [32, 192], strides = [1, 1]} : vector<32x640xf32> to vector<32x192xf32>
    %slice3A_546 = vector.extract_strided_slice %get3A_538 {offsets = [0, 384], sizes = [32, 192], strides = [1, 1]} : vector<32x640xf32> to vector<32x192xf32>
    %mul3A_547 = vector.broadcast %get3A_543 : vector<32x1xf32> to vector<32x192xf32>
    %mul3A_548 = arith.mulf %mul3A_547, %slice3A_546 : vector<32x192xf32>
    %slice3A_549 = vector.extract_strided_slice %slice3A_544 {offsets = [0, 0], sizes = [32, 32], strides = [1, 1]} : vector<32x192xf32> to vector<32x32xf32>
    %slice3A_550 = vector.extract_strided_slice %slice3A_544 {offsets = [0, 32], sizes = [32, 32], strides = [1, 1]} : vector<32x192xf32> to vector<32x32xf32>
    %slice3A_551 = vector.extract_strided_slice %slice3A_544 {offsets = [0, 64], sizes = [32, 32], strides = [1, 1]} : vector<32x192xf32> to vector<32x32xf32>
    %slice3A_552 = vector.extract_strided_slice %slice3A_544 {offsets = [0, 96], sizes = [32, 32], strides = [1, 1]} : vector<32x192xf32> to vector<32x32xf32>
    %slice3A_553 = vector.extract_strided_slice %slice3A_544 {offsets = [0, 128], sizes = [32, 32], strides = [1, 1]} : vector<32x192xf32> to vector<32x32xf32>
    %slice3A_554 = vector.extract_strided_slice %slice3A_544 {offsets = [0, 160], sizes = [32, 32], strides = [1, 1]} : vector<32x192xf32> to vector<32x32xf32>
    %concatenate3A_555 = tpu.concatenate %slice3A_549, %slice3A_550, %slice3A_551, %slice3A_552, %slice3A_553, %slice3A_554 in 0 : vector<32x32xf32>, vector<32x32xf32>, vector<32x32xf32>, vector<32x32xf32>, vector<32x32xf32>, vector<32x32xf32> -> vector<192x32xf32>
    %slice3A_556 = vector.extract_strided_slice %slice3A_545 {offsets = [0, 0], sizes = [32, 32], strides = [1, 1]} : vector<32x192xf32> to vector<32x32xf32>
    %slice3A_557 = vector.extract_strided_slice %slice3A_545 {offsets = [0, 32], sizes = [32, 32], strides = [1, 1]} : vector<32x192xf32> to vector<32x32xf32>
    %slice3A_558 = vector.extract_strided_slice %slice3A_545 {offsets = [0, 64], sizes = [32, 32], strides = [1, 1]} : vector<32x192xf32> to vector<32x32xf32>
    %slice3A_559 = vector.extract_strided_slice %slice3A_545 {offsets = [0, 96], sizes = [32, 32], strides = [1, 1]} : vector<32x192xf32> to vector<32x32xf32>
    %slice3A_560 = vector.extract_strided_slice %slice3A_545 {offsets = [0, 128], sizes = [32, 32], strides = [1, 1]} : vector<32x192xf32> to vector<32x32xf32>
    %slice3A_561 = vector.extract_strided_slice %slice3A_545 {offsets = [0, 160], sizes = [32, 32], strides = [1, 1]} : vector<32x192xf32> to vector<32x32xf32>
    %concatenate3A_562 = tpu.concatenate %slice3A_556, %slice3A_557, %slice3A_558, %slice3A_559, %slice3A_560, %slice3A_561 in 0 : vector<32x32xf32>, vector<32x32xf32>, vector<32x32xf32>, vector<32x32xf32>, vector<32x32xf32>, vector<32x32xf32> -> vector<192x32xf32>
    %slice3A_563 = vector.extract_strided_slice %mul3A_548 {offsets = [0, 0], sizes = [32, 32], strides = [1, 1]} : vector<32x192xf32> to vector<32x32xf32>
    %slice3A_564 = vector.extract_strided_slice %mul3A_548 {offsets = [0, 32], sizes = [32, 32], strides = [1, 1]} : vector<32x192xf32> to vector<32x32xf32>
    %slice3A_565 = vector.extract_strided_slice %mul3A_548 {offsets = [0, 64], sizes = [32, 32], strides = [1, 1]} : vector<32x192xf32> to vector<32x32xf32>
    %slice3A_566 = vector.extract_strided_slice %mul3A_548 {offsets = [0, 96], sizes = [32, 32], strides = [1, 1]} : vector<32x192xf32> to vector<32x32xf32>
    %slice3A_567 = vector.extract_strided_slice %mul3A_548 {offsets = [0, 128], sizes = [32, 32], strides = [1, 1]} : vector<32x192xf32> to vector<32x32xf32>
    %slice3A_568 = vector.extract_strided_slice %mul3A_548 {offsets = [0, 160], sizes = [32, 32], strides = [1, 1]} : vector<32x192xf32> to vector<32x32xf32>
    %concatenate3A_569 = tpu.concatenate %slice3A_563, %slice3A_564, %slice3A_565, %slice3A_566, %slice3A_567, %slice3A_568 in 0 : vector<32x32xf32>, vector<32x32xf32>, vector<32x32xf32>, vector<32x32xf32>, vector<32x32xf32>, vector<32x32xf32> -> vector<192x32xf32>
    %dot_general3A_570 = arith.constant dense<0.000000e+00> : vector<192x192xf32>
    %dot_general3A_571 = tpu.matmul %concatenate3A_555, %concatenate3A_562, %dot_general3A_570 {dimension_numbers = #tpu.dot_dimension_numbers<[1], [1], [0], [0], [0, 0, 1, 0], [], []>, transpose_lhs_hint = false} : vector<192x32xf32>, vector<192x32xf32>, vector<192x192xf32> -> vector<192x192xf32>
    %mul3A_572 = arith.constant 0.176776692 : f32
    %mul3A_573 = vector.broadcast %mul3A_572 : f32 to vector<192x192xf32>
    %mul3A_574 = arith.mulf %dot_general3A_571, %mul3A_573 : vector<192x192xf32>
    %add3A_575 = arith.addf %mul3A_574, %select_n3A_58 : vector<192x192xf32>
    %reduce_max3A_576 = arith.constant dense<0xFF800000> : vector<192xf32>
    %reduce_max3A_577 = vector.multi_reduction <maximumf>, %add3A_575, %reduce_max3A_576 [1] : vector<192x192xf32> to vector<192xf32>
    %broadcast_in_dim3A_578 = vector.shape_cast %reduce_max3A_577 : vector<192xf32> to vector<192x1xf32>
    %sub3A_579 = vector.broadcast %broadcast_in_dim3A_578 : vector<192x1xf32> to vector<192x192xf32>
    %sub3A_580 = arith.subf %add3A_575, %sub3A_579 : vector<192x192xf32>
    %exp3A_581 = math.exp %sub3A_580 : vector<192x192xf32>
    %reduce_sum3A_582 = arith.constant dense<0.000000e+00> : vector<192xf32>
    %reduce_sum3A_583 = vector.multi_reduction <add>, %exp3A_581, %reduce_sum3A_582 [1] : vector<192x192xf32> to vector<192xf32>
    %broadcast_in_dim3A_584 = vector.shape_cast %reduce_sum3A_583 : vector<192xf32> to vector<192x1xf32>
    %div3A_585 = vector.broadcast %broadcast_in_dim3A_584 : vector<192x1xf32> to vector<192x192xf32>
    %div3A_586 = arith.divf %exp3A_581, %div3A_585 : vector<192x192xf32>
    %dot_general3A_587 = arith.constant dense<0.000000e+00> : vector<192x32xf32>
    %dot_general3A_588 = tpu.matmul %div3A_586, %concatenate3A_569, %dot_general3A_587 {dimension_numbers = #tpu.dot_dimension_numbers<[1], [0], [0], [1], [0, 0, 1, 1], [], []>, transpose_lhs_hint = false} : vector<192x192xf32>, vector<192x32xf32>, vector<192x32xf32> -> vector<192x32xf32>
    %slice3A_589 = vector.extract_strided_slice %dot_general3A_588 {offsets = [0, 0], sizes = [32, 32], strides = [1, 1]} : vector<192x32xf32> to vector<32x32xf32>
    %mul3A_590 = vector.broadcast %get3A_543 : vector<32x1xf32> to vector<32x32xf32>
    %mul3A_591 = arith.mulf %mul3A_590, %slice3A_589 : vector<32x32xf32>
    %slice3A_592 = vector.extract_strided_slice %dot_general3A_588 {offsets = [32, 0], sizes = [32, 32], strides = [1, 1]} : vector<192x32xf32> to vector<32x32xf32>
    %mul3A_593 = vector.broadcast %get3A_543 : vector<32x1xf32> to vector<32x32xf32>
    %mul3A_594 = arith.mulf %mul3A_593, %slice3A_592 : vector<32x32xf32>
    %slice3A_595 = vector.extract_strided_slice %dot_general3A_588 {offsets = [64, 0], sizes = [32, 32], strides = [1, 1]} : vector<192x32xf32> to vector<32x32xf32>
    %mul3A_596 = vector.broadcast %get3A_543 : vector<32x1xf32> to vector<32x32xf32>
    %mul3A_597 = arith.mulf %mul3A_596, %slice3A_595 : vector<32x32xf32>
    %slice3A_598 = vector.extract_strided_slice %dot_general3A_588 {offsets = [96, 0], sizes = [32, 32], strides = [1, 1]} : vector<192x32xf32> to vector<32x32xf32>
    %mul3A_599 = vector.broadcast %get3A_543 : vector<32x1xf32> to vector<32x32xf32>
    %mul3A_600 = arith.mulf %mul3A_599, %slice3A_598 : vector<32x32xf32>
    %slice3A_601 = vector.extract_strided_slice %dot_general3A_588 {offsets = [128, 0], sizes = [32, 32], strides = [1, 1]} : vector<192x32xf32> to vector<32x32xf32>
    %mul3A_602 = vector.broadcast %get3A_543 : vector<32x1xf32> to vector<32x32xf32>
    %mul3A_603 = arith.mulf %mul3A_602, %slice3A_601 : vector<32x32xf32>
    %slice3A_604 = vector.extract_strided_slice %dot_general3A_588 {offsets = [160, 0], sizes = [32, 32], strides = [1, 1]} : vector<192x32xf32> to vector<32x32xf32>
    %mul3A_605 = vector.broadcast %get3A_543 : vector<32x1xf32> to vector<32x32xf32>
    %mul3A_606 = arith.mulf %mul3A_605, %slice3A_604 : vector<32x32xf32>
    %concatenate3A_607 = tpu.concatenate %mul3A_591, %mul3A_594, %mul3A_597, %mul3A_600, %mul3A_603, %mul3A_606 in 1 : vector<32x32xf32>, vector<32x32xf32>, vector<32x32xf32>, vector<32x32xf32>, vector<32x32xf32>, vector<32x32xf32> -> vector<32x192xf32>
    %convert_element_type3A_608 = arith.truncf %concatenate3A_607 : vector<32x192xf32> to vector<32x192xbf16>
    %swap3A_609 = arith.constant 6 : index
    %swap3A_610 = arith.constant 0 : index
    %swap3A_611 = arith.constant 0 : index
    %swap3A_612 = vector.load %arg3[%swap3A_609, %swap3A_610, %swap3A_611] : memref<8x32x192xbf16, #tpu.memory_space<vmem>>, vector<1x32x192xbf16>
    %swap3A_613 = vector.shape_cast %swap3A_612 : vector<1x32x192xbf16> to vector<32x192xbf16>
    %swap3A_614 = vector.shape_cast %convert_element_type3A_608 : vector<32x192xbf16> to vector<1x32x192xbf16>
    tpu.vector_store %arg3[%swap3A_609, %swap3A_610, %swap3A_611], %swap3A_614 {strides = array<i32>} : memref<8x32x192xbf16, #tpu.memory_space<vmem>>, vector<1x32x192xbf16>,
    %get3A_615 = arith.constant 7 : index
    %get3A_616 = arith.constant 0 : index
    %get3A_617 = arith.constant 0 : index
    %get3A_618 = vector.load %arg1[%get3A_615, %get3A_616, %get3A_617] : memref<8x32x640xf32, #tpu.memory_space<vmem>>, vector<1x32x640xf32>
    %get3A_619 = vector.shape_cast %get3A_618 : vector<1x32x640xf32> to vector<32x640xf32>
    %get3A_620 = arith.constant 7 : index
    %get3A_621 = arith.constant 0 : index
    %get3A_622 = arith.constant 0 : index
    %get3A_623 = vector.load %arg2[%get3A_620, %get3A_621, %get3A_622] : memref<8x32x1xf32, #tpu.memory_space<vmem>>, vector<1x32x1xf32>
    %get3A_624 = vector.shape_cast %get3A_623 : vector<1x32x1xf32> to vector<32x1xf32>
    %slice3A_625 = vector.extract_strided_slice %get3A_619 {offsets = [0, 0], sizes = [32, 192], strides = [1, 1]} : vector<32x640xf32> to vector<32x192xf32>
    %slice3A_626 = vector.extract_strided_slice %get3A_619 {offsets = [0, 192], sizes = [32, 192], strides = [1, 1]} : vector<32x640xf32> to vector<32x192xf32>
    %slice3A_627 = vector.extract_strided_slice %get3A_619 {offsets = [0, 384], sizes = [32, 192], strides = [1, 1]} : vector<32x640xf32> to vector<32x192xf32>
    %mul3A_628 = vector.broadcast %get3A_624 : vector<32x1xf32> to vector<32x192xf32>
    %mul3A_629 = arith.mulf %mul3A_628, %slice3A_627 : vector<32x192xf32>
    %slice3A_630 = vector.extract_strided_slice %slice3A_625 {offsets = [0, 0], sizes = [32, 32], strides = [1, 1]} : vector<32x192xf32> to vector<32x32xf32>
    %slice3A_631 = vector.extract_strided_slice %slice3A_625 {offsets = [0, 32], sizes = [32, 32], strides = [1, 1]} : vector<32x192xf32> to vector<32x32xf32>
    %slice3A_632 = vector.extract_strided_slice %slice3A_625 {offsets = [0, 64], sizes = [32, 32], strides = [1, 1]} : vector<32x192xf32> to vector<32x32xf32>
    %slice3A_633 = vector.extract_strided_slice %slice3A_625 {offsets = [0, 96], sizes = [32, 32], strides = [1, 1]} : vector<32x192xf32> to vector<32x32xf32>
    %slice3A_634 = vector.extract_strided_slice %slice3A_625 {offsets = [0, 128], sizes = [32, 32], strides = [1, 1]} : vector<32x192xf32> to vector<32x32xf32>
    %slice3A_635 = vector.extract_strided_slice %slice3A_625 {offsets = [0, 160], sizes = [32, 32], strides = [1, 1]} : vector<32x192xf32> to vector<32x32xf32>
    %concatenate3A_636 = tpu.concatenate %slice3A_630, %slice3A_631, %slice3A_632, %slice3A_633, %slice3A_634, %slice3A_635 in 0 : vector<32x32xf32>, vector<32x32xf32>, vector<32x32xf32>, vector<32x32xf32>, vector<32x32xf32>, vector<32x32xf32> -> vector<192x32xf32>
    %slice3A_637 = vector.extract_strided_slice %slice3A_626 {offsets = [0, 0], sizes = [32, 32], strides = [1, 1]} : vector<32x192xf32> to vector<32x32xf32>
    %slice3A_638 = vector.extract_strided_slice %slice3A_626 {offsets = [0, 32], sizes = [32, 32], strides = [1, 1]} : vector<32x192xf32> to vector<32x32xf32>
    %slice3A_639 = vector.extract_strided_slice %slice3A_626 {offsets = [0, 64], sizes = [32, 32], strides = [1, 1]} : vector<32x192xf32> to vector<32x32xf32>
    %slice3A_640 = vector.extract_strided_slice %slice3A_626 {offsets = [0, 96], sizes = [32, 32], strides = [1, 1]} : vector<32x192xf32> to vector<32x32xf32>
    %slice3A_641 = vector.extract_strided_slice %slice3A_626 {offsets = [0, 128], sizes = [32, 32], strides = [1, 1]} : vector<32x192xf32> to vector<32x32xf32>
    %slice3A_642 = vector.extract_strided_slice %slice3A_626 {offsets = [0, 160], sizes = [32, 32], strides = [1, 1]} : vector<32x192xf32> to vector<32x32xf32>
    %concatenate3A_643 = tpu.concatenate %slice3A_637, %slice3A_638, %slice3A_639, %slice3A_640, %slice3A_641, %slice3A_642 in 0 : vector<32x32xf32>, vector<32x32xf32>, vector<32x32xf32>, vector<32x32xf32>, vector<32x32xf32>, vector<32x32xf32> -> vector<192x32xf32>
    %slice3A_644 = vector.extract_strided_slice %mul3A_629 {offsets = [0, 0], sizes = [32, 32], strides = [1, 1]} : vector<32x192xf32> to vector<32x32xf32>
    %slice3A_645 = vector.extract_strided_slice %mul3A_629 {offsets = [0, 32], sizes = [32, 32], strides = [1, 1]} : vector<32x192xf32> to vector<32x32xf32>
    %slice3A_646 = vector.extract_strided_slice %mul3A_629 {offsets = [0, 64], sizes = [32, 32], strides = [1, 1]} : vector<32x192xf32> to vector<32x32xf32>
    %slice3A_647 = vector.extract_strided_slice %mul3A_629 {offsets = [0, 96], sizes = [32, 32], strides = [1, 1]} : vector<32x192xf32> to vector<32x32xf32>
    %slice3A_648 = vector.extract_strided_slice %mul3A_629 {offsets = [0, 128], sizes = [32, 32], strides = [1, 1]} : vector<32x192xf32> to vector<32x32xf32>
    %slice3A_649 = vector.extract_strided_slice %mul3A_629 {offsets = [0, 160], sizes = [32, 32], strides = [1, 1]} : vector<32x192xf32> to vector<32x32xf32>
    %concatenate3A_650 = tpu.concatenate %slice3A_644, %slice3A_645, %slice3A_646, %slice3A_647, %slice3A_648, %slice3A_649 in 0 : vector<32x32xf32>, vector<32x32xf32>, vector<32x32xf32>, vector<32x32xf32>, vector<32x32xf32>, vector<32x32xf32> -> vector<192x32xf32>
    %dot_general3A_651 = arith.constant dense<0.000000e+00> : vector<192x192xf32>
    %dot_general3A_652 = tpu.matmul %concatenate3A_636, %concatenate3A_643, %dot_general3A_651 {dimension_numbers = #tpu.dot_dimension_numbers<[1], [1], [0], [0], [0, 0, 1, 0], [], []>, transpose_lhs_hint = false} : vector<192x32xf32>, vector<192x32xf32>, vector<192x192xf32> -> vector<192x192xf32>
    %mul3A_653 = arith.constant 0.176776692 : f32
    %mul3A_654 = vector.broadcast %mul3A_653 : f32 to vector<192x192xf32>
    %mul3A_655 = arith.mulf %dot_general3A_652, %mul3A_654 : vector<192x192xf32>
    %add3A_656 = arith.addf %mul3A_655, %select_n3A_58 : vector<192x192xf32>
    %reduce_max3A_657 = arith.constant dense<0xFF800000> : vector<192xf32>
    %reduce_max3A_658 = vector.multi_reduction <maximumf>, %add3A_656, %reduce_max3A_657 [1] : vector<192x192xf32> to vector<192xf32>
    %broadcast_in_dim3A_659 = vector.shape_cast %reduce_max3A_658 : vector<192xf32> to vector<192x1xf32>
    %sub3A_660 = vector.broadcast %broadcast_in_dim3A_659 : vector<192x1xf32> to vector<192x192xf32>
    %sub3A_661 = arith.subf %add3A_656, %sub3A_660 : vector<192x192xf32>
    %exp3A_662 = math.exp %sub3A_661 : vector<192x192xf32>
    %reduce_sum3A_663 = arith.constant dense<0.000000e+00> : vector<192xf32>
    %reduce_sum3A_664 = vector.multi_reduction <add>, %exp3A_662, %reduce_sum3A_663 [1] : vector<192x192xf32> to vector<192xf32>
    %broadcast_in_dim3A_665 = vector.shape_cast %reduce_sum3A_664 : vector<192xf32> to vector<192x1xf32>
    %div3A_666 = vector.broadcast %broadcast_in_dim3A_665 : vector<192x1xf32> to vector<192x192xf32>
    %div3A_667 = arith.divf %exp3A_662, %div3A_666 : vector<192x192xf32>
    %dot_general3A_668 = arith.constant dense<0.000000e+00> : vector<192x32xf32>
    %dot_general3A_669 = tpu.matmul %div3A_667, %concatenate3A_650, %dot_general3A_668 {dimension_numbers = #tpu.dot_dimension_numbers<[1], [0], [0], [1], [0, 0, 1, 1], [], []>, transpose_lhs_hint = false} : vector<192x192xf32>, vector<192x32xf32>, vector<192x32xf32> -> vector<192x32xf32>
    %slice3A_670 = vector.extract_strided_slice %dot_general3A_669 {offsets = [0, 0], sizes = [32, 32], strides = [1, 1]} : vector<192x32xf32> to vector<32x32xf32>
    %mul3A_671 = vector.broadcast %get3A_624 : vector<32x1xf32> to vector<32x32xf32>
    %mul3A_672 = arith.mulf %mul3A_671, %slice3A_670 : vector<32x32xf32>
    %slice3A_673 = vector.extract_strided_slice %dot_general3A_669 {offsets = [32, 0], sizes = [32, 32], strides = [1, 1]} : vector<192x32xf32> to vector<32x32xf32>
    %mul3A_674 = vector.broadcast %get3A_624 : vector<32x1xf32> to vector<32x32xf32>
    %mul3A_675 = arith.mulf %mul3A_674, %slice3A_673 : vector<32x32xf32>
    %slice3A_676 = vector.extract_strided_slice %dot_general3A_669 {offsets = [64, 0], sizes = [32, 32], strides = [1, 1]} : vector<192x32xf32> to vector<32x32xf32>
    %mul3A_677 = vector.broadcast %get3A_624 : vector<32x1xf32> to vector<32x32xf32>
    %mul3A_678 = arith.mulf %mul3A_677, %slice3A_676 : vector<32x32xf32>
    %slice3A_679 = vector.extract_strided_slice %dot_general3A_669 {offsets = [96, 0], sizes = [32, 32], strides = [1, 1]} : vector<192x32xf32> to vector<32x32xf32>
    %mul3A_680 = vector.broadcast %get3A_624 : vector<32x1xf32> to vector<32x32xf32>
    %mul3A_681 = arith.mulf %mul3A_680, %slice3A_679 : vector<32x32xf32>
    %slice3A_682 = vector.extract_strided_slice %dot_general3A_669 {offsets = [128, 0], sizes = [32, 32], strides = [1, 1]} : vector<192x32xf32> to vector<32x32xf32>
    %mul3A_683 = vector.broadcast %get3A_624 : vector<32x1xf32> to vector<32x32xf32>
    %mul3A_684 = arith.mulf %mul3A_683, %slice3A_682 : vector<32x32xf32>
    %slice3A_685 = vector.extract_strided_slice %dot_general3A_669 {offsets = [160, 0], sizes = [32, 32], strides = [1, 1]} : vector<192x32xf32> to vector<32x32xf32>
    %mul3A_686 = vector.broadcast %get3A_624 : vector<32x1xf32> to vector<32x32xf32>
    %mul3A_687 = arith.mulf %mul3A_686, %slice3A_685 : vector<32x32xf32>
    %concatenate3A_688 = tpu.concatenate %mul3A_672, %mul3A_675, %mul3A_678, %mul3A_681, %mul3A_684, %mul3A_687 in 1 : vector<32x32xf32>, vector<32x32xf32>, vector<32x32xf32>, vector<32x32xf32>, vector<32x32xf32>, vector<32x32xf32> -> vector<32x192xf32>
    %convert_element_type3A_689 = arith.truncf %concatenate3A_688 : vector<32x192xf32> to vector<32x192xbf16>
    %swap3A_690 = arith.constant 7 : index
    %swap3A_691 = arith.constant 0 : index
    %swap3A_692 = arith.constant 0 : index
    %swap3A_693 = vector.load %arg3[%swap3A_690, %swap3A_691, %swap3A_692] : memref<8x32x192xbf16, #tpu.memory_space<vmem>>, vector<1x32x192xbf16>
    %swap3A_694 = vector.shape_cast %swap3A_693 : vector<1x32x192xbf16> to vector<32x192xbf16>
    %swap3A_695 = vector.shape_cast %convert_element_type3A_689 : vector<32x192xbf16> to vector<1x32x192xbf16>
    tpu.vector_store %arg3[%swap3A_690, %swap3A_691, %swap3A_692], %swap3A_695 {strides = array<i32>} : memref<8x32x192xbf16, #tpu.memory_space<vmem>>, vector<1x32x192xbf16>,
    return
  }
  func.func @transform_0(%arg0: i32) -> (i32, i32, i32) {
    %c0_i32 = arith.constant 0 : i32
    %c0_i32_0 = arith.constant 0 : i32
    %c0_i32_1 = arith.constant 0 : i32
    return %arg0, %c0_i32, %c0_i32_0 : i32, i32, i32
  }
  func.func @transform_1(%arg0: i32) -> (i32, i32, i32) {
    %c0_i32 = arith.constant 0 : i32
    %c0_i32_0 = arith.constant 0 : i32
    %c0_i32_1 = arith.constant 0 : i32
    return %arg0, %c0_i32, %c0_i32_0 : i32, i32, i32
  }
  func.func @transform_2(%arg0: i32) -> (i32, i32, i32) {
    %c0_i32 = arith.constant 0 : i32
    %c0_i32_0 = arith.constant 0 : i32
    %c0_i32_1 = arith.constant 0 : i32
    return %arg0, %c0_i32, %c0_i32_0 : i32, i32, i32
  }
}

module attributes {stable_mosaic.version = 14 : i64} {
  func.func @_scatter_mm_body(%arg0: i32, %arg1: i32, %arg2: i32, %arg3: memref<1x1x2048xi32, #tpu.memory_space<vmem>>, %arg4: memref<1x2048x192xbf16, #tpu.memory_space<vmem>>, %arg5: memref<1x512x640xf32, #tpu.memory_space<vmem>>, %arg6: memref<1x512x192xf32, #tpu.memory_space<vmem>>) attributes {dimension_semantics = [#tpu.dimension_semantics<arbitrary>, #tpu.dimension_semantics<arbitrary>, #tpu.dimension_semantics<arbitrary>], iteration_bounds = array<i64: 4, 8, 16>, scalar_prefetch = 0 : i64, scratch_operands = 0 : i64, tpu.core_type = #tpu.core_type<tc>, window_params = [{transform_indices = @transform_0, window_bounds = array<i64: 1, 1, 2048>}, {transform_indices = @transform_1, window_bounds = array<i64: 1, 2048, 192>}, {transform_indices = @transform_2, window_bounds = array<i64: 1, 512, 640>}, {transform_indices = @transform_3, window_bounds = array<i64: 1, 512, 192>}]} {
    %iota3A = tpu.iota {dimensions = array<i32: 0>} : vector<512x2048xi32>
    %mul3A = arith.constant 512 : i32
    %mul3A_0 = arith.muli %arg1, %mul3A : i32
    %add3A = vector.broadcast %mul3A_0 : i32 to vector<512x2048xi32>
    %add3A_1 = arith.addi %iota3A, %add3A : vector<512x2048xi32>
    %get3A = arith.constant 0 : index
    %get3A_2 = arith.constant 0 : index
    %get3A_3 = arith.constant 0 : index
    %get3A_4 = vector.load %arg3[%get3A, %get3A_2, %get3A_3] : memref<1x1x2048xi32, #tpu.memory_space<vmem>>, vector<1x1x2048xi32>
    %get3A_5 = vector.shape_cast %get3A_4 : vector<1x1x2048xi32> to vector<1x2048xi32>
    %eq3A = vector.broadcast %get3A_5 : vector<1x2048xi32> to vector<512x2048xi32>
    %eq3A_6 = arith.cmpi eq, %add3A_1, %eq3A : vector<512x2048xi32>
    %convert_element_type3A = arith.extui %eq3A_6 : vector<512x2048xi1> to vector<512x2048xi32>
    %convert_element_type3A_7 = arith.sitofp %convert_element_type3A : vector<512x2048xi32> to vector<512x2048xf32>
    %convert_element_type3A_8 = arith.truncf %convert_element_type3A_7 : vector<512x2048xf32> to vector<512x2048xbf16>
    %get3A_9 = arith.constant 0 : index
    %get3A_10 = arith.constant 0 : index
    %get3A_11 = arith.constant 0 : index
    %get3A_12 = vector.load %arg4[%get3A_9, %get3A_10, %get3A_11] : memref<1x2048x192xbf16, #tpu.memory_space<vmem>>, vector<1x2048x192xbf16>
    %get3A_13 = vector.shape_cast %get3A_12 : vector<1x2048x192xbf16> to vector<2048x192xbf16>
    %dot_general3A = arith.constant dense<0.000000e+00> : vector<512x192xf32>
    %dot_general3A_14 = tpu.matmul %convert_element_type3A_8, %get3A_13, %dot_general3A {dimension_numbers = #tpu.dot_dimension_numbers<[1], [0], [0], [1], [0, 0, 1, 1], [], []>, transpose_lhs_hint = false} : vector<512x2048xbf16>, vector<2048x192xbf16>, vector<512x192xf32> -> vector<512x192xf32>
    %eq3A_15 = arith.constant 0 : i32
    %eq3A_16 = arith.cmpi eq, %arg2, %eq3A_15 : i32
    %convert_element_type3A_17 = arith.extui %eq3A_16 : i1 to i32
    %cond3A = arith.constant 0 : i32
    %cond3A_18 = arith.cmpi ne, %convert_element_type3A_17, %cond3A : i32
    scf.if %cond3A_18 {
      %swap3A = arith.constant 0 : index
      %swap3A_28 = arith.constant 0 : index
      %swap3A_29 = arith.constant 0 : index
      %swap3A_30 = vector.load %arg6[%swap3A, %swap3A_28, %swap3A_29] : memref<1x512x192xf32, #tpu.memory_space<vmem>>, vector<1x512x192xf32>
      %swap3A_31 = vector.shape_cast %swap3A_30 : vector<1x512x192xf32> to vector<512x192xf32>
      %swap3A_32 = vector.shape_cast %dot_general3A_14 : vector<512x192xf32> to vector<1x512x192xf32>
      tpu.vector_store %arg6[%swap3A, %swap3A_28, %swap3A_29], %swap3A_32 {strides = array<i32>} : memref<1x512x192xf32, #tpu.memory_space<vmem>>, vector<1x512x192xf32>,
    } else {
    }
    %gt3A = arith.constant 0 : i32
    %gt3A_19 = arith.cmpi sgt, %arg2, %gt3A : i32
    %convert_element_type3A_20 = arith.extui %gt3A_19 : i1 to i32
    %cond3A_21 = arith.constant 0 : i32
    %cond3A_22 = arith.cmpi ne, %convert_element_type3A_20, %cond3A_21 : i32
    scf.if %cond3A_22 {
      %get3A_28 = arith.constant 0 : index
      %get3A_29 = arith.constant 0 : index
      %get3A_30 = arith.constant 0 : index
      %get3A_31 = vector.load %arg6[%get3A_28, %get3A_29, %get3A_30] : memref<1x512x192xf32, #tpu.memory_space<vmem>>, vector<1x512x192xf32>
      %get3A_32 = vector.shape_cast %get3A_31 : vector<1x512x192xf32> to vector<512x192xf32>
      %add3A_33 = arith.addf %get3A_32, %dot_general3A_14 : vector<512x192xf32>
      %swap3A = arith.constant 0 : index
      %swap3A_34 = arith.constant 0 : index
      %swap3A_35 = arith.constant 0 : index
      %swap3A_36 = vector.load %arg6[%swap3A, %swap3A_34, %swap3A_35] : memref<1x512x192xf32, #tpu.memory_space<vmem>>, vector<1x512x192xf32>
      %swap3A_37 = vector.shape_cast %swap3A_36 : vector<1x512x192xf32> to vector<512x192xf32>
      %swap3A_38 = vector.shape_cast %add3A_33 : vector<512x192xf32> to vector<1x512x192xf32>
      tpu.vector_store %arg6[%swap3A, %swap3A_34, %swap3A_35], %swap3A_38 {strides = array<i32>} : memref<1x512x192xf32, #tpu.memory_space<vmem>>, vector<1x512x192xf32>,
    } else {
    }
    %eq3A_23 = arith.constant 15 : i32
    %eq3A_24 = arith.cmpi eq, %arg2, %eq3A_23 : i32
    %convert_element_type3A_25 = arith.extui %eq3A_24 : i1 to i32
    %cond3A_26 = arith.constant 0 : i32
    %cond3A_27 = arith.cmpi ne, %convert_element_type3A_25, %cond3A_26 : i32
    scf.if %cond3A_27 {
      %get3A_28 = arith.constant 0 : index
      %get3A_29 = arith.constant 0 : index
      %get3A_30 = arith.constant 0 : index
      %get3A_31 = vector.load %arg6[%get3A_28, %get3A_29, %get3A_30] : memref<1x512x192xf32, #tpu.memory_space<vmem>>, vector<1x512x192xf32>
      %get3A_32 = vector.shape_cast %get3A_31 : vector<1x512x192xf32> to vector<512x192xf32>
      %get3A_33 = arith.constant 0 : index
      %get3A_34 = arith.constant 0 : index
      %get3A_35 = arith.constant 0 : index
      %get3A_36 = vector.load %arg5[%get3A_33, %get3A_34, %get3A_35] : memref<1x512x640xf32, #tpu.memory_space<vmem>>, vector<1x512x640xf32>
      %get3A_37 = vector.shape_cast %get3A_36 : vector<1x512x640xf32> to vector<512x640xf32>
      %slice3A = vector.extract_strided_slice %get3A_37 {offsets = [0, 384], sizes = [512, 192], strides = [1, 1]} : vector<512x640xf32> to vector<512x192xf32>
      %add3A_38 = arith.addf %get3A_32, %slice3A : vector<512x192xf32>
      %swap3A = arith.constant 0 : index
      %swap3A_39 = arith.constant 0 : index
      %swap3A_40 = arith.constant 0 : index
      %swap3A_41 = vector.load %arg6[%swap3A, %swap3A_39, %swap3A_40] : memref<1x512x192xf32, #tpu.memory_space<vmem>>, vector<1x512x192xf32>
      %swap3A_42 = vector.shape_cast %swap3A_41 : vector<1x512x192xf32> to vector<512x192xf32>
      %swap3A_43 = vector.shape_cast %add3A_38 : vector<512x192xf32> to vector<1x512x192xf32>
      tpu.vector_store %arg6[%swap3A, %swap3A_39, %swap3A_40], %swap3A_43 {strides = array<i32>} : memref<1x512x192xf32, #tpu.memory_space<vmem>>, vector<1x512x192xf32>,
    } else {
    }
    return
  }
  func.func @transform_0(%arg0: i32, %arg1: i32, %arg2: i32) -> (i32, i32, i32) {
    %mul3A = arith.constant 16 : i32
    %mul3A_0 = arith.muli %arg0, %mul3A : i32
    %add3A = arith.addi %mul3A_0, %arg2 : i32
    %c0_i32 = arith.constant 0 : i32
    %c0_i32_1 = arith.constant 0 : i32
    %c0_i32_2 = arith.constant 0 : i32
    return %add3A, %c0_i32, %c0_i32_1 : i32, i32, i32
  }
  func.func @transform_1(%arg0: i32, %arg1: i32, %arg2: i32) -> (i32, i32, i32) {
    %c0_i32 = arith.constant 0 : i32
    %c0_i32_0 = arith.constant 0 : i32
    return %arg0, %arg2, %c0_i32 : i32, i32, i32
  }
  func.func @transform_2(%arg0: i32, %arg1: i32, %arg2: i32) -> (i32, i32, i32) {
    %c0_i32 = arith.constant 0 : i32
    %c0_i32_0 = arith.constant 0 : i32
    return %arg0, %arg1, %c0_i32 : i32, i32, i32
  }
  func.func @transform_3(%arg0: i32, %arg1: i32, %arg2: i32) -> (i32, i32, i32) {
    %c0_i32 = arith.constant 0 : i32
    %c0_i32_0 = arith.constant 0 : i32
    return %arg0, %arg1, %c0_i32 : i32, i32, i32
  }
}

</mosaic_0001>

<sc_bundles>
// kernel: kernel.7.cloned.1.call-start
scs
__scs_entry_jumppad:
0x0: {  	(pc) =	sbr.rel $0x88, $3  }
0x1: {  	(tag) =	ssettag $0x0;
	lr =	simm.s32 $0x1  }
0x2: {  	[smem:$0x3F9A] =	sst lr;
	_ =	strace $0xD0000000  }
0x3: {  	_ = 	snop  }
0x4: {  	_ = 	snop  }
0x5: {  	_ = 	snop  }
0x6: {  	_ = 	snop  }
0x7: {  	_ = 	snop  }
__scs_overlays_trampoline_lowered:
0x8: {  	[smem:$0x3FA9] =	sst s0  }
0x9: {  	[smem:$0x3FAA] =	sst s1  }
0xa: {  	[smem:$0x3FAB] =	sst s2  }
0xb: {  	[smem:$0x3FAC] =	sst s3  }
0xc: {  	[smem:$0x3FAD] =	sst s4  }
0xd: {  	[smem:$0x3FAE] =	sst s5  }
0xe: {  	[smem:$0x3FAF] =	sst s6  }
0xf: {  	[smem:$0x3FB0] =	sst s7  }
0x10: {  	[smem:$0x3FB1] =	sst s8  }
0x11: {  	[smem:$0x3FB2] =	sst s9;
	s0 =	simm.s32 @!p0 $0x0  }
0x12: {  	s1 =	sld [smem:$0x3F98];
	s0 =	simm.s32 @p0 $0x1  }
0x13: {  	[smem:$0x3FB3] =	sst s0;
	s0 =	simm.s32 @!p1 $0x0  }
0x14: {  	s2 =	sld [smem:$0x3F97];
	s0 =	simm.s32 @p1 $0x1  }
0x15: {  	[smem:$0x3FB4] =	sst s0;
	s0 =	simm.s32 @!p2 $0x0  }
0x16: {  	s3 =	sld [smem:$0x3FDB];
	s0 =	simm.s32 @p2 $0x1  }
0x17: {  	s4 =	simm.s32 $0x1BF5;
	[smem:$0x3FB6] =	sst s0  }
0x18: {  	s0 =	sld [smem:$0x3F99];
	_ =	swait.ge [sflag:s4], $0x0  }
0x19: {  	s7 =	sld [smem:$0x3F9A]  }
0x1a: {  	s8 =	sadd.s32 $0xFFFFE003, lr  }
0x1b: {  	s9 =	sadd.s32 $0xFFFFFEF7, lr;
	s5 =	simm.s32 $0xFFFFFFFF;
	p2 =	slt.u32 s8, $0xFFFFF086  }
0x1c: {  	p1 =	slt.u32 s9, $0xF7A;
	s5 =	simm.s32 @!p2 $0x0  }
0x1d: {  	s5 =	simm.s32 @p1 $0x1;
	p0 =	seq.s32 s7, s2  }
0x1e: {  	s7 =	smul.u32 @!p0 $0xF7A, s2;
	p2 =	seq.s32 @!p0 s5, $0x0  }
0x1f: {  	s9 =	smul.u32 $0xF7A, s1;
	s8 =	simm.s32 @!p0 $0x1BF5;
	p2 =	por !p2, p0  }
0x20: {  	[sflag:s8] =	ssyncset.s32 @!p0 $0xFFFFF086;
	s6 =	sadd.s32 @!p0 s3, s7;
	s7 =	simm.s32 @!p0 $0x108  }
0x21: {  	s3 =	sadd.s32 s3, s9;
	s6 =	sadd.s32 @!p0 $0x88, s6;
	s7 =	simm.s32 @p2 $0x1082  }
0x22: {  	[simem:s7], [sflag:s8] =	dma.local @!p0 [hbm:s6], $0xF7A  }
0x23: {  	s9 =	sor.u32 $0xD0000000, s2;
	s6 =	simm.s32 $0x108;
	_ =	swait.ge @!p0 [sflag:s8], $0x0  }
0x24: {  	s3 =	sadd.s32 $0x88, s3;
	s6 =	simm.s32 @!p1 $0x1082;
	[sflag:s4] =	ssyncset.s32 $0xFFFFF086  }
0x25: {  	[simem:s6], [sflag:s4] =	dma.local [hbm:s3], $0xF7A  }
0x26: {  	[smem:$0x3F9A] =	sst s1;
	(tag) =	ssettag s2;
	_ =	strace s9  }
0x27: {  	s1 =	sld [smem:$0x3FAA]  }
0x28: {  	s2 =	sld [smem:$0x3FAB]  }
0x29: {  	s4 =	sld [smem:$0x3FAD]  }
0x2a: {  	p0 =	seq.s32 s5, $0x0;
	s5 =	sld [smem:$0x3FAE]  }
0x2b: {  	s6 =	sld [smem:$0x3FAF]  }
0x2c: {  	s7 =	sld [smem:$0x3FB0]  }
0x2d: {  	s3 =	simm.s32 $0x108;
	s8 =	sld [smem:$0x3FB1]  }
0x2e: {  	s3 =	simm.s32 @!p0 $0x1082;
	s9 =	sld [smem:$0x3FB2]  }
0x2f: {  	lr =	sadd.s32 s0, s3;
	s0 =	sld [smem:$0x3FA9]  }
0x30: {  	s3 =	sld [smem:$0x3FAC]  }
0x31: {  	[smem:$0x3FB5] =	sst s10  }
0x32: {  	s10 =	sld [smem:$0x3FB3];
	_ =	sdelay $0x3  }
0x33: {  	p0 =	seq.s32 s10, $0x1;
	s10 =	sld [smem:$0x3FB5];
	_ =	sdelay $0x3  }
0x34: {  	[smem:$0x3FB5] =	sst s10  }
0x35: {  	s10 =	sld [smem:$0x3FB4];
	_ =	sdelay $0x3  }
0x36: {  	p1 =	seq.s32 s10, $0x1;
	s10 =	sld [smem:$0x3FB5];
	_ =	sdelay $0x3  }
0x37: {  	[smem:$0x3FB5] =	sst s10  }
0x38: {  	s10 =	sld [smem:$0x3FB6]  }
0x39: {  	_ = 	snop;
	(pc) =	sbr.ind lr, $3  }
0x3a: {  	_ = 	snop  }
0x3b: {  	_ = 	snop  }
0x3c: {  	p2 =	seq.s32 s10, $0x1;
	s10 =	sld [smem:$0x3FB5]  }
0x3d: {  	_ =	shalt  }
0x3e: {  	_ =	shalt  }
0x3f: {  	_ =	shalt  }
0x40: {  	_ =	shalt  }
0x41: {  	_ =	shalt  }
0x42: {  	_ =	shalt  }
0x43: {  	_ =	shalt  }
0x44: {  	_ =	shalt  }
0x45: {  	_ =	shalt  }
0x46: {  	_ =	shalt  }
0x47: {  	_ =	shalt  }
0x48: {  	_ =	shalt  }
0x49: {  	_ =	shalt  }
0x4a: {  	_ =	shalt  }
0x4b: {  	_ =	shalt  }
0x4c: {  	_ =	shalt  }
0x4d: {  	_ =	shalt  }
0x4e: {  	_ =	shalt  }
0x4f: {  	_ =	shalt  }
0x50: {  	_ =	shalt  }
0x51: {  	_ =	shalt  }
0x52: {  	_ =	shalt  }
0x53: {  	_ =	shalt  }
0x54: {  	_ =	shalt  }
0x55: {  	_ =	shalt  }
0x56: {  	_ =	shalt  }
0x57: {  	_ =	shalt  }
0x58: {  	_ =	shalt  }
0x59: {  	_ =	shalt  }
0x5a: {  	_ =	shalt  }
0x5b: {  	_ =	shalt  }
0x5c: {  	_ =	shalt  }
0x5d: {  	_ =	shalt  }
0x5e: {  	_ =	shalt  }
0x5f: {  	_ =	shalt  }
0x60: {  	_ =	shalt  }
0x61: {  	_ =	shalt  }
0x62: {  	_ =	shalt  }
0x63: {  	_ =	shalt  }
0x64: {  	_ =	shalt  }
0x65: {  	_ =	shalt  }
0x66: {  	_ =	shalt  }
0x67: {  	_ =	shalt  }
0x68: {  	_ =	shalt  }
0x69: {  	_ =	shalt  }
0x6a: {  	_ =	shalt  }
0x6b: {  	_ =	shalt  }
0x6c: {  	_ =	shalt  }
0x6d: {  	_ =	shalt  }
0x6e: {  	_ =	shalt  }
0x6f: {  	_ =	shalt  }
0x70: {  	_ =	shalt  }
0x71: {  	_ =	shalt  }
0x72: {  	_ =	shalt  }
0x73: {  	_ =	shalt  }
0x74: {  	_ =	shalt  }
0x75: {  	_ =	shalt  }
0x76: {  	_ =	shalt  }
0x77: {  	_ =	shalt  }
0x78: {  	_ =	shalt  }
0x79: {  	_ =	shalt  }
0x7a: {  	_ =	shalt  }
0x7b: {  	_ =	shalt  }
0x7c: {  	_ =	shalt  }
0x7d: {  	_ =	shalt  }
0x7e: {  	_ =	shalt  }
0x7f: {  	_ =	shalt  }
0x80: {  	_ =	shalt  }
0x81: {  	_ =	shalt  }
0x82: {  	_ =	shalt  }
0x83: {  	_ =	shalt  }
0x84: {  	_ =	shalt  }
0x85: {  	_ =	shalt  }
0x86: {  	_ =	shalt  }
0x87: {  	_ =	shalt  }
.Lfunc_end0:
.L_simem_size_0:
called_computation_lowered:
.L_overlay_start_0:
0x88: {  	s2 =	sld [smem:$0x3FD9]  }
0x89: {  	s3 =	sld [smem:$0x3FFE];
	_ =	sdelay $0x1  }
0x8a: {  	s1 =	srdreg.scid  }
0x8b: {  	s0 =	sand.u32 $0x1, s1  }
0x8c: {  	s16 =	sshll.u32 s0, $0xA;
	s2 =	sadd.s32 s3, s2  }
0x8d: {  	s2 =	sadd.s32 s2, s16  }
0x8e: {  	[smem:$0x3FC1] =	sst s2  }
0x8f: {  	_ = 	snop  }
0x90: {  	(tm) =	ssettm $0x1  }
0x91: {  	s17 =	sld [smem:$0x3FFB];
	_ =	sdelay $0x3  }
0x92: {  	_ =	strace s17  }
0x93: {  	s2 =	sld [smem:$0x3FFC];
	_ =	sdelay $0x3  }
0x94: {  	_ =	strace s2  }
0x95: {  	s2 =	sld [smem:$0x3FFD];
	_ =	sdelay $0x3  }
0x96: {  	_ =	strace s2  }
0x97: {  	_ =	strace $0x8FFFFFFF  }
0x98: {  	s18 =	sld [smem:$0x3FDB];
	_ =	sdelay $0x1  }
0x99: {  	s19 =	simm.s32 $_scs_section_size  }
0x9a: {  	s4 =	simm.s32 $_size__tile_overlayer_lowered;
	s5 =	simm.s32 $_tile_overlayer_lowered  }
0x9b: {  	s22 =	simm.s32 $0x1BFF;
	s21 =	sshll.u32 s5, $0x1;
	s2 =	sadd.s32 s19, s18  }
0x9c: {  	s6 =	simm.s32 $0x0;
	s20 =	sshll.u32 s4, $0x1;
	s4 =	sadd.s32 s21, s2  }
0x9d: {  	[timem:s6], [sflag:s22] =	dma.local [hbm:s4], s20  }
0x9e: {  	_ =	swait.ge [sflag:s22], s20  }
0x9f: {  	s3 =	ssub.s32 $0x0, s20;
	[sflag:s22] =	ssyncset.done $0x0  }
0xa0: {  	[sflag:s22] =	ssyncadd.s32 s3;
	_ =	sdelay $0x1  }
0xa1: {  	s23 =	simm.s32 $0x1B8B  }
0xa2: {  	_ =	swait.ge [sflag:s23], $0x1  }
0xa3: {  	[sflag:s23] =	ssyncset.done $0x0  }
0xa4: {  	s25 =	simm.s32 $0x1B8E;
	s24 =	sld [smem:$0x3FFE];
	[sflag:s23] =	ssyncadd.s32 $0xFFFFFFFF  }
0xa5: {  	s26 =	simm.s32 $execute0_lowered;
	[smem:$0x3FD2] =	sst s25  }
0xa6: {  	s4 =	sshll.u32 s26, $0x1;
	_ =	strace $0x80000046;
	[dreg:$0x1] =	wrdreg $0xFFFFFFFF  }
0xa7: {  	s28 =	simm.s32 $_size_execute0_lowered;
	s2 =	sadd.s32 s2, s4;
	[dreg:$0x0] =	wrdreg $0x0  }
0xa8: {  	s4 =	sshll.u32 s28, $0x1;
	[dreg:$0x2] =	wrdreg s2  }
0xa9: {  	[dreg:$0x3] =	wrdreg s4  }
0xaa: {  	[dreg:$0x4] =	wrdreg $0xC0  }
0xab: {  	_ =	task [dreg:s6], $0x5FFFF  }
0xac: {  	[dreg:$0x1] =	wrdreg $0xFFFFFFFF  }
0xad: {  	[dreg:$0x0] =	wrdreg $0x60  }
0xae: {  	[dreg:$0x2] =	wrdreg s24  }
0xaf: {  	[dreg:$0x3] =	wrdreg $0x9  }
0xb0: {  	_ =	task.clear_ibuf [dreg:s6], $0x4FFFF;
	_ =	strace $0x90000046  }
0xb1: {  	s29 =	simm.s32 $0x9;
	_ =	strace $0x80000048  }
0xb2: {  	_ =	swait.ge [sflag:s29], $0x1  }
0xb3: {  	[sflag:s29] =	ssyncadd.s32 $0xFFFFFFFF  }
0xb4: {  	_ =	strace $0x90000048  }
0xb5: {  	_ =	sfence  }
0xb6: {  	s30 =	sld [smem:$0x0];
	_ =	sdelay $0x2  }
0xb7: {  	s31 =	sshll.u32 s1, $0xD;
	s1 =	sshrl.u32 s1, $0x2  }
0xb8: {  	s3 =	sand.u32 $0x4000, s31;
	s1 =	sadd.s32 s1, s30  }
0xb9: {  	s0 =	sor.u32 s3, s0;
	s1 =	sshll.u32 s1, $0x11  }
0xba: {  	s0 =	sor.u32 s1, s0  }
0xbb: {  	s0 =	sadd.s32 $0x8F2B, s0  }
0xbc: {  	[sflag:s0] =	ssyncadd.remote.s32 $0x1  }
0xbd: {  	_ =	sfence.sel $0xFFFF  }
0xbe: {  	[dreg:$0x0] =	wrdreg $0xFFFFFFFF;
	(pc) =	sbr.abs _section_cstart, $3  }
0xbf: {  	[dreg:$0x1] =	wrdreg $0xFFFFFFFF  }
0xc0: {  	_ =	task.clear_ibuf [dreg:s6], $0x2FFFF;
	_ =	strace $0x9FFFFFFF  }
0xc1: {  	(tm) =	ssettm $0x7FFFFFFF  }
tec
execute0_lowered:
.L_overlay_start_1:
0x0: {  	(tag) =	ssettag $0x1  }
0x1: {  	s0 =	rddreg [dreg:$0x0];
	s2 =	simm.s32 $0x0  }
0x2: {  	s19 =	simm.s32 $0x880;
	[smem:$0x7FF] =	sst s2  }
0x3: {  	s20 =	simm.s32 $0x1080;
	_ =	strace $0x80000047;
	[dreg:$0x3] =	wrdreg s19  }
0x4: {  	s21 =	simm.s32 $0x1480;
	[dreg:$0x4] =	wrdreg s20  }
0x5: {  	s22 =	simm.s32 $0x1C80;
	[dreg:$0x5] =	wrdreg s21  }
0x6: {  	s23 =	simm.s32 $0x2480;
	[dreg:$0x6] =	wrdreg s22  }
0x7: {  	s24 =	simm.s32 $0x2880;
	[dreg:$0x7] =	wrdreg s23  }
0x8: {  	s25 =	simm.s32 $0x3080;
	[dreg:$0x8] =	wrdreg s24  }
0x9: {  	s26 =	simm.s32 $0x3880;
	[dreg:$0x9] =	wrdreg s25  }
0xa: {  	s5 =	stileid.u32;
	s6 =	simm.s32 $0x4480;
	[dreg:$0xa] =	wrdreg s26  }
0xb: {  	s1 =	srdreg.scid;
	s7 =	simm.s32 $0x4C80;
	[dreg:$0xc] =	wrdreg s6  }
0xc: {  	s8 =	simm.s32 $0x5080;
	s9 =	simm.s32 $0x5880;
	[dreg:$0xd] =	wrdreg s7  }
0xd: {  	s10 =	simm.s32 $0x6080;
	s11 =	simm.s32 $0x6480;
	[dreg:$0xe] =	wrdreg s8  }
0xe: {  	s12 =	simm.s32 $0x6C80;
	s14 =	simm.s32 $0x7480;
	[dreg:$0xf] =	wrdreg s9  }
0xf: {  	s15 =	simm.s32 $0x7880;
	s16 =	simm.s32 $0x8080;
	[dreg:$0x10] =	wrdreg s10  }
0x10: {  	s18 =	simm.s32 $0x8880;
	s28 =	simm.s32 $0x13480;
	[dreg:$0x11] =	wrdreg s11  }
0x11: {  	s29 =	simm.s32 $0x13C80;
	s30 =	simm.s32 $0x1;
	[dreg:$0x12] =	wrdreg s12  }
0x12: {  	s31 =	simm.s32 $0x0;
	s3 =	sshll.u32 s5, $0xA;
	[dreg:$0x13] =	wrdreg s14  }
0x13: {  	s1 =	sand.u32 $0x1, s1;
	s13 =	smul.u32 $0xA0000, s5;
	[dreg:$0x14] =	wrdreg s15  }
0x14: {  	s5 =	sadd.s32 $0x15E00, s0;
	s3 =	sadd.s32 s3, s0;
	[dreg:$0x15] =	wrdreg s16  }
0x15: {  	s4 =	sshll.u32 s1, $0x9;
	s17 =	ssub.s32 $0x2, s1;
	[dreg:$0x16] =	wrdreg s18  }
0x16: {  	s19 =	simm.s32 $0x8C80;
	s20 =	simm.s32 $0x9480;
	s8 =	simm.s32 $0x9C80  }
0x17: {  	s21 =	simm.s32 $0xA080;
	s1 =	smul.u32 $0x50000, s1;
	s22 =	simm.s32 $0xA880  }
0x18: {  	s23 =	simm.s32 $0xB080;
	s24 =	simm.s32 $0xB480;
	[dreg:$0x17] =	wrdreg s19  }
0x19: {  	s26 =	simm.s32 $0xBC80;
	s9 =	simm.s32 $0x80;
	[dreg:$0x18] =	wrdreg s20  }
0x1a: {  	s10 =	simm.s32 $0xC480;
	s11 =	simm.s32 $0xC880;
	[dreg:$0x19] =	wrdreg s8  }
0x1b: {  	s12 =	simm.s32 $0xD080;
	s14 =	simm.s32 $0xDC80;
	[dreg:$0x1a] =	wrdreg s21  }
0x1c: {  	s15 =	simm.s32 $0xE480;
	s16 =	simm.s32 $0xEC80;
	[dreg:$0x1b] =	wrdreg s22  }
0x1d: {  	s18 =	simm.s32 $0xF880;
	s3 =	sadd.s32 s4, s3;
	[dreg:$0x1c] =	wrdreg s23  }
0x1e: {  	s4 =	simm.s32 $0x3C80;
	s7 =	sadd.s32 s13, s0;
	[dreg:$0x1d] =	wrdreg s24  }
0x1f: {  	s6 =	sshrl.u32 s17, $0x1;
	s8 =	simm.s32 $0x2;
	[dreg:$0x1e] =	wrdreg s26  }
0x20: {  	s13 =	simm.s32 $0xD880;
	s19 =	simm.s32 $0x10080;
	s20 =	simm.s32 $0x10480  }
0x21: {  	s21 =	simm.s32 $0x10C80;
	s22 =	simm.s32 $0x11480;
	s23 =	simm.s32 $0x11880  }
0x22: {  	s24 =	simm.s32 $0x12080;
	s26 =	simm.s32 $0x12C80;
	s3 =	sadd.s32 $0x11C00, s3  }
0x23: {  	[dreg:$0xb] =	wrdreg s4;
	s6 =	ssub.s32 s17, s6;
	s4 =	sadd.s32 $0x15D00, s0  }
0x24: {  	v2 =	vlaneseq.u32;
	s1 =	sadd.s32 s1, s7;
	[dreg:$0x2] =	wrdreg s3;
	s6 =	smax.u32 s6, $0x1  }
0x25: {  	vm0 =	vmmov $0xffff;
	vm1 =	vmmov $0xff;
	v1 =	vshrl.u32 v2, $0x3;
	s17 =	simm.s32 $0xF080;
	s25 =	sadd.s32 $0x155C00, s1;
	[dreg:$0x1f] =	wrdreg s6  }
0x26: {  	v0 =	vand.u32 $0x7, v2;
	v2 =	vor.u32 $0x8, v2;
	v1 =	vmul.u32 $0x8, v1;
	s3 =	sadd.s32 $0x15C00, s0;
	[smem:$0x7FD] =	sst s25;
	s25 =	simm.s32 $0x12880  }
.LBB2_1:
0x27: {  	s7 =	sld [smem:$0x7FD];
	s1 =	simm.s32 $0x0  }
.LBB2_2:
0x28: {  	s6 =	rddreg [dreg:$0x2]  }
0x29: {  	s6 =	sadd.s32 s1, s6  }
0x2a: {  	[tilespmem:s2], [sflag:$0x2] =	stream.linear.gather [hbm4b:s6+s2], $0x80, $0x38;
	[tilespmem:$0x14080] =	vst v63  }
0x2b: {  	_ =	swait.ge [sflag:s8], $0x80  }
0x2c: {  	[sflag:s8] =	ssyncset.done $0x0  }
0x2d: {  	[sflag:s8] =	ssyncadd.s32 $0xFFFFFF80  }
0x2e: {  	v3 =	vld [tilespmem:$0x0];
	_ =	sdelay $0x4  }
0x2f: {  	v4 =	vshrl.u32 v3, $0x3  }
0x30: {  	v4 =	vmul.u32 $0x28, v4  }
0x31: {  	v3 =	vand.u32 $0x7, v3  }
0x32: {  	v3 =	vor.u32 v3, v4  }
0x33: {  	v4 =	vperm.xlane v3, v0;
	_ =	sdelay $0x1  }
0x34: {  	v4 =	vadd.s32 v1, v4;
	_ =	sdelay $0x3  }
0x35: {  	v3 =	vperm.xlane v3, v2  }
0x36: {  	[tilespmem:s9], [sflag:$0x1] =	stream.indirect_vreg.gather [hbm4b:s3+s2], $0x80, v4, vm0, $0xb8;
	[tilespmem:$0x14080] =	vst v63  }
0x37: {  	s6 =	rddreg [dreg:$0x3];
	v3 =	vadd.s32 v1, v3  }
0x38: {  	[tilespmem:s6], [sflag:$0x1] =	stream.indirect_vreg.gather [hbm4b:s4+s2], $0x80, v4, vm0, $0xb8;
	[tilespmem:$0x14080] =	vst v63  }
0x39: {  	s0 =	rddreg [dreg:$0x4]  }
0x3a: {  	[tilespmem:s0], [sflag:$0x1] =	stream.indirect_vreg.gather [hbm4b:s5+s2], $0x80, v4, vm1, $0xb8;
	[tilespmem:$0x14080] =	vst v63  }
0x3b: {  	s6 =	rddreg [dreg:$0x5]  }
0x3c: {  	[tilespmem:s6], [sflag:$0x1] =	stream.indirect_vreg.gather [hbm4b:s3+s2], $0x80, v3, vm0, $0xb8;
	[tilespmem:$0x14080] =	vst v63  }
0x3d: {  	s0 =	rddreg [dreg:$0x6]  }
0x3e: {  	[tilespmem:s0], [sflag:$0x1] =	stream.indirect_vreg.gather [hbm4b:s4+s2], $0x80, v3, vm0, $0xb8;
	[tilespmem:$0x14080] =	vst v63  }
0x3f: {  	s6 =	rddreg [dreg:$0x7]  }
0x40: {  	[tilespmem:s6], [sflag:$0x1] =	stream.indirect_vreg.gather [hbm4b:s5+s2], $0x80, v3, vm1, $0xb8;
	[tilespmem:$0x14080] =	vst v63  }
0x41: {  	v3 =	vld [tilespmem:$0x10];
	_ =	sdelay $0x4  }
0x42: {  	v57 =	vshrl.u32 v3, $0x3  }
0x43: {  	v4 =	vmul.u32 $0x28, v57  }
0x44: {  	v3 =	vand.u32 $0x7, v3  }
0x45: {  	v3 =	vor.u32 v3, v4  }
0x46: {  	v4 =	vperm.xlane v3, v0;
	_ =	sdelay $0x1  }
0x47: {  	v4 =	vadd.s32 v1, v4;
	_ =	sdelay $0x3  }
0x48: {  	s0 =	rddreg [dreg:$0x8];
	v3 =	vperm.xlane v3, v2  }
0x49: {  	[tilespmem:s0], [sflag:$0x1] =	stream.indirect_vreg.gather [hbm4b:s3+s2], $0x80, v4, vm0, $0xb8;
	[tilespmem:$0x14080] =	vst v63  }
0x4a: {  	s6 =	rddreg [dreg:$0x9];
	v3 =	vadd.s32 v1, v3  }
0x4b: {  	[tilespmem:s6], [sflag:$0x1] =	stream.indirect_vreg.gather [hbm4b:s4+s2], $0x80, v4, vm0, $0xb8;
	[tilespmem:$0x14080] =	vst v63  }
0x4c: {  	s0 =	rddreg [dreg:$0xa]  }
0x4d: {  	[tilespmem:s0], [sflag:$0x1] =	stream.indirect_vreg.gather [hbm4b:s5+s2], $0x80, v4, vm1, $0xb8;
	[tilespmem:$0x14080] =	vst v63  }
0x4e: {  	s6 =	rddreg [dreg:$0xb]  }
0x4f: {  	[tilespmem:s6], [sflag:$0x1] =	stream.indirect_vreg.gather [hbm4b:s3+s2], $0x80, v3, vm0, $0xb8;
	[tilespmem:$0x14080] =	vst v63  }
0x50: {  	s0 =	rddreg [dreg:$0xc]  }
0x51: {  	[tilespmem:s0], [sflag:$0x1] =	stream.indirect_vreg.gather [hbm4b:s4+s2], $0x80, v3, vm0, $0xb8;
	[tilespmem:$0x14080] =	vst v63  }
0x52: {  	s6 =	rddreg [dreg:$0xd]  }
0x53: {  	[tilespmem:s6], [sflag:$0x1] =	stream.indirect_vreg.gather [hbm4b:s5+s2], $0x80, v3, vm1, $0xb8;
	[tilespmem:$0x14080] =	vst v63  }
0x54: {  	v3 =	vld [tilespmem:$0x20];
	_ =	sdelay $0x4  }
0x55: {  	v58 =	vshrl.u32 v3, $0x3  }
0x56: {  	v4 =	vmul.u32 $0x28, v58  }
0x57: {  	v3 =	vand.u32 $0x7, v3  }
0x58: {  	v3 =	vor.u32 v3, v4  }
0x59: {  	v4 =	vperm.xlane v3, v0;
	_ =	sdelay $0x1  }
0x5a: {  	v4 =	vadd.s32 v1, v4;
	_ =	sdelay $0x3  }
0x5b: {  	s0 =	rddreg [dreg:$0xe];
	v3 =	vperm.xlane v3, v2  }
0x5c: {  	[tilespmem:s0], [sflag:$0x1] =	stream.indirect_vreg.gather [hbm4b:s3+s2], $0x80, v4, vm0, $0xb8;
	[tilespmem:$0x14080] =	vst v63  }
0x5d: {  	s6 =	rddreg [dreg:$0xf];
	v3 =	vadd.s32 v1, v3  }
0x5e: {  	[tilespmem:s6], [sflag:$0x1] =	stream.indirect_vreg.gather [hbm4b:s4+s2], $0x80, v4, vm0, $0xb8;
	[tilespmem:$0x14080] =	vst v63  }
0x5f: {  	s0 =	rddreg [dreg:$0x10]  }
0x60: {  	[tilespmem:s0], [sflag:$0x1] =	stream.indirect_vreg.gather [hbm4b:s5+s2], $0x80, v4, vm1, $0xb8;
	[tilespmem:$0x14080] =	vst v63  }
0x61: {  	s6 =	rddreg [dreg:$0x11]  }
0x62: {  	[tilespmem:s6], [sflag:$0x1] =	stream.indirect_vreg.gather [hbm4b:s3+s2], $0x80, v3, vm0, $0xb8;
	[tilespmem:$0x14080] =	vst v63  }
0x63: {  	s0 =	rddreg [dreg:$0x12]  }
0x64: {  	[tilespmem:s0], [sflag:$0x1] =	stream.indirect_vreg.gather [hbm4b:s4+s2], $0x80, v3, vm0, $0xb8;
	[tilespmem:$0x14080] =	vst v63  }
0x65: {  	s6 =	rddreg [dreg:$0x13]  }
0x66: {  	[tilespmem:s6], [sflag:$0x1] =	stream.indirect_vreg.gather [hbm4b:s5+s2], $0x80, v3, vm1, $0xb8;
	[tilespmem:$0x14080] =	vst v63  }
0x67: {  	v3 =	vld [tilespmem:$0x30];
	_ =	sdelay $0x4  }
0x68: {  	v59 =	vshrl.u32 v3, $0x3  }
0x69: {  	v4 =	vmul.u32 $0x28, v59  }
0x6a: {  	v3 =	vand.u32 $0x7, v3  }
0x6b: {  	v3 =	vor.u32 v3, v4  }
0x6c: {  	v4 =	vperm.xlane v3, v0;
	_ =	sdelay $0x1  }
0x6d: {  	v4 =	vadd.s32 v1, v4;
	_ =	sdelay $0x3  }
0x6e: {  	s0 =	rddreg [dreg:$0x14];
	v3 =	vperm.xlane v3, v2  }
0x6f: {  	[tilespmem:s0], [sflag:$0x1] =	stream.indirect_vreg.gather [hbm4b:s3+s2], $0x80, v4, vm0, $0xb8;
	[tilespmem:$0x14080] =	vst v63  }
0x70: {  	s6 =	rddreg [dreg:$0x15];
	v3 =	vadd.s32 v1, v3  }
0x71: {  	[tilespmem:s6], [sflag:$0x1] =	stream.indirect_vreg.gather [hbm4b:s4+s2], $0x80, v4, vm0, $0xb8;
	[tilespmem:$0x14080] =	vst v63  }
0x72: {  	s0 =	rddreg [dreg:$0x16]  }
0x73: {  	[tilespmem:s0], [sflag:$0x1] =	stream.indirect_vreg.gather [hbm4b:s5+s2], $0x80, v4, vm1, $0xb8;
	[tilespmem:$0x14080] =	vst v63  }
0x74: {  	s6 =	rddreg [dreg:$0x17]  }
0x75: {  	[tilespmem:s6], [sflag:$0x1] =	stream.indirect_vreg.gather [hbm4b:s3+s2], $0x80, v3, vm0, $0xb8;
	[tilespmem:$0x14080] =	vst v63  }
0x76: {  	s0 =	rddreg [dreg:$0x18]  }
0x77: {  	[tilespmem:s0], [sflag:$0x1] =	stream.indirect_vreg.gather [hbm4b:s4+s2], $0x80, v3, vm0, $0xb8;
	[tilespmem:$0x14080] =	vst v63  }
0x78: {  	s6 =	rddreg [dreg:$0x19]  }
0x79: {  	[tilespmem:s6], [sflag:$0x1] =	stream.indirect_vreg.gather [hbm4b:s5+s2], $0x80, v3, vm1, $0xb8;
	[tilespmem:$0x14080] =	vst v63  }
0x7a: {  	v3 =	vld [tilespmem:$0x40];
	_ =	sdelay $0x4  }
0x7b: {  	v60 =	vshrl.u32 v3, $0x3  }
0x7c: {  	v4 =	vmul.u32 $0x28, v60  }
0x7d: {  	v3 =	vand.u32 $0x7, v3  }
0x7e: {  	v3 =	vor.u32 v3, v4  }
0x7f: {  	v4 =	vperm.xlane v3, v0;
	_ =	sdelay $0x1  }
0x80: {  	v4 =	vadd.s32 v1, v4;
	_ =	sdelay $0x3  }
0x81: {  	s0 =	rddreg [dreg:$0x1a];
	v3 =	vperm.xlane v3, v2  }
0x82: {  	[tilespmem:s0], [sflag:$0x1] =	stream.indirect_vreg.gather [hbm4b:s3+s2], $0x80, v4, vm0, $0xb8;
	[tilespmem:$0x14080] =	vst v63  }
0x83: {  	s6 =	rddreg [dreg:$0x1b];
	v3 =	vadd.s32 v1, v3  }
0x84: {  	[tilespmem:s6], [sflag:$0x1] =	stream.indirect_vreg.gather [hbm4b:s4+s2], $0x80, v4, vm0, $0xb8;
	[tilespmem:$0x14080] =	vst v63  }
0x85: {  	s0 =	rddreg [dreg:$0x1c]  }
0x86: {  	[tilespmem:s0], [sflag:$0x1] =	stream.indirect_vreg.gather [hbm4b:s5+s2], $0x80, v4, vm1, $0xb8;
	[tilespmem:$0x14080] =	vst v63  }
0x87: {  	s6 =	rddreg [dreg:$0x1d]  }
0x88: {  	[tilespmem:s6], [sflag:$0x1] =	stream.indirect_vreg.gather [hbm4b:s3+s2], $0x80, v3, vm0, $0xb8;
	[tilespmem:$0x14080] =	vst v63  }
0x89: {  	s0 =	rddreg [dreg:$0x1e]  }
0x8a: {  	[tilespmem:s0], [sflag:$0x1] =	stream.indirect_vreg.gather [hbm4b:s4+s2], $0x80, v3, vm0, $0xb8;
	[tilespmem:$0x14080] =	vst v63  }
0x8b: {  	_ = 	snop  }
0x8c: {  	[tilespmem:s10], [sflag:$0x1] =	stream.indirect_vreg.gather [hbm4b:s5+s2], $0x80, v3, vm1, $0xb8;
	[tilespmem:$0x14080] =	vst v63  }
0x8d: {  	v3 =	vld [tilespmem:$0x50];
	_ =	sdelay $0x4  }
0x8e: {  	v61 =	vshrl.u32 v3, $0x3  }
0x8f: {  	v4 =	vmul.u32 $0x28, v61  }
0x90: {  	v3 =	vand.u32 $0x7, v3  }
0x91: {  	v3 =	vor.u32 v3, v4  }
0x92: {  	v4 =	vperm.xlane v3, v0;
	_ =	sdelay $0x1  }
0x93: {  	v4 =	vadd.s32 v1, v4;
	_ =	sdelay $0x3  }
0x94: {  	v3 =	vperm.xlane v3, v2  }
0x95: {  	[tilespmem:s11], [sflag:$0x1] =	stream.indirect_vreg.gather [hbm4b:s3+s2], $0x80, v4, vm0, $0xb8;
	[tilespmem:$0x14080] =	vst v63  }
0x96: {  	v3 =	vadd.s32 v1, v3  }
0x97: {  	[tilespmem:s12], [sflag:$0x1] =	stream.indirect_vreg.gather [hbm4b:s4+s2], $0x80, v4, vm0, $0xb8;
	[tilespmem:$0x14080] =	vst v63  }
0x98: {  	_ = 	snop  }
0x99: {  	[tilespmem:s13], [sflag:$0x1] =	stream.indirect_vreg.gather [hbm4b:s5+s2], $0x80, v4, vm1, $0xb8;
	[tilespmem:$0x14080] =	vst v63  }
0x9a: {  	_ = 	snop  }
0x9b: {  	[tilespmem:s14], [sflag:$0x1] =	stream.indirect_vreg.gather [hbm4b:s3+s2], $0x80, v3, vm0, $0xb8;
	[tilespmem:$0x14080] =	vst v63  }
0x9c: {  	_ = 	snop  }
0x9d: {  	[tilespmem:s15], [sflag:$0x1] =	stream.indirect_vreg.gather [hbm4b:s4+s2], $0x80, v3, vm0, $0xb8;
	[tilespmem:$0x14080] =	vst v63  }
0x9e: {  	_ = 	snop  }
0x9f: {  	[tilespmem:s16], [sflag:$0x1] =	stream.indirect_vreg.gather [hbm4b:s5+s2], $0x80, v3, vm1, $0xb8;
	[tilespmem:$0x14080] =	vst v63  }
0xa0: {  	v3 =	vld [tilespmem:$0x60];
	_ =	sdelay $0x4  }
0xa1: {  	v62 =	vshrl.u32 v3, $0x3  }
0xa2: {  	v4 =	vmul.u32 $0x28, v62  }
0xa3: {  	v3 =	vand.u32 $0x7, v3  }
0xa4: {  	v3 =	vor.u32 v3, v4  }
0xa5: {  	v4 =	vperm.xlane v3, v0;
	_ =	sdelay $0x1  }
0xa6: {  	v4 =	vadd.s32 v1, v4;
	_ =	sdelay $0x3  }
0xa7: {  	v3 =	vperm.xlane v3, v2  }
0xa8: {  	[tilespmem:s17], [sflag:$0x1] =	stream.indirect_vreg.gather [hbm4b:s3+s2], $0x80, v4, vm0, $0xb8;
	[tilespmem:$0x14080] =	vst v63  }
0xa9: {  	v3 =	vadd.s32 v1, v3  }
0xaa: {  	[tilespmem:s18], [sflag:$0x1] =	stream.indirect_vreg.gather [hbm4b:s4+s2], $0x80, v4, vm0, $0xb8;
	[tilespmem:$0x14080] =	vst v63  }
0xab: {  	_ = 	snop  }
0xac: {  	[tilespmem:s19], [sflag:$0x1] =	stream.indirect_vreg.gather [hbm4b:s5+s2], $0x80, v4, vm1, $0xb8;
	[tilespmem:$0x14080] =	vst v63  }
0xad: {  	_ = 	snop  }
0xae: {  	[tilespmem:s20], [sflag:$0x1] =	stream.indirect_vreg.gather [hbm4b:s3+s2], $0x80, v3, vm0, $0xb8;
	[tilespmem:$0x14080] =	vst v63  }
0xaf: {  	_ = 	snop  }
0xb0: {  	[tilespmem:s21], [sflag:$0x1] =	stream.indirect_vreg.gather [hbm4b:s4+s2], $0x80, v3, vm0, $0xb8;
	[tilespmem:$0x14080] =	vst v63  }
0xb1: {  	_ = 	snop  }
0xb2: {  	[tilespmem:s22], [sflag:$0x1] =	stream.indirect_vreg.gather [hbm4b:s5+s2], $0x80, v3, vm1, $0xb8;
	[tilespmem:$0x14080] =	vst v63  }
0xb3: {  	v3 =	vld [tilespmem:$0x70];
	_ =	sdelay $0x4  }
0xb4: {  	v63 =	vshrl.u32 v3, $0x3  }
0xb5: {  	v4 =	vmul.u32 $0x28, v63  }
0xb6: {  	v3 =	vand.u32 $0x7, v3  }
0xb7: {  	v3 =	vor.u32 v3, v4  }
0xb8: {  	v4 =	vperm.xlane v3, v0;
	_ =	sdelay $0x1  }
0xb9: {  	v4 =	vadd.s32 v1, v4;
	_ =	sdelay $0x3  }
0xba: {  	v3 =	vperm.xlane v3, v2  }
0xbb: {  	[tilespmem:s23], [sflag:$0x1] =	stream.indirect_vreg.gather [hbm4b:s3+s2], $0x80, v4, vm0, $0xb8;
	[tilespmem:$0x14080] =	vst v63  }
0xbc: {  	v3 =	vadd.s32 v1, v3  }
0xbd: {  	[tilespmem:s24], [sflag:$0x1] =	stream.indirect_vreg.gather [hbm4b:s4+s2], $0x80, v4, vm0, $0xb8;
	[tilespmem:$0x14080] =	vst v63  }
0xbe: {  	_ = 	snop  }
0xbf: {  	[tilespmem:s25], [sflag:$0x1] =	stream.indirect_vreg.gather [hbm4b:s5+s2], $0x80, v4, vm1, $0xb8;
	[tilespmem:$0x14080] =	vst v63  }
0xc0: {  	_ = 	snop  }
0xc1: {  	[tilespmem:s26], [sflag:$0x1] =	stream.indirect_vreg.gather [hbm4b:s3+s2], $0x80, v3, vm0, $0xb8;
	[tilespmem:$0x14080] =	vst v63  }
0xc2: {  	_ = 	snop  }
0xc3: {  	[tilespmem:s28], [sflag:$0x1] =	stream.indirect_vreg.gather [hbm4b:s4+s2], $0x80, v3, vm0, $0xb8;
	[tilespmem:$0x14080] =	vst v63  }
0xc4: {  	_ = 	snop  }
0xc5: {  	[tilespmem:s29], [sflag:$0x1] =	stream.indirect_vreg.gather [hbm4b:s5+s2], $0x80, v3, vm1, $0xb8;
	[tilespmem:$0x14080] =	vst v63  }
0xc6: {  	_ =	swait.ge [sflag:s30], $0x14000  }
0xc7: {  	p0 =	sne.s32 s1, $0x1F0;
	[sflag:s30] =	ssyncset.done $0x0  }
.Ltmp0:
0xc8: {  	[sflag:s30] =	ssyncadd.s32 $0xFFFEC000;
	(pc) =	sbr.rel @p0 .LBB2_2-.Ltmp0, $4  }
0xc9: {  	[hbm4b:s7+s2] =	stream.linear.scatter [tilespmem:s9], [sflag:$0x2], $0x14000, $0x38;
	[tilespmem:$0x14080] =	vst v63  }
0xca: {  	_ =	swait.ge [sflag:s8], $0x14000  }
0xcb: {  	[sflag:s8] =	ssyncset.done $0x0  }
0xcc: {  	s1 =	sadd.s32 $0x10, s1;
	s7 =	sadd.s32 $0x2800, s7;
	[sflag:s8] =	ssyncadd.s32 $0xFFFEC000  }
0xcd: {  	s31 =	sadd.s32 $0x1, s31;
	s0 =	rddreg [dreg:$0x1f]  }
0xce: {  	p0 =	sne.s32 s31, s0  }
.Ltmp1:
0xcf: {  	_ = 	snop;
	(pc) =	sbr.rel @p0 .LBB2_1-.Ltmp1, $1  }
0xd0: {  	_ =	sdelay $0x3  }
0xd1: {  	_ =	sfence.sel $0x180000  }
0xd2: {  	[bflag:$0x0] =	sbarrier.arrive $0xFFFF  }
0xd3: {  	_ =	strace $0x90000047  }
0xd4: {  	s0 =	stileid.u32;
	[bflag:$0x2] =	sbarrier.arrive $0xFFFF  }
0xd5: {  	p0 =	sne.s32 s0, $0x0;
	s0 =	rddreg [dreg:$0x1]  }
0xd6: {  	s0 =	sadd.s32 @!p0 $0x100000, s0  }
0xd7: {  	[sflag:s0] =	ssyncadd.tile.s32 @!p0 $0x1;
	_ =	shalt  }
.Lfunc_end2:
_tile_overlayer_lowered:
.L_overlay_start_2:
0xd8: {  	(tag) =	ssettag $0x2  }
0xd9: {  	s0 =	rddreg [dreg:$0x0];
	s2 =	stileid.u32  }
0xda: {  	s1 =	rddreg [dreg:$0x1];
	p0 =	sne.s32 s2, $0x0  }
0xdb: {  	s3 =	rddreg [dreg:$0x2];
	[bflag:$0x3] =	sbarrier.arrive $0xFFFF;
	s2 =	simm.s32 @!p0 $0x1C02  }
0xdc: {  	[timem:s3], [sflag:s2] =	dma.local @!p0 [hbm:s0], s1  }
0xdd: {  	s0 =	simm.s32 @!p0 $0x2  }
0xde: {  	_ =	swait.ge @!p0 [sflag:s0], s1  }
0xdf: {  	s1 =	ssub.s32 @!p0 $0x0, s1;
	[sflag:s0] =	ssyncset.done @!p0 $0x0  }
0xe0: {  	[sflag:s0] =	ssyncadd.s32 @!p0 s1  }
0xe1: {  	[bflag:$0x3] =	sbarrier.arrive $0xFFFF  }
0xe2: {  	_ =	shalt  }

</sc_bundles>
